<compile_context>
chip_gen: v7x
topology: tpu7x:2x2x1
jax: 0.10.2.dev20260603
libtpu: 0.0.44.dev20260713+nightly
codegen_flags: <defaults>
</compile_context>

<pallas_src>
import functools

import jax
import jax.numpy as jnp
from jax import lax
from jax.experimental import pallas as pl
from jax.experimental.pallas import tpu as pltpu
from jax.experimental.pallas import tpu_sc as plsc

N_NODES = 10000
D = 128
N_EDGES = 320000

NC = 2
NS = 16
NW = NC * NS
E_W = N_EDGES // NW
CHUNK = 80
E_PAD = 10240
NCH = E_PAD // CHUNK
N_PAD = 10240
ROWS_T = N_PAD // NS

_sc_mesh = plsc.VectorSubcoreMesh(core_axis_name="c", subcore_axis_name="s")


@functools.partial(
    pl.kernel,
    out_type=jax.ShapeDtypeStruct((NC, N_PAD, D), jnp.float32),
    mesh=_sc_mesh,
    scratch_types=[
        pltpu.VMEM((4, 2, CHUNK), jnp.int32),
        pltpu.VMEM((4, CHUNK, D), jnp.float32),
        pltpu.VMEM_SHARED((N_PAD, D), jnp.float32),
        pltpu.SemaphoreType.DMA,
        pltpu.SemaphoreType.DMA,
        pltpu.SemaphoreType.DMA,
        pltpu.SemaphoreType.DMA,
        pltpu.SemaphoreType.DMA,
        pltpu.SemaphoreType.DMA,
        pltpu.SemaphoreType.DMA,
        pltpu.SemaphoreType.DMA,
    ],
)
def _sc_segment_sum(x_hbm, idx_hbm, out_hbm,
                    idx_v, rows_v, agg_sh,
                    sr0, sr1, sr2, sr3, si0, si1, si2, si3):
    cid = lax.axis_index("c")
    sid = lax.axis_index("s")
    sem_r = (sr0, sr1, sr2, sr3)
    sem_i = (si0, si1, si2, si3)

    zvec = jnp.zeros((16,), jnp.float32)

    def zstore(i, carry):
        rows_v[0, i // 8, pl.ds((i % 8) * 16, 16)] = zvec
        return carry

    lax.fori_loop(0, CHUNK * 8, zstore, 0, unroll=False)
    for r in range(ROWS_T // CHUNK):
        pltpu.sync_copy(rows_v.at[0],
                        agg_sh.at[pl.ds(sid * ROWS_T + r * CHUNK, CHUNK)])

    for q in range(4):
        pltpu.async_copy(idx_hbm.at[cid, sid, q], idx_v.at[q], sem_i[q])
    for b in range(3):
        pltpu.make_async_copy(idx_hbm.at[cid, sid, b], idx_v.at[b],
                              sem_i[b]).wait()
        pltpu.async_copy(x_hbm.at[idx_v.at[b, 0]], rows_v.at[b], sem_r[b])

    plsc.subcore_barrier()

    def chunk_step(c, q):
        pltpu.make_async_copy(x_hbm.at[idx_v.at[q, 0]], rows_v.at[q],
                              sem_r[q]).wait()

        pltpu.sync_copy(rows_v.at[q], agg_sh.at[idx_v.at[q, 1]], add=True)

        @pl.when(c + 4 < NCH)
        def _():
            pltpu.async_copy(idx_hbm.at[cid, sid, c + 4], idx_v.at[q],
                             sem_i[q])

        @pl.when(c + 3 < NCH)
        def _():
            q3 = (q + 3) % 4
            pltpu.make_async_copy(idx_hbm.at[cid, sid, c + 3], idx_v.at[q3],
                                  sem_i[q3]).wait()
            pltpu.async_copy(x_hbm.at[idx_v.at[q3, 0]], rows_v.at[q3],
                             sem_r[q3])

    def body(i, carry):
        g = 4 * i
        for q in range(4):
            chunk_step(g + q, q)
        return carry

    lax.fori_loop(0, NCH // 4, body, 0, unroll=False)

    plsc.subcore_barrier()

    pltpu.sync_copy(agg_sh.at[pl.ds(sid * ROWS_T, ROWS_T)],
                    out_hbm.at[cid, pl.ds(sid * ROWS_T, ROWS_T)])


BLK = 2000


def _dense1_body(agg_ref, x_ref, wrel_ref, b_ref, wroot_ref, out_ref):
    a = agg_ref[0] + agg_ref[1]
    h = (jnp.dot(a, wrel_ref[...], preferred_element_type=jnp.float32)
         + jnp.dot(x_ref[...], wroot_ref[...], preferred_element_type=jnp.float32)
         + b_ref[...])
    out_ref[...] = jnp.maximum(h, 0.0)


def _dense2_body(agg_ref, h_ref, wrel_ref, b_ref, wroot_ref, wout_ref,
                 bout_ref, out_ref):
    a = agg_ref[0] + agg_ref[1]
    h2 = (jnp.dot(a, wrel_ref[...], preferred_element_type=jnp.float32)
          + jnp.dot(h_ref[...], wroot_ref[...], preferred_element_type=jnp.float32)
          + b_ref[...])
    h2 = jnp.maximum(h2, 0.0)
    out_ref[...] = (jnp.sum(h2 * wout_ref[...], axis=1, keepdims=True)
                    + bout_ref[0, 0])


def _dense1(agg_pair, x, wrel_t, b, wroot_t):
    grid = (N_NODES // BLK,)
    return pl.pallas_call(
        _dense1_body,
        grid=grid,
        in_specs=[
            pl.BlockSpec((NC, BLK, D), lambda i: (0, i, 0)),
            pl.BlockSpec((BLK, D), lambda i: (i, 0)),
            pl.BlockSpec((D, D), lambda i: (0, 0)),
            pl.BlockSpec((1, D), lambda i: (0, 0)),
            pl.BlockSpec((D, D), lambda i: (0, 0)),
        ],
        out_specs=pl.BlockSpec((BLK, D), lambda i: (i, 0)),
        out_shape=jax.ShapeDtypeStruct((N_NODES, D), jnp.float32),
    )(agg_pair, x, wrel_t, b, wroot_t)


def _dense2(agg_pair, h, wrel_t, b, wroot_t, wout, bout):
    grid = (N_NODES // BLK,)
    return pl.pallas_call(
        _dense2_body,
        grid=grid,
        in_specs=[
            pl.BlockSpec((NC, BLK, D), lambda i: (0, i, 0)),
            pl.BlockSpec((BLK, D), lambda i: (i, 0)),
            pl.BlockSpec((D, D), lambda i: (0, 0)),
            pl.BlockSpec((1, D), lambda i: (0, 0)),
            pl.BlockSpec((D, D), lambda i: (0, 0)),
            pl.BlockSpec((1, D), lambda i: (0, 0)),
            pl.BlockSpec((1, 1), lambda i: (0, 0)),
        ],
        out_specs=pl.BlockSpec((BLK, 1), lambda i: (i, 0)),
        out_shape=jax.ShapeDtypeStruct((N_NODES, 1), jnp.float32),
    )(agg_pair, h, wrel_t, b, wroot_t, wout, bout)


def kernel(x, edge_index, W_rel1, b_rel1, W_root1, W_rel2, b_rel2, W_root2,
           W_out, b_out):
    ei = edge_index.astype(jnp.int32)
    k = jnp.arange(E_PAD - E_W, dtype=jnp.int32)[None, :]
    w = jnp.arange(NW, dtype=jnp.int32)[:, None]
    pad_src = (w * 977 + k * 41) % N_NODES
    pad_dst = N_NODES + (w + k) % (N_PAD - N_NODES)
    src = jnp.concatenate([ei[0].reshape(NW, E_W), pad_src], axis=1)
    dst = jnp.concatenate([ei[1].reshape(NW, E_W), pad_dst], axis=1)
    src = src.reshape(NC, NS, NCH, 1, CHUNK)
    dst = dst.reshape(NC, NS, NCH, 1, CHUNK)
    idx = jnp.concatenate([src, dst], axis=3)

    agg1 = _sc_segment_sum(x, idx)
    h1 = _dense1(agg1, x, W_rel1.T, b_rel1.reshape(1, D), W_root1.T)
    agg2 = _sc_segment_sum(h1, idx)
    out = _dense2(agg2, h1, W_rel2.T, b_rel2.reshape(1, D), W_root2.T,
                  W_out, b_out.reshape(1, 1))
    return out

# --- scband reference (transcript-rebuilt; emitter-appended) ---
"""Pipeline reference for scband-gcn-31954556683004 (READ-ONLY COPY).

The authoritative reference and input builder live on the scoring server;
editing this copy changes nothing except your own understanding.
"""

import jax, jax.numpy as jnp
import numpy as np

N_NODES = 10000
N_EDGES = 320000
D_FEAT = 128
D_HID = 128


def setup_inputs(seed: int = 0) -> dict:
    key = jax.random.key(seed)
    ks = jax.random.split(key, 12)
    x = jax.random.normal(ks[0], (N_NODES, D_FEAT), dtype=jnp.float32)
    edge_index = jax.random.randint(ks[1], (2, N_EDGES), 0, N_NODES, dtype=jnp.int64)
    s1 = 1.0 / np.sqrt(D_FEAT)
    s2 = 1.0 / np.sqrt(D_HID)
    W_rel1 = jax.random.normal(ks[2], (D_HID, D_FEAT), dtype=jnp.float32) * s1
    b_rel1 = jnp.zeros((D_HID,), dtype=jnp.float32)
    W_root1 = jax.random.normal(ks[3], (D_HID, D_FEAT), dtype=jnp.float32) * s1
    W_rel2 = jax.random.normal(ks[4], (D_HID, D_HID), dtype=jnp.float32) * s2
    b_rel2 = jnp.zeros((D_HID,), dtype=jnp.float32)
    W_root2 = jax.random.normal(ks[5], (D_HID, D_HID), dtype=jnp.float32) * s2
    W_out = jax.random.normal(ks[6], (1, D_HID), dtype=jnp.float32) * s2
    b_out = jnp.zeros((1,), dtype=jnp.float32)
    return {"x": x, "edge_index": edge_index,
            "W_rel1": W_rel1, "b_rel1": b_rel1, "W_root1": W_root1,
            "W_rel2": W_rel2, "b_rel2": b_rel2, "W_root2": W_root2,
            "W_out": W_out, "b_out": b_out}


def _graph_conv(x, src, dst, W_rel, b_rel, W_root):
    # PyG GraphConv: out = lin_rel(sum_{j in N(i)} x_j) + lin_root(x_i)
    agg = jax.ops.segment_sum(jnp.take(x, src, axis=0), dst, num_segments=x.shape[0])
    return agg @ W_rel.T + b_rel + x @ W_root.T


def reference(x, edge_index, W_rel1, b_rel1, W_root1, W_rel2, b_rel2, W_root2, W_out, b_out):
    src = edge_index[0]
    dst = edge_index[1]
    h = _graph_conv(x, src, dst, W_rel1, b_rel1, W_root1)
    h = jax.nn.relu(h)
    h = _graph_conv(h, src, dst, W_rel2, b_rel2, W_root2)
    h = jax.nn.relu(h)
    out = h @ W_out.T + b_out
    return out

if __name__ == "__main__":
    import jax
    _d = setup_inputs()
    print(jax.jit(kernel)(*tuple(_d.values())))

</pallas_src>

<mosaic_0001>
#map = affine_map<(d0, d1) -> (0, 0)>
#map1 = affine_map<(d0, d1) -> (0, 0, 0, 0, 0)>
#map2 = affine_map<(d0, d1) -> (0, 0, 0)>
module attributes {stable_mosaic.version = 14 : i64} {
  func.func @_sc_segment_sum(%arg0: i32, %arg1: i32, %arg2: memref<10000x128xf32, #tpu.memory_space<hbm>>, %arg3: memref<2x16x128x2x80xi32, #tpu.memory_space<hbm>>, %arg4: memref<2x10240x128xf32, #tpu.memory_space<hbm>>, %arg5: memref<4x2x80xi32, #tpu.memory_space<vmem>>, %arg6: memref<4x80x128xf32, #tpu.memory_space<vmem>>, %arg7: memref<10240x128xf32, #tpu.memory_space<vmem_shared>>, %arg8: memref<!tpu.dma_semaphore, #tpu.memory_space<semaphore_mem>>, %arg9: memref<!tpu.dma_semaphore, #tpu.memory_space<semaphore_mem>>, %arg10: memref<!tpu.dma_semaphore, #tpu.memory_space<semaphore_mem>>, %arg11: memref<!tpu.dma_semaphore, #tpu.memory_space<semaphore_mem>>, %arg12: memref<!tpu.dma_semaphore, #tpu.memory_space<semaphore_mem>>, %arg13: memref<!tpu.dma_semaphore, #tpu.memory_space<semaphore_mem>>, %arg14: memref<!tpu.dma_semaphore, #tpu.memory_space<semaphore_mem>>, %arg15: memref<!tpu.dma_semaphore, #tpu.memory_space<semaphore_mem>>) attributes {dimension_semantics = [#tpu.dimension_semantics<core_parallel>, #tpu.dimension_semantics<subcore_parallel>], iteration_bounds = array<i64: 2, 16>, scalar_prefetch = 0 : i64, scratch_operands = 11 : i64, tpu.core_type = #tpu.core_type<sc_vector_subcore>, window_params = [{transform_indices = #map}, {transform_indices = #map1}, {transform_indices = #map2}]} {
    %broadcast_in_dim3A = arith.constant 0.000000e+00 : f32
    %broadcast_in_dim3A_0 = vector.broadcast %broadcast_in_dim3A : f32 to vector<16xf32>
    %scan3A = arith.constant 0 : i32
    %scan3A_1 = arith.constant 0 : i32
    %scan3A_2 = arith.constant 640 : i32
    %scan3A_3 = arith.addi %scan3A_1, %scan3A_2 : i32
    %scan3A_4 = arith.constant 1 : i32
    scf.for %scan3A_217 = %scan3A_1 to %scan3A_3 step %scan3A_4  : i32 {
      %jit3A = arith.constant 8 : i32
      %div3A = arith.divsi %scan3A_217, %jit3A : i32
      %sign3A = arith.constant 0 : i32
      %sign3A_218 = arith.cmpi sgt, %scan3A_217, %sign3A : i32
      %sign3A_219 = arith.extui %sign3A_218 : i1 to i32
      %sign3A_220 = arith.constant 0 : i32
      %sign3A_221 = arith.cmpi slt, %scan3A_217, %sign3A_220 : i32
      %sign3A_222 = arith.extui %sign3A_221 : i1 to i32
      %sign3A_223 = arith.subi %sign3A_219, %sign3A_222 : i32
      %sign3A_224 = arith.constant 0 : i32
      %sign3A_225 = arith.cmpi sgt, %jit3A, %sign3A_224 : i32
      %sign3A_226 = arith.extui %sign3A_225 : i1 to i32
      %sign3A_227 = arith.constant 0 : i32
      %sign3A_228 = arith.cmpi slt, %jit3A, %sign3A_227 : i32
      %sign3A_229 = arith.extui %sign3A_228 : i1 to i32
      %sign3A_230 = arith.subi %sign3A_226, %sign3A_229 : i32
      %ne3A = arith.cmpi ne, %sign3A_223, %sign3A_230 : i32
      %rem3A = arith.remsi %scan3A_217, %jit3A : i32
      %ne3A_231 = arith.constant 0 : i32
      %ne3A_232 = arith.cmpi ne, %rem3A, %ne3A_231 : i32
      %and3A = arith.andi %ne3A, %ne3A_232 : i1
      %sub3A = arith.constant 1 : i32
      %sub3A_233 = arith.subi %div3A, %sub3A : i32
      %select_n3A = arith.select %and3A, %sub3A_233, %div3A : i32
      %jit3A_234 = arith.constant 8 : i32
      %eq3A = arith.constant 0 : i32
      %eq3A_235 = arith.cmpi eq, %jit3A_234, %eq3A : i32
      %jit3A_236 = arith.constant 1 : i32
      %select_n3A_237 = arith.select %eq3A_235, %jit3A_236, %jit3A_234 : i32
      %rem3A_238 = arith.remsi %scan3A_217, %select_n3A_237 : i32
      %ne3A_239 = arith.constant 0 : i32
      %ne3A_240 = arith.cmpi ne, %rem3A_238, %ne3A_239 : i32
      %lt3A = arith.constant 0 : i32
      %lt3A_241 = arith.cmpi slt, %rem3A_238, %lt3A : i32
      %lt3A_242 = arith.constant 0 : i32
      %lt3A_243 = arith.cmpi slt, %select_n3A_237, %lt3A_242 : i32
      %ne3A_244 = arith.xori %lt3A_241, %lt3A_243 : i1
      %and3A_245 = arith.andi %ne3A_244, %ne3A_240 : i1
      %add3A_246 = arith.addi %rem3A_238, %select_n3A_237 : i32
      %select_n3A_247 = arith.select %and3A_245, %add3A_246, %rem3A_238 : i32
      %mul3A_248 = arith.constant 16 : i32
      %mul3A_249 = arith.muli %select_n3A_247, %mul3A_248 : i32
      %swap3A = arith.constant 0 : i32
      %swap3A_250 = arith.index_cast %swap3A : i32 to index
      %swap3A_251 = arith.index_cast %select_n3A : i32 to index
      %swap3A_252 = arith.index_cast %mul3A_249 : i32 to index
      %swap3A_253 = tpu.vector_load %arg6[%swap3A_250, %swap3A_251, %swap3A_252] {strides = array<i32>} : memref<4x80x128xf32, #tpu.memory_space<vmem>>, vector<1x1x16xf32>,
      %swap3A_254 = vector.shape_cast %swap3A_253 : vector<1x1x16xf32> to vector<16xf32>
      %swap3A_255 = vector.shape_cast %broadcast_in_dim3A_0 : vector<16xf32> to vector<1x1x16xf32>
      tpu.vector_store %arg6[%swap3A_250, %swap3A_251, %swap3A_252], %swap3A_255 {strides = array<i32>} : memref<4x80x128xf32, #tpu.memory_space<vmem>>, vector<1x1x16xf32>,
    }
    %scan3A_5 = arith.constant 640 : i32
    %mul3A = arith.constant 640 : i32
    %mul3A_6 = arith.muli %arg1, %mul3A : i32
    %add3A = arith.constant 0 : i32
    %add3A_7 = arith.addi %mul3A_6, %add3A : i32
    %run_scoped3A = arith.constant 0 : i32
    "tpu.region"() ({
      %run_scoped3A_217 = tpu.sem_alloc : memref<!tpu.dma_semaphore, #tpu.memory_space<semaphore_mem>>
      %dma_start3A_218 = arith.constant 0 : i32
      %dma_start3A_219 = arith.constant 0 : i32
      %dma_start3A_220 = tpu.memref_slice %arg6[%run_scoped3A, %dma_start3A_218, %dma_start3A_219] : memref<4x80x128xf32, #tpu.memory_space<vmem>> -> memref<1x80x128xf32, #tpu.memory_space<vmem>>
      %dma_start3A_221 = tpu.memref_squeeze %dma_start3A_220 : memref<1x80x128xf32, #tpu.memory_space<vmem>> -> memref<80x128xf32, #tpu.memory_space<vmem>>
      %dma_start3A_222 = arith.constant 0 : i32
      %dma_start3A_223 = tpu.memref_slice %arg7[%add3A_7, %dma_start3A_222] : memref<10240x128xf32, #tpu.memory_space<vmem_shared>> -> memref<80x128xf32, #tpu.memory_space<vmem_shared>>
      %dma_start3A_224 = arith.constant 0 : i32
      %dma_start3A_225 = tpu.memref_slice %arg7[%add3A_7, %dma_start3A_224] : memref<10240x128xf32, #tpu.memory_space<vmem_shared>> -> memref<80x128xf32, #tpu.memory_space<vmem_shared>>
      %dma_start3A_226 = arith.constant 0 : i32
      %dma_start3A_227 = arith.constant 0 : i32
      %dma_start3A_228 = tpu.memref_slice %arg6[%run_scoped3A, %dma_start3A_226, %dma_start3A_227] : memref<4x80x128xf32, #tpu.memory_space<vmem>> -> memref<1x80x128xf32, #tpu.memory_space<vmem>>
      %dma_start3A_229 = tpu.memref_squeeze %dma_start3A_228 : memref<1x80x128xf32, #tpu.memory_space<vmem>> -> memref<80x128xf32, #tpu.memory_space<vmem>>
      tpu.enqueue_dma source(%dma_start3A_229 : memref<80x128xf32, #tpu.memory_space<vmem>>) target(%dma_start3A_225 : memref<80x128xf32, #tpu.memory_space<vmem_shared>>) target_semaphore(%run_scoped3A_217 : memref<!tpu.dma_semaphore, #tpu.memory_space<semaphore_mem>>)
      %dma_wait3A_230 = arith.constant 0 : i32
      %dma_wait3A_231 = arith.constant 0 : i32
      %dma_wait3A_232 = tpu.memref_slice %arg6[%run_scoped3A, %dma_wait3A_230, %dma_wait3A_231] : memref<4x80x128xf32, #tpu.memory_space<vmem>> -> memref<1x80x128xf32, #tpu.memory_space<vmem>>
      %dma_wait3A_233 = tpu.memref_squeeze %dma_wait3A_232 : memref<1x80x128xf32, #tpu.memory_space<vmem>> -> memref<80x128xf32, #tpu.memory_space<vmem>>
      %dma_wait3A_234 = arith.constant 0 : i32
      %dma_wait3A_235 = tpu.memref_slice %arg7[%add3A_7, %dma_wait3A_234] : memref<10240x128xf32, #tpu.memory_space<vmem_shared>> -> memref<80x128xf32, #tpu.memory_space<vmem_shared>>
      %dma_wait3A_236 = arith.constant 0 : i32
      %dma_wait3A_237 = tpu.memref_slice %arg7[%add3A_7, %dma_wait3A_236] : memref<10240x128xf32, #tpu.memory_space<vmem_shared>> -> memref<80x128xf32, #tpu.memory_space<vmem_shared>>
      %dma_wait3A_238 = arith.constant 0 : i32
      %dma_wait3A_239 = arith.constant 0 : i32
      %dma_wait3A_240 = tpu.memref_slice %arg6[%run_scoped3A, %dma_wait3A_238, %dma_wait3A_239] : memref<4x80x128xf32, #tpu.memory_space<vmem>> -> memref<1x80x128xf32, #tpu.memory_space<vmem>>
      %dma_wait3A_241 = tpu.memref_squeeze %dma_wait3A_240 : memref<1x80x128xf32, #tpu.memory_space<vmem>> -> memref<80x128xf32, #tpu.memory_space<vmem>>
      tpu.wait_dma2 semaphore(%run_scoped3A_217 : memref<!tpu.dma_semaphore, #tpu.memory_space<semaphore_mem>>) src(%dma_wait3A_241 : memref<80x128xf32, #tpu.memory_space<vmem>>) dst(%dma_wait3A_237 : memref<80x128xf32, #tpu.memory_space<vmem_shared>>)
      tpu.yield
    }) : () -> ()
    %mul3A_8 = arith.constant 640 : i32
    %mul3A_9 = arith.muli %arg1, %mul3A_8 : i32
    %add3A_10 = arith.constant 80 : i32
    %add3A_11 = arith.addi %mul3A_9, %add3A_10 : i32
    %run_scoped3A_12 = arith.constant 0 : i32
    "tpu.region"() ({
      %run_scoped3A_217 = tpu.sem_alloc : memref<!tpu.dma_semaphore, #tpu.memory_space<semaphore_mem>>
      %dma_start3A_218 = arith.constant 0 : i32
      %dma_start3A_219 = arith.constant 0 : i32
      %dma_start3A_220 = tpu.memref_slice %arg6[%run_scoped3A_12, %dma_start3A_218, %dma_start3A_219] : memref<4x80x128xf32, #tpu.memory_space<vmem>> -> memref<1x80x128xf32, #tpu.memory_space<vmem>>
      %dma_start3A_221 = tpu.memref_squeeze %dma_start3A_220 : memref<1x80x128xf32, #tpu.memory_space<vmem>> -> memref<80x128xf32, #tpu.memory_space<vmem>>
      %dma_start3A_222 = arith.constant 0 : i32
      %dma_start3A_223 = tpu.memref_slice %arg7[%add3A_11, %dma_start3A_222] : memref<10240x128xf32, #tpu.memory_space<vmem_shared>> -> memref<80x128xf32, #tpu.memory_space<vmem_shared>>
      %dma_start3A_224 = arith.constant 0 : i32
      %dma_start3A_225 = tpu.memref_slice %arg7[%add3A_11, %dma_start3A_224] : memref<10240x128xf32, #tpu.memory_space<vmem_shared>> -> memref<80x128xf32, #tpu.memory_space<vmem_shared>>
      %dma_start3A_226 = arith.constant 0 : i32
      %dma_start3A_227 = arith.constant 0 : i32
      %dma_start3A_228 = tpu.memref_slice %arg6[%run_scoped3A_12, %dma_start3A_226, %dma_start3A_227] : memref<4x80x128xf32, #tpu.memory_space<vmem>> -> memref<1x80x128xf32, #tpu.memory_space<vmem>>
      %dma_start3A_229 = tpu.memref_squeeze %dma_start3A_228 : memref<1x80x128xf32, #tpu.memory_space<vmem>> -> memref<80x128xf32, #tpu.memory_space<vmem>>
      tpu.enqueue_dma source(%dma_start3A_229 : memref<80x128xf32, #tpu.memory_space<vmem>>) target(%dma_start3A_225 : memref<80x128xf32, #tpu.memory_space<vmem_shared>>) target_semaphore(%run_scoped3A_217 : memref<!tpu.dma_semaphore, #tpu.memory_space<semaphore_mem>>)
      %dma_wait3A_230 = arith.constant 0 : i32
      %dma_wait3A_231 = arith.constant 0 : i32
      %dma_wait3A_232 = tpu.memref_slice %arg6[%run_scoped3A_12, %dma_wait3A_230, %dma_wait3A_231] : memref<4x80x128xf32, #tpu.memory_space<vmem>> -> memref<1x80x128xf32, #tpu.memory_space<vmem>>
      %dma_wait3A_233 = tpu.memref_squeeze %dma_wait3A_232 : memref<1x80x128xf32, #tpu.memory_space<vmem>> -> memref<80x128xf32, #tpu.memory_space<vmem>>
      %dma_wait3A_234 = arith.constant 0 : i32
      %dma_wait3A_235 = tpu.memref_slice %arg7[%add3A_11, %dma_wait3A_234] : memref<10240x128xf32, #tpu.memory_space<vmem_shared>> -> memref<80x128xf32, #tpu.memory_space<vmem_shared>>
      %dma_wait3A_236 = arith.constant 0 : i32
      %dma_wait3A_237 = tpu.memref_slice %arg7[%add3A_11, %dma_wait3A_236] : memref<10240x128xf32, #tpu.memory_space<vmem_shared>> -> memref<80x128xf32, #tpu.memory_space<vmem_shared>>
      %dma_wait3A_238 = arith.constant 0 : i32
      %dma_wait3A_239 = arith.constant 0 : i32
      %dma_wait3A_240 = tpu.memref_slice %arg6[%run_scoped3A_12, %dma_wait3A_238, %dma_wait3A_239] : memref<4x80x128xf32, #tpu.memory_space<vmem>> -> memref<1x80x128xf32, #tpu.memory_space<vmem>>
      %dma_wait3A_241 = tpu.memref_squeeze %dma_wait3A_240 : memref<1x80x128xf32, #tpu.memory_space<vmem>> -> memref<80x128xf32, #tpu.memory_space<vmem>>
      tpu.wait_dma2 semaphore(%run_scoped3A_217 : memref<!tpu.dma_semaphore, #tpu.memory_space<semaphore_mem>>) src(%dma_wait3A_241 : memref<80x128xf32, #tpu.memory_space<vmem>>) dst(%dma_wait3A_237 : memref<80x128xf32, #tpu.memory_space<vmem_shared>>)
      tpu.yield
    }) : () -> ()
    %mul3A_13 = arith.constant 640 : i32
    %mul3A_14 = arith.muli %arg1, %mul3A_13 : i32
    %add3A_15 = arith.constant 160 : i32
    %add3A_16 = arith.addi %mul3A_14, %add3A_15 : i32
    %run_scoped3A_17 = arith.constant 0 : i32
    "tpu.region"() ({
      %run_scoped3A_217 = tpu.sem_alloc : memref<!tpu.dma_semaphore, #tpu.memory_space<semaphore_mem>>
      %dma_start3A_218 = arith.constant 0 : i32
      %dma_start3A_219 = arith.constant 0 : i32
      %dma_start3A_220 = tpu.memref_slice %arg6[%run_scoped3A_17, %dma_start3A_218, %dma_start3A_219] : memref<4x80x128xf32, #tpu.memory_space<vmem>> -> memref<1x80x128xf32, #tpu.memory_space<vmem>>
      %dma_start3A_221 = tpu.memref_squeeze %dma_start3A_220 : memref<1x80x128xf32, #tpu.memory_space<vmem>> -> memref<80x128xf32, #tpu.memory_space<vmem>>
      %dma_start3A_222 = arith.constant 0 : i32
      %dma_start3A_223 = tpu.memref_slice %arg7[%add3A_16, %dma_start3A_222] : memref<10240x128xf32, #tpu.memory_space<vmem_shared>> -> memref<80x128xf32, #tpu.memory_space<vmem_shared>>
      %dma_start3A_224 = arith.constant 0 : i32
      %dma_start3A_225 = tpu.memref_slice %arg7[%add3A_16, %dma_start3A_224] : memref<10240x128xf32, #tpu.memory_space<vmem_shared>> -> memref<80x128xf32, #tpu.memory_space<vmem_shared>>
      %dma_start3A_226 = arith.constant 0 : i32
      %dma_start3A_227 = arith.constant 0 : i32
      %dma_start3A_228 = tpu.memref_slice %arg6[%run_scoped3A_17, %dma_start3A_226, %dma_start3A_227] : memref<4x80x128xf32, #tpu.memory_space<vmem>> -> memref<1x80x128xf32, #tpu.memory_space<vmem>>
      %dma_start3A_229 = tpu.memref_squeeze %dma_start3A_228 : memref<1x80x128xf32, #tpu.memory_space<vmem>> -> memref<80x128xf32, #tpu.memory_space<vmem>>
      tpu.enqueue_dma source(%dma_start3A_229 : memref<80x128xf32, #tpu.memory_space<vmem>>) target(%dma_start3A_225 : memref<80x128xf32, #tpu.memory_space<vmem_shared>>) target_semaphore(%run_scoped3A_217 : memref<!tpu.dma_semaphore, #tpu.memory_space<semaphore_mem>>)
      %dma_wait3A_230 = arith.constant 0 : i32
      %dma_wait3A_231 = arith.constant 0 : i32
      %dma_wait3A_232 = tpu.memref_slice %arg6[%run_scoped3A_17, %dma_wait3A_230, %dma_wait3A_231] : memref<4x80x128xf32, #tpu.memory_space<vmem>> -> memref<1x80x128xf32, #tpu.memory_space<vmem>>
      %dma_wait3A_233 = tpu.memref_squeeze %dma_wait3A_232 : memref<1x80x128xf32, #tpu.memory_space<vmem>> -> memref<80x128xf32, #tpu.memory_space<vmem>>
      %dma_wait3A_234 = arith.constant 0 : i32
      %dma_wait3A_235 = tpu.memref_slice %arg7[%add3A_16, %dma_wait3A_234] : memref<10240x128xf32, #tpu.memory_space<vmem_shared>> -> memref<80x128xf32, #tpu.memory_space<vmem_shared>>
      %dma_wait3A_236 = arith.constant 0 : i32
      %dma_wait3A_237 = tpu.memref_slice %arg7[%add3A_16, %dma_wait3A_236] : memref<10240x128xf32, #tpu.memory_space<vmem_shared>> -> memref<80x128xf32, #tpu.memory_space<vmem_shared>>
      %dma_wait3A_238 = arith.constant 0 : i32
      %dma_wait3A_239 = arith.constant 0 : i32
      %dma_wait3A_240 = tpu.memref_slice %arg6[%run_scoped3A_17, %dma_wait3A_238, %dma_wait3A_239] : memref<4x80x128xf32, #tpu.memory_space<vmem>> -> memref<1x80x128xf32, #tpu.memory_space<vmem>>
      %dma_wait3A_241 = tpu.memref_squeeze %dma_wait3A_240 : memref<1x80x128xf32, #tpu.memory_space<vmem>> -> memref<80x128xf32, #tpu.memory_space<vmem>>
      tpu.wait_dma2 semaphore(%run_scoped3A_217 : memref<!tpu.dma_semaphore, #tpu.memory_space<semaphore_mem>>) src(%dma_wait3A_241 : memref<80x128xf32, #tpu.memory_space<vmem>>) dst(%dma_wait3A_237 : memref<80x128xf32, #tpu.memory_space<vmem_shared>>)
      tpu.yield
    }) : () -> ()
    %mul3A_18 = arith.constant 640 : i32
    %mul3A_19 = arith.muli %arg1, %mul3A_18 : i32
    %add3A_20 = arith.constant 240 : i32
    %add3A_21 = arith.addi %mul3A_19, %add3A_20 : i32
    %run_scoped3A_22 = arith.constant 0 : i32
    "tpu.region"() ({
      %run_scoped3A_217 = tpu.sem_alloc : memref<!tpu.dma_semaphore, #tpu.memory_space<semaphore_mem>>
      %dma_start3A_218 = arith.constant 0 : i32
      %dma_start3A_219 = arith.constant 0 : i32
      %dma_start3A_220 = tpu.memref_slice %arg6[%run_scoped3A_22, %dma_start3A_218, %dma_start3A_219] : memref<4x80x128xf32, #tpu.memory_space<vmem>> -> memref<1x80x128xf32, #tpu.memory_space<vmem>>
      %dma_start3A_221 = tpu.memref_squeeze %dma_start3A_220 : memref<1x80x128xf32, #tpu.memory_space<vmem>> -> memref<80x128xf32, #tpu.memory_space<vmem>>
      %dma_start3A_222 = arith.constant 0 : i32
      %dma_start3A_223 = tpu.memref_slice %arg7[%add3A_21, %dma_start3A_222] : memref<10240x128xf32, #tpu.memory_space<vmem_shared>> -> memref<80x128xf32, #tpu.memory_space<vmem_shared>>
      %dma_start3A_224 = arith.constant 0 : i32
      %dma_start3A_225 = tpu.memref_slice %arg7[%add3A_21, %dma_start3A_224] : memref<10240x128xf32, #tpu.memory_space<vmem_shared>> -> memref<80x128xf32, #tpu.memory_space<vmem_shared>>
      %dma_start3A_226 = arith.constant 0 : i32
      %dma_start3A_227 = arith.constant 0 : i32
      %dma_start3A_228 = tpu.memref_slice %arg6[%run_scoped3A_22, %dma_start3A_226, %dma_start3A_227] : memref<4x80x128xf32, #tpu.memory_space<vmem>> -> memref<1x80x128xf32, #tpu.memory_space<vmem>>
      %dma_start3A_229 = tpu.memref_squeeze %dma_start3A_228 : memref<1x80x128xf32, #tpu.memory_space<vmem>> -> memref<80x128xf32, #tpu.memory_space<vmem>>
      tpu.enqueue_dma source(%dma_start3A_229 : memref<80x128xf32, #tpu.memory_space<vmem>>) target(%dma_start3A_225 : memref<80x128xf32, #tpu.memory_space<vmem_shared>>) target_semaphore(%run_scoped3A_217 : memref<!tpu.dma_semaphore, #tpu.memory_space<semaphore_mem>>)
      %dma_wait3A_230 = arith.constant 0 : i32
      %dma_wait3A_231 = arith.constant 0 : i32
      %dma_wait3A_232 = tpu.memref_slice %arg6[%run_scoped3A_22, %dma_wait3A_230, %dma_wait3A_231] : memref<4x80x128xf32, #tpu.memory_space<vmem>> -> memref<1x80x128xf32, #tpu.memory_space<vmem>>
      %dma_wait3A_233 = tpu.memref_squeeze %dma_wait3A_232 : memref<1x80x128xf32, #tpu.memory_space<vmem>> -> memref<80x128xf32, #tpu.memory_space<vmem>>
      %dma_wait3A_234 = arith.constant 0 : i32
      %dma_wait3A_235 = tpu.memref_slice %arg7[%add3A_21, %dma_wait3A_234] : memref<10240x128xf32, #tpu.memory_space<vmem_shared>> -> memref<80x128xf32, #tpu.memory_space<vmem_shared>>
      %dma_wait3A_236 = arith.constant 0 : i32
      %dma_wait3A_237 = tpu.memref_slice %arg7[%add3A_21, %dma_wait3A_236] : memref<10240x128xf32, #tpu.memory_space<vmem_shared>> -> memref<80x128xf32, #tpu.memory_space<vmem_shared>>
      %dma_wait3A_238 = arith.constant 0 : i32
      %dma_wait3A_239 = arith.constant 0 : i32
      %dma_wait3A_240 = tpu.memref_slice %arg6[%run_scoped3A_22, %dma_wait3A_238, %dma_wait3A_239] : memref<4x80x128xf32, #tpu.memory_space<vmem>> -> memref<1x80x128xf32, #tpu.memory_space<vmem>>
      %dma_wait3A_241 = tpu.memref_squeeze %dma_wait3A_240 : memref<1x80x128xf32, #tpu.memory_space<vmem>> -> memref<80x128xf32, #tpu.memory_space<vmem>>
      tpu.wait_dma2 semaphore(%run_scoped3A_217 : memref<!tpu.dma_semaphore, #tpu.memory_space<semaphore_mem>>) src(%dma_wait3A_241 : memref<80x128xf32, #tpu.memory_space<vmem>>) dst(%dma_wait3A_237 : memref<80x128xf32, #tpu.memory_space<vmem_shared>>)
      tpu.yield
    }) : () -> ()
    %mul3A_23 = arith.constant 640 : i32
    %mul3A_24 = arith.muli %arg1, %mul3A_23 : i32
    %add3A_25 = arith.constant 320 : i32
    %add3A_26 = arith.addi %mul3A_24, %add3A_25 : i32
    %run_scoped3A_27 = arith.constant 0 : i32
    "tpu.region"() ({
      %run_scoped3A_217 = tpu.sem_alloc : memref<!tpu.dma_semaphore, #tpu.memory_space<semaphore_mem>>
      %dma_start3A_218 = arith.constant 0 : i32
      %dma_start3A_219 = arith.constant 0 : i32
      %dma_start3A_220 = tpu.memref_slice %arg6[%run_scoped3A_27, %dma_start3A_218, %dma_start3A_219] : memref<4x80x128xf32, #tpu.memory_space<vmem>> -> memref<1x80x128xf32, #tpu.memory_space<vmem>>
      %dma_start3A_221 = tpu.memref_squeeze %dma_start3A_220 : memref<1x80x128xf32, #tpu.memory_space<vmem>> -> memref<80x128xf32, #tpu.memory_space<vmem>>
      %dma_start3A_222 = arith.constant 0 : i32
      %dma_start3A_223 = tpu.memref_slice %arg7[%add3A_26, %dma_start3A_222] : memref<10240x128xf32, #tpu.memory_space<vmem_shared>> -> memref<80x128xf32, #tpu.memory_space<vmem_shared>>
      %dma_start3A_224 = arith.constant 0 : i32
      %dma_start3A_225 = tpu.memref_slice %arg7[%add3A_26, %dma_start3A_224] : memref<10240x128xf32, #tpu.memory_space<vmem_shared>> -> memref<80x128xf32, #tpu.memory_space<vmem_shared>>
      %dma_start3A_226 = arith.constant 0 : i32
      %dma_start3A_227 = arith.constant 0 : i32
      %dma_start3A_228 = tpu.memref_slice %arg6[%run_scoped3A_27, %dma_start3A_226, %dma_start3A_227] : memref<4x80x128xf32, #tpu.memory_space<vmem>> -> memref<1x80x128xf32, #tpu.memory_space<vmem>>
      %dma_start3A_229 = tpu.memref_squeeze %dma_start3A_228 : memref<1x80x128xf32, #tpu.memory_space<vmem>> -> memref<80x128xf32, #tpu.memory_space<vmem>>
      tpu.enqueue_dma source(%dma_start3A_229 : memref<80x128xf32, #tpu.memory_space<vmem>>) target(%dma_start3A_225 : memref<80x128xf32, #tpu.memory_space<vmem_shared>>) target_semaphore(%run_scoped3A_217 : memref<!tpu.dma_semaphore, #tpu.memory_space<semaphore_mem>>)
      %dma_wait3A_230 = arith.constant 0 : i32
      %dma_wait3A_231 = arith.constant 0 : i32
      %dma_wait3A_232 = tpu.memref_slice %arg6[%run_scoped3A_27, %dma_wait3A_230, %dma_wait3A_231] : memref<4x80x128xf32, #tpu.memory_space<vmem>> -> memref<1x80x128xf32, #tpu.memory_space<vmem>>
      %dma_wait3A_233 = tpu.memref_squeeze %dma_wait3A_232 : memref<1x80x128xf32, #tpu.memory_space<vmem>> -> memref<80x128xf32, #tpu.memory_space<vmem>>
      %dma_wait3A_234 = arith.constant 0 : i32
      %dma_wait3A_235 = tpu.memref_slice %arg7[%add3A_26, %dma_wait3A_234] : memref<10240x128xf32, #tpu.memory_space<vmem_shared>> -> memref<80x128xf32, #tpu.memory_space<vmem_shared>>
      %dma_wait3A_236 = arith.constant 0 : i32
      %dma_wait3A_237 = tpu.memref_slice %arg7[%add3A_26, %dma_wait3A_236] : memref<10240x128xf32, #tpu.memory_space<vmem_shared>> -> memref<80x128xf32, #tpu.memory_space<vmem_shared>>
      %dma_wait3A_238 = arith.constant 0 : i32
      %dma_wait3A_239 = arith.constant 0 : i32
      %dma_wait3A_240 = tpu.memref_slice %arg6[%run_scoped3A_27, %dma_wait3A_238, %dma_wait3A_239] : memref<4x80x128xf32, #tpu.memory_space<vmem>> -> memref<1x80x128xf32, #tpu.memory_space<vmem>>
      %dma_wait3A_241 = tpu.memref_squeeze %dma_wait3A_240 : memref<1x80x128xf32, #tpu.memory_space<vmem>> -> memref<80x128xf32, #tpu.memory_space<vmem>>
      tpu.wait_dma2 semaphore(%run_scoped3A_217 : memref<!tpu.dma_semaphore, #tpu.memory_space<semaphore_mem>>) src(%dma_wait3A_241 : memref<80x128xf32, #tpu.memory_space<vmem>>) dst(%dma_wait3A_237 : memref<80x128xf32, #tpu.memory_space<vmem_shared>>)
      tpu.yield
    }) : () -> ()
    %mul3A_28 = arith.constant 640 : i32
    %mul3A_29 = arith.muli %arg1, %mul3A_28 : i32
    %add3A_30 = arith.constant 400 : i32
    %add3A_31 = arith.addi %mul3A_29, %add3A_30 : i32
    %run_scoped3A_32 = arith.constant 0 : i32
    "tpu.region"() ({
      %run_scoped3A_217 = tpu.sem_alloc : memref<!tpu.dma_semaphore, #tpu.memory_space<semaphore_mem>>
      %dma_start3A_218 = arith.constant 0 : i32
      %dma_start3A_219 = arith.constant 0 : i32
      %dma_start3A_220 = tpu.memref_slice %arg6[%run_scoped3A_32, %dma_start3A_218, %dma_start3A_219] : memref<4x80x128xf32, #tpu.memory_space<vmem>> -> memref<1x80x128xf32, #tpu.memory_space<vmem>>
      %dma_start3A_221 = tpu.memref_squeeze %dma_start3A_220 : memref<1x80x128xf32, #tpu.memory_space<vmem>> -> memref<80x128xf32, #tpu.memory_space<vmem>>
      %dma_start3A_222 = arith.constant 0 : i32
      %dma_start3A_223 = tpu.memref_slice %arg7[%add3A_31, %dma_start3A_222] : memref<10240x128xf32, #tpu.memory_space<vmem_shared>> -> memref<80x128xf32, #tpu.memory_space<vmem_shared>>
      %dma_start3A_224 = arith.constant 0 : i32
      %dma_start3A_225 = tpu.memref_slice %arg7[%add3A_31, %dma_start3A_224] : memref<10240x128xf32, #tpu.memory_space<vmem_shared>> -> memref<80x128xf32, #tpu.memory_space<vmem_shared>>
      %dma_start3A_226 = arith.constant 0 : i32
      %dma_start3A_227 = arith.constant 0 : i32
      %dma_start3A_228 = tpu.memref_slice %arg6[%run_scoped3A_32, %dma_start3A_226, %dma_start3A_227] : memref<4x80x128xf32, #tpu.memory_space<vmem>> -> memref<1x80x128xf32, #tpu.memory_space<vmem>>
      %dma_start3A_229 = tpu.memref_squeeze %dma_start3A_228 : memref<1x80x128xf32, #tpu.memory_space<vmem>> -> memref<80x128xf32, #tpu.memory_space<vmem>>
      tpu.enqueue_dma source(%dma_start3A_229 : memref<80x128xf32, #tpu.memory_space<vmem>>) target(%dma_start3A_225 : memref<80x128xf32, #tpu.memory_space<vmem_shared>>) target_semaphore(%run_scoped3A_217 : memref<!tpu.dma_semaphore, #tpu.memory_space<semaphore_mem>>)
      %dma_wait3A_230 = arith.constant 0 : i32
      %dma_wait3A_231 = arith.constant 0 : i32
      %dma_wait3A_232 = tpu.memref_slice %arg6[%run_scoped3A_32, %dma_wait3A_230, %dma_wait3A_231] : memref<4x80x128xf32, #tpu.memory_space<vmem>> -> memref<1x80x128xf32, #tpu.memory_space<vmem>>
      %dma_wait3A_233 = tpu.memref_squeeze %dma_wait3A_232 : memref<1x80x128xf32, #tpu.memory_space<vmem>> -> memref<80x128xf32, #tpu.memory_space<vmem>>
      %dma_wait3A_234 = arith.constant 0 : i32
      %dma_wait3A_235 = tpu.memref_slice %arg7[%add3A_31, %dma_wait3A_234] : memref<10240x128xf32, #tpu.memory_space<vmem_shared>> -> memref<80x128xf32, #tpu.memory_space<vmem_shared>>
      %dma_wait3A_236 = arith.constant 0 : i32
      %dma_wait3A_237 = tpu.memref_slice %arg7[%add3A_31, %dma_wait3A_236] : memref<10240x128xf32, #tpu.memory_space<vmem_shared>> -> memref<80x128xf32, #tpu.memory_space<vmem_shared>>
      %dma_wait3A_238 = arith.constant 0 : i32
      %dma_wait3A_239 = arith.constant 0 : i32
      %dma_wait3A_240 = tpu.memref_slice %arg6[%run_scoped3A_32, %dma_wait3A_238, %dma_wait3A_239] : memref<4x80x128xf32, #tpu.memory_space<vmem>> -> memref<1x80x128xf32, #tpu.memory_space<vmem>>
      %dma_wait3A_241 = tpu.memref_squeeze %dma_wait3A_240 : memref<1x80x128xf32, #tpu.memory_space<vmem>> -> memref<80x128xf32, #tpu.memory_space<vmem>>
      tpu.wait_dma2 semaphore(%run_scoped3A_217 : memref<!tpu.dma_semaphore, #tpu.memory_space<semaphore_mem>>) src(%dma_wait3A_241 : memref<80x128xf32, #tpu.memory_space<vmem>>) dst(%dma_wait3A_237 : memref<80x128xf32, #tpu.memory_space<vmem_shared>>)
      tpu.yield
    }) : () -> ()
    %mul3A_33 = arith.constant 640 : i32
    %mul3A_34 = arith.muli %arg1, %mul3A_33 : i32
    %add3A_35 = arith.constant 480 : i32
    %add3A_36 = arith.addi %mul3A_34, %add3A_35 : i32
    %run_scoped3A_37 = arith.constant 0 : i32
    "tpu.region"() ({
      %run_scoped3A_217 = tpu.sem_alloc : memref<!tpu.dma_semaphore, #tpu.memory_space<semaphore_mem>>
      %dma_start3A_218 = arith.constant 0 : i32
      %dma_start3A_219 = arith.constant 0 : i32
      %dma_start3A_220 = tpu.memref_slice %arg6[%run_scoped3A_37, %dma_start3A_218, %dma_start3A_219] : memref<4x80x128xf32, #tpu.memory_space<vmem>> -> memref<1x80x128xf32, #tpu.memory_space<vmem>>
      %dma_start3A_221 = tpu.memref_squeeze %dma_start3A_220 : memref<1x80x128xf32, #tpu.memory_space<vmem>> -> memref<80x128xf32, #tpu.memory_space<vmem>>
      %dma_start3A_222 = arith.constant 0 : i32
      %dma_start3A_223 = tpu.memref_slice %arg7[%add3A_36, %dma_start3A_222] : memref<10240x128xf32, #tpu.memory_space<vmem_shared>> -> memref<80x128xf32, #tpu.memory_space<vmem_shared>>
      %dma_start3A_224 = arith.constant 0 : i32
      %dma_start3A_225 = tpu.memref_slice %arg7[%add3A_36, %dma_start3A_224] : memref<10240x128xf32, #tpu.memory_space<vmem_shared>> -> memref<80x128xf32, #tpu.memory_space<vmem_shared>>
      %dma_start3A_226 = arith.constant 0 : i32
      %dma_start3A_227 = arith.constant 0 : i32
      %dma_start3A_228 = tpu.memref_slice %arg6[%run_scoped3A_37, %dma_start3A_226, %dma_start3A_227] : memref<4x80x128xf32, #tpu.memory_space<vmem>> -> memref<1x80x128xf32, #tpu.memory_space<vmem>>
      %dma_start3A_229 = tpu.memref_squeeze %dma_start3A_228 : memref<1x80x128xf32, #tpu.memory_space<vmem>> -> memref<80x128xf32, #tpu.memory_space<vmem>>
      tpu.enqueue_dma source(%dma_start3A_229 : memref<80x128xf32, #tpu.memory_space<vmem>>) target(%dma_start3A_225 : memref<80x128xf32, #tpu.memory_space<vmem_shared>>) target_semaphore(%run_scoped3A_217 : memref<!tpu.dma_semaphore, #tpu.memory_space<semaphore_mem>>)
      %dma_wait3A_230 = arith.constant 0 : i32
      %dma_wait3A_231 = arith.constant 0 : i32
      %dma_wait3A_232 = tpu.memref_slice %arg6[%run_scoped3A_37, %dma_wait3A_230, %dma_wait3A_231] : memref<4x80x128xf32, #tpu.memory_space<vmem>> -> memref<1x80x128xf32, #tpu.memory_space<vmem>>
      %dma_wait3A_233 = tpu.memref_squeeze %dma_wait3A_232 : memref<1x80x128xf32, #tpu.memory_space<vmem>> -> memref<80x128xf32, #tpu.memory_space<vmem>>
      %dma_wait3A_234 = arith.constant 0 : i32
      %dma_wait3A_235 = tpu.memref_slice %arg7[%add3A_36, %dma_wait3A_234] : memref<10240x128xf32, #tpu.memory_space<vmem_shared>> -> memref<80x128xf32, #tpu.memory_space<vmem_shared>>
      %dma_wait3A_236 = arith.constant 0 : i32
      %dma_wait3A_237 = tpu.memref_slice %arg7[%add3A_36, %dma_wait3A_236] : memref<10240x128xf32, #tpu.memory_space<vmem_shared>> -> memref<80x128xf32, #tpu.memory_space<vmem_shared>>
      %dma_wait3A_238 = arith.constant 0 : i32
      %dma_wait3A_239 = arith.constant 0 : i32
      %dma_wait3A_240 = tpu.memref_slice %arg6[%run_scoped3A_37, %dma_wait3A_238, %dma_wait3A_239] : memref<4x80x128xf32, #tpu.memory_space<vmem>> -> memref<1x80x128xf32, #tpu.memory_space<vmem>>
      %dma_wait3A_241 = tpu.memref_squeeze %dma_wait3A_240 : memref<1x80x128xf32, #tpu.memory_space<vmem>> -> memref<80x128xf32, #tpu.memory_space<vmem>>
      tpu.wait_dma2 semaphore(%run_scoped3A_217 : memref<!tpu.dma_semaphore, #tpu.memory_space<semaphore_mem>>) src(%dma_wait3A_241 : memref<80x128xf32, #tpu.memory_space<vmem>>) dst(%dma_wait3A_237 : memref<80x128xf32, #tpu.memory_space<vmem_shared>>)
      tpu.yield
    }) : () -> ()
    %mul3A_38 = arith.constant 640 : i32
    %mul3A_39 = arith.muli %arg1, %mul3A_38 : i32
    %add3A_40 = arith.constant 560 : i32
    %add3A_41 = arith.addi %mul3A_39, %add3A_40 : i32
    %run_scoped3A_42 = arith.constant 0 : i32
    "tpu.region"() ({
      %run_scoped3A_217 = tpu.sem_alloc : memref<!tpu.dma_semaphore, #tpu.memory_space<semaphore_mem>>
      %dma_start3A_218 = arith.constant 0 : i32
      %dma_start3A_219 = arith.constant 0 : i32
      %dma_start3A_220 = tpu.memref_slice %arg6[%run_scoped3A_42, %dma_start3A_218, %dma_start3A_219] : memref<4x80x128xf32, #tpu.memory_space<vmem>> -> memref<1x80x128xf32, #tpu.memory_space<vmem>>
      %dma_start3A_221 = tpu.memref_squeeze %dma_start3A_220 : memref<1x80x128xf32, #tpu.memory_space<vmem>> -> memref<80x128xf32, #tpu.memory_space<vmem>>
      %dma_start3A_222 = arith.constant 0 : i32
      %dma_start3A_223 = tpu.memref_slice %arg7[%add3A_41, %dma_start3A_222] : memref<10240x128xf32, #tpu.memory_space<vmem_shared>> -> memref<80x128xf32, #tpu.memory_space<vmem_shared>>
      %dma_start3A_224 = arith.constant 0 : i32
      %dma_start3A_225 = tpu.memref_slice %arg7[%add3A_41, %dma_start3A_224] : memref<10240x128xf32, #tpu.memory_space<vmem_shared>> -> memref<80x128xf32, #tpu.memory_space<vmem_shared>>
      %dma_start3A_226 = arith.constant 0 : i32
      %dma_start3A_227 = arith.constant 0 : i32
      %dma_start3A_228 = tpu.memref_slice %arg6[%run_scoped3A_42, %dma_start3A_226, %dma_start3A_227] : memref<4x80x128xf32, #tpu.memory_space<vmem>> -> memref<1x80x128xf32, #tpu.memory_space<vmem>>
      %dma_start3A_229 = tpu.memref_squeeze %dma_start3A_228 : memref<1x80x128xf32, #tpu.memory_space<vmem>> -> memref<80x128xf32, #tpu.memory_space<vmem>>
      tpu.enqueue_dma source(%dma_start3A_229 : memref<80x128xf32, #tpu.memory_space<vmem>>) target(%dma_start3A_225 : memref<80x128xf32, #tpu.memory_space<vmem_shared>>) target_semaphore(%run_scoped3A_217 : memref<!tpu.dma_semaphore, #tpu.memory_space<semaphore_mem>>)
      %dma_wait3A_230 = arith.constant 0 : i32
      %dma_wait3A_231 = arith.constant 0 : i32
      %dma_wait3A_232 = tpu.memref_slice %arg6[%run_scoped3A_42, %dma_wait3A_230, %dma_wait3A_231] : memref<4x80x128xf32, #tpu.memory_space<vmem>> -> memref<1x80x128xf32, #tpu.memory_space<vmem>>
      %dma_wait3A_233 = tpu.memref_squeeze %dma_wait3A_232 : memref<1x80x128xf32, #tpu.memory_space<vmem>> -> memref<80x128xf32, #tpu.memory_space<vmem>>
      %dma_wait3A_234 = arith.constant 0 : i32
      %dma_wait3A_235 = tpu.memref_slice %arg7[%add3A_41, %dma_wait3A_234] : memref<10240x128xf32, #tpu.memory_space<vmem_shared>> -> memref<80x128xf32, #tpu.memory_space<vmem_shared>>
      %dma_wait3A_236 = arith.constant 0 : i32
      %dma_wait3A_237 = tpu.memref_slice %arg7[%add3A_41, %dma_wait3A_236] : memref<10240x128xf32, #tpu.memory_space<vmem_shared>> -> memref<80x128xf32, #tpu.memory_space<vmem_shared>>
      %dma_wait3A_238 = arith.constant 0 : i32
      %dma_wait3A_239 = arith.constant 0 : i32
      %dma_wait3A_240 = tpu.memref_slice %arg6[%run_scoped3A_42, %dma_wait3A_238, %dma_wait3A_239] : memref<4x80x128xf32, #tpu.memory_space<vmem>> -> memref<1x80x128xf32, #tpu.memory_space<vmem>>
      %dma_wait3A_241 = tpu.memref_squeeze %dma_wait3A_240 : memref<1x80x128xf32, #tpu.memory_space<vmem>> -> memref<80x128xf32, #tpu.memory_space<vmem>>
      tpu.wait_dma2 semaphore(%run_scoped3A_217 : memref<!tpu.dma_semaphore, #tpu.memory_space<semaphore_mem>>) src(%dma_wait3A_241 : memref<80x128xf32, #tpu.memory_space<vmem>>) dst(%dma_wait3A_237 : memref<80x128xf32, #tpu.memory_space<vmem_shared>>)
      tpu.yield
    }) : () -> ()
    %dma_start3A = arith.constant 0 : i32
    %dma_start3A_43 = arith.constant 0 : i32
    %dma_start3A_44 = arith.constant 0 : i32
    %dma_start3A_45 = arith.constant 0 : i32
    %dma_start3A_46 = tpu.memref_slice %arg5[%dma_start3A_43, %dma_start3A_44, %dma_start3A_45] : memref<4x2x80xi32, #tpu.memory_space<vmem>> -> memref<1x2x80xi32, #tpu.memory_space<vmem>>
    %dma_start3A_47 = tpu.memref_squeeze %dma_start3A_46 : memref<1x2x80xi32, #tpu.memory_space<vmem>> -> memref<2x80xi32, #tpu.memory_space<vmem>>
    %dma_start3A_48 = arith.constant 0 : i32
    %dma_start3A_49 = arith.constant 0 : i32
    %dma_start3A_50 = tpu.memref_slice %arg3[%arg0, %arg1, %dma_start3A, %dma_start3A_48, %dma_start3A_49] : memref<2x16x128x2x80xi32, #tpu.memory_space<hbm>> -> memref<1x1x1x2x80xi32, #tpu.memory_space<hbm>>
    %dma_start3A_51 = tpu.memref_squeeze %dma_start3A_50 : memref<1x1x1x2x80xi32, #tpu.memory_space<hbm>> -> memref<2x80xi32, #tpu.memory_space<hbm>>
    %dma_start3A_52 = arith.constant 0 : i32
    %dma_start3A_53 = arith.constant 0 : i32
    %dma_start3A_54 = tpu.memref_slice %arg5[%dma_start3A_43, %dma_start3A_52, %dma_start3A_53] : memref<4x2x80xi32, #tpu.memory_space<vmem>> -> memref<1x2x80xi32, #tpu.memory_space<vmem>>
    %dma_start3A_55 = tpu.memref_squeeze %dma_start3A_54 : memref<1x2x80xi32, #tpu.memory_space<vmem>> -> memref<2x80xi32, #tpu.memory_space<vmem>>
    %dma_start3A_56 = arith.constant 0 : i32
    %dma_start3A_57 = arith.constant 0 : i32
    %dma_start3A_58 = tpu.memref_slice %arg3[%arg0, %arg1, %dma_start3A, %dma_start3A_56, %dma_start3A_57] : memref<2x16x128x2x80xi32, #tpu.memory_space<hbm>> -> memref<1x1x1x2x80xi32, #tpu.memory_space<hbm>>
    %dma_start3A_59 = tpu.memref_squeeze %dma_start3A_58 : memref<1x1x1x2x80xi32, #tpu.memory_space<hbm>> -> memref<2x80xi32, #tpu.memory_space<hbm>>
    tpu.enqueue_dma source(%dma_start3A_59 : memref<2x80xi32, #tpu.memory_space<hbm>>) target(%dma_start3A_55 : memref<2x80xi32, #tpu.memory_space<vmem>>) target_semaphore(%arg12 : memref<!tpu.dma_semaphore, #tpu.memory_space<semaphore_mem>>)
    %dma_start3A_60 = arith.constant 1 : i32
    %dma_start3A_61 = arith.constant 1 : i32
    %dma_start3A_62 = arith.constant 0 : i32
    %dma_start3A_63 = arith.constant 0 : i32
    %dma_start3A_64 = tpu.memref_slice %arg5[%dma_start3A_61, %dma_start3A_62, %dma_start3A_63] : memref<4x2x80xi32, #tpu.memory_space<vmem>> -> memref<1x2x80xi32, #tpu.memory_space<vmem>>
    %dma_start3A_65 = tpu.memref_squeeze %dma_start3A_64 : memref<1x2x80xi32, #tpu.memory_space<vmem>> -> memref<2x80xi32, #tpu.memory_space<vmem>>
    %dma_start3A_66 = arith.constant 0 : i32
    %dma_start3A_67 = arith.constant 0 : i32
    %dma_start3A_68 = tpu.memref_slice %arg3[%arg0, %arg1, %dma_start3A_60, %dma_start3A_66, %dma_start3A_67] : memref<2x16x128x2x80xi32, #tpu.memory_space<hbm>> -> memref<1x1x1x2x80xi32, #tpu.memory_space<hbm>>
    %dma_start3A_69 = tpu.memref_squeeze %dma_start3A_68 : memref<1x1x1x2x80xi32, #tpu.memory_space<hbm>> -> memref<2x80xi32, #tpu.memory_space<hbm>>
    %dma_start3A_70 = arith.constant 0 : i32
    %dma_start3A_71 = arith.constant 0 : i32
    %dma_start3A_72 = tpu.memref_slice %arg5[%dma_start3A_61, %dma_start3A_70, %dma_start3A_71] : memref<4x2x80xi32, #tpu.memory_space<vmem>> -> memref<1x2x80xi32, #tpu.memory_space<vmem>>
    %dma_start3A_73 = tpu.memref_squeeze %dma_start3A_72 : memref<1x2x80xi32, #tpu.memory_space<vmem>> -> memref<2x80xi32, #tpu.memory_space<vmem>>
    %dma_start3A_74 = arith.constant 0 : i32
    %dma_start3A_75 = arith.constant 0 : i32
    %dma_start3A_76 = tpu.memref_slice %arg3[%arg0, %arg1, %dma_start3A_60, %dma_start3A_74, %dma_start3A_75] : memref<2x16x128x2x80xi32, #tpu.memory_space<hbm>> -> memref<1x1x1x2x80xi32, #tpu.memory_space<hbm>>
    %dma_start3A_77 = tpu.memref_squeeze %dma_start3A_76 : memref<1x1x1x2x80xi32, #tpu.memory_space<hbm>> -> memref<2x80xi32, #tpu.memory_space<hbm>>
    tpu.enqueue_dma source(%dma_start3A_77 : memref<2x80xi32, #tpu.memory_space<hbm>>) target(%dma_start3A_73 : memref<2x80xi32, #tpu.memory_space<vmem>>) target_semaphore(%arg13 : memref<!tpu.dma_semaphore, #tpu.memory_space<semaphore_mem>>)
    %dma_start3A_78 = arith.constant 2 : i32
    %dma_start3A_79 = arith.constant 2 : i32
    %dma_start3A_80 = arith.constant 0 : i32
    %dma_start3A_81 = arith.constant 0 : i32
    %dma_start3A_82 = tpu.memref_slice %arg5[%dma_start3A_79, %dma_start3A_80, %dma_start3A_81] : memref<4x2x80xi32, #tpu.memory_space<vmem>> -> memref<1x2x80xi32, #tpu.memory_space<vmem>>
    %dma_start3A_83 = tpu.memref_squeeze %dma_start3A_82 : memref<1x2x80xi32, #tpu.memory_space<vmem>> -> memref<2x80xi32, #tpu.memory_space<vmem>>
    %dma_start3A_84 = arith.constant 0 : i32
    %dma_start3A_85 = arith.constant 0 : i32
    %dma_start3A_86 = tpu.memref_slice %arg3[%arg0, %arg1, %dma_start3A_78, %dma_start3A_84, %dma_start3A_85] : memref<2x16x128x2x80xi32, #tpu.memory_space<hbm>> -> memref<1x1x1x2x80xi32, #tpu.memory_space<hbm>>
    %dma_start3A_87 = tpu.memref_squeeze %dma_start3A_86 : memref<1x1x1x2x80xi32, #tpu.memory_space<hbm>> -> memref<2x80xi32, #tpu.memory_space<hbm>>
    %dma_start3A_88 = arith.constant 0 : i32
    %dma_start3A_89 = arith.constant 0 : i32
    %dma_start3A_90 = tpu.memref_slice %arg5[%dma_start3A_79, %dma_start3A_88, %dma_start3A_89] : memref<4x2x80xi32, #tpu.memory_space<vmem>> -> memref<1x2x80xi32, #tpu.memory_space<vmem>>
    %dma_start3A_91 = tpu.memref_squeeze %dma_start3A_90 : memref<1x2x80xi32, #tpu.memory_space<vmem>> -> memref<2x80xi32, #tpu.memory_space<vmem>>
    %dma_start3A_92 = arith.constant 0 : i32
    %dma_start3A_93 = arith.constant 0 : i32
    %dma_start3A_94 = tpu.memref_slice %arg3[%arg0, %arg1, %dma_start3A_78, %dma_start3A_92, %dma_start3A_93] : memref<2x16x128x2x80xi32, #tpu.memory_space<hbm>> -> memref<1x1x1x2x80xi32, #tpu.memory_space<hbm>>
    %dma_start3A_95 = tpu.memref_squeeze %dma_start3A_94 : memref<1x1x1x2x80xi32, #tpu.memory_space<hbm>> -> memref<2x80xi32, #tpu.memory_space<hbm>>
    tpu.enqueue_dma source(%dma_start3A_95 : memref<2x80xi32, #tpu.memory_space<hbm>>) target(%dma_start3A_91 : memref<2x80xi32, #tpu.memory_space<vmem>>) target_semaphore(%arg14 : memref<!tpu.dma_semaphore, #tpu.memory_space<semaphore_mem>>)
    %dma_start3A_96 = arith.constant 3 : i32
    %dma_start3A_97 = arith.constant 3 : i32
    %dma_start3A_98 = arith.constant 0 : i32
    %dma_start3A_99 = arith.constant 0 : i32
    %dma_start3A_100 = tpu.memref_slice %arg5[%dma_start3A_97, %dma_start3A_98, %dma_start3A_99] : memref<4x2x80xi32, #tpu.memory_space<vmem>> -> memref<1x2x80xi32, #tpu.memory_space<vmem>>
    %dma_start3A_101 = tpu.memref_squeeze %dma_start3A_100 : memref<1x2x80xi32, #tpu.memory_space<vmem>> -> memref<2x80xi32, #tpu.memory_space<vmem>>
    %dma_start3A_102 = arith.constant 0 : i32
    %dma_start3A_103 = arith.constant 0 : i32
    %dma_start3A_104 = tpu.memref_slice %arg3[%arg0, %arg1, %dma_start3A_96, %dma_start3A_102, %dma_start3A_103] : memref<2x16x128x2x80xi32, #tpu.memory_space<hbm>> -> memref<1x1x1x2x80xi32, #tpu.memory_space<hbm>>
    %dma_start3A_105 = tpu.memref_squeeze %dma_start3A_104 : memref<1x1x1x2x80xi32, #tpu.memory_space<hbm>> -> memref<2x80xi32, #tpu.memory_space<hbm>>
    %dma_start3A_106 = arith.constant 0 : i32
    %dma_start3A_107 = arith.constant 0 : i32
    %dma_start3A_108 = tpu.memref_slice %arg5[%dma_start3A_97, %dma_start3A_106, %dma_start3A_107] : memref<4x2x80xi32, #tpu.memory_space<vmem>> -> memref<1x2x80xi32, #tpu.memory_space<vmem>>
    %dma_start3A_109 = tpu.memref_squeeze %dma_start3A_108 : memref<1x2x80xi32, #tpu.memory_space<vmem>> -> memref<2x80xi32, #tpu.memory_space<vmem>>
    %dma_start3A_110 = arith.constant 0 : i32
    %dma_start3A_111 = arith.constant 0 : i32
    %dma_start3A_112 = tpu.memref_slice %arg3[%arg0, %arg1, %dma_start3A_96, %dma_start3A_110, %dma_start3A_111] : memref<2x16x128x2x80xi32, #tpu.memory_space<hbm>> -> memref<1x1x1x2x80xi32, #tpu.memory_space<hbm>>
    %dma_start3A_113 = tpu.memref_squeeze %dma_start3A_112 : memref<1x1x1x2x80xi32, #tpu.memory_space<hbm>> -> memref<2x80xi32, #tpu.memory_space<hbm>>
    tpu.enqueue_dma source(%dma_start3A_113 : memref<2x80xi32, #tpu.memory_space<hbm>>) target(%dma_start3A_109 : memref<2x80xi32, #tpu.memory_space<vmem>>) target_semaphore(%arg15 : memref<!tpu.dma_semaphore, #tpu.memory_space<semaphore_mem>>)
    %dma_wait3A = arith.constant 0 : i32
    %dma_wait3A_114 = arith.constant 0 : i32
    %dma_wait3A_115 = arith.constant 0 : i32
    %dma_wait3A_116 = arith.constant 0 : i32
    %dma_wait3A_117 = tpu.memref_slice %arg5[%dma_wait3A_114, %dma_wait3A_115, %dma_wait3A_116] : memref<4x2x80xi32, #tpu.memory_space<vmem>> -> memref<1x2x80xi32, #tpu.memory_space<vmem>>
    %dma_wait3A_118 = tpu.memref_squeeze %dma_wait3A_117 : memref<1x2x80xi32, #tpu.memory_space<vmem>> -> memref<2x80xi32, #tpu.memory_space<vmem>>
    %dma_wait3A_119 = arith.constant 0 : i32
    %dma_wait3A_120 = arith.constant 0 : i32
    %dma_wait3A_121 = tpu.memref_slice %arg3[%arg0, %arg1, %dma_wait3A, %dma_wait3A_119, %dma_wait3A_120] : memref<2x16x128x2x80xi32, #tpu.memory_space<hbm>> -> memref<1x1x1x2x80xi32, #tpu.memory_space<hbm>>
    %dma_wait3A_122 = tpu.memref_squeeze %dma_wait3A_121 : memref<1x1x1x2x80xi32, #tpu.memory_space<hbm>> -> memref<2x80xi32, #tpu.memory_space<hbm>>
    %dma_wait3A_123 = arith.constant 0 : i32
    %dma_wait3A_124 = arith.constant 0 : i32
    %dma_wait3A_125 = tpu.memref_slice %arg5[%dma_wait3A_114, %dma_wait3A_123, %dma_wait3A_124] : memref<4x2x80xi32, #tpu.memory_space<vmem>> -> memref<1x2x80xi32, #tpu.memory_space<vmem>>
    %dma_wait3A_126 = tpu.memref_squeeze %dma_wait3A_125 : memref<1x2x80xi32, #tpu.memory_space<vmem>> -> memref<2x80xi32, #tpu.memory_space<vmem>>
    %dma_wait3A_127 = arith.constant 0 : i32
    %dma_wait3A_128 = arith.constant 0 : i32
    %dma_wait3A_129 = tpu.memref_slice %arg3[%arg0, %arg1, %dma_wait3A, %dma_wait3A_127, %dma_wait3A_128] : memref<2x16x128x2x80xi32, #tpu.memory_space<hbm>> -> memref<1x1x1x2x80xi32, #tpu.memory_space<hbm>>
    %dma_wait3A_130 = tpu.memref_squeeze %dma_wait3A_129 : memref<1x1x1x2x80xi32, #tpu.memory_space<hbm>> -> memref<2x80xi32, #tpu.memory_space<hbm>>
    tpu.wait_dma2 semaphore(%arg12 : memref<!tpu.dma_semaphore, #tpu.memory_space<semaphore_mem>>) src(%dma_wait3A_130 : memref<2x80xi32, #tpu.memory_space<hbm>>) dst(%dma_wait3A_126 : memref<2x80xi32, #tpu.memory_space<vmem>>)
    %dma_start3A_131 = arith.constant 0 : i32
    %dma_start3A_132 = arith.constant 0 : i32
    %dma_start3A_133 = arith.constant 0 : i32
    %dma_start3A_134 = arith.constant 0 : i32
    %dma_start3A_135 = arith.constant 0 : i32
    %dma_start3A_136 = tpu.memref_slice %arg6[%dma_start3A_133, %dma_start3A_134, %dma_start3A_135] : memref<4x80x128xf32, #tpu.memory_space<vmem>> -> memref<1x80x128xf32, #tpu.memory_space<vmem>>
    %dma_start3A_137 = tpu.memref_squeeze %dma_start3A_136 : memref<1x80x128xf32, #tpu.memory_space<vmem>> -> memref<80x128xf32, #tpu.memory_space<vmem>>
    %dma_start3A_138 = arith.constant 0 : i32
    %dma_start3A_139 = tpu.memref_slice %arg5[%dma_start3A_131, %dma_start3A_132, %dma_start3A_138] : memref<4x2x80xi32, #tpu.memory_space<vmem>> -> memref<1x1x80xi32, #tpu.memory_space<vmem>>
    %dma_start3A_140 = tpu.memref_squeeze %dma_start3A_139 : memref<1x1x80xi32, #tpu.memory_space<vmem>> -> memref<80xi32, #tpu.memory_space<vmem>>
    %dma_start3A_141 = arith.constant 0 : i32
    %dma_start3A_142 = arith.constant 0 : i32
    %dma_start3A_143 = tpu.memref_slice %arg2[%dma_start3A_141, %dma_start3A_142] : memref<10000x128xf32, #tpu.memory_space<hbm>> -> memref<10000x128xf32, #tpu.memory_space<hbm>>
    tpu.enqueue_indirect_dma source(%dma_start3A_143 : memref<10000x128xf32, #tpu.memory_space<hbm>>) target(%dma_start3A_137 : memref<80x128xf32, #tpu.memory_space<vmem>>) offsets(%dma_start3A_140 : memref<80xi32, #tpu.memory_space<vmem>>) semaphore(%arg8 : memref<!tpu.dma_semaphore, #tpu.memory_space<semaphore_mem>>)
    %dma_wait3A_144 = arith.constant 1 : i32
    %dma_wait3A_145 = arith.constant 1 : i32
    %dma_wait3A_146 = arith.constant 0 : i32
    %dma_wait3A_147 = arith.constant 0 : i32
    %dma_wait3A_148 = tpu.memref_slice %arg5[%dma_wait3A_145, %dma_wait3A_146, %dma_wait3A_147] : memref<4x2x80xi32, #tpu.memory_space<vmem>> -> memref<1x2x80xi32, #tpu.memory_space<vmem>>
    %dma_wait3A_149 = tpu.memref_squeeze %dma_wait3A_148 : memref<1x2x80xi32, #tpu.memory_space<vmem>> -> memref<2x80xi32, #tpu.memory_space<vmem>>
    %dma_wait3A_150 = arith.constant 0 : i32
    %dma_wait3A_151 = arith.constant 0 : i32
    %dma_wait3A_152 = tpu.memref_slice %arg3[%arg0, %arg1, %dma_wait3A_144, %dma_wait3A_150, %dma_wait3A_151] : memref<2x16x128x2x80xi32, #tpu.memory_space<hbm>> -> memref<1x1x1x2x80xi32, #tpu.memory_space<hbm>>
    %dma_wait3A_153 = tpu.memref_squeeze %dma_wait3A_152 : memref<1x1x1x2x80xi32, #tpu.memory_space<hbm>> -> memref<2x80xi32, #tpu.memory_space<hbm>>
    %dma_wait3A_154 = arith.constant 0 : i32
    %dma_wait3A_155 = arith.constant 0 : i32
    %dma_wait3A_156 = tpu.memref_slice %arg5[%dma_wait3A_145, %dma_wait3A_154, %dma_wait3A_155] : memref<4x2x80xi32, #tpu.memory_space<vmem>> -> memref<1x2x80xi32, #tpu.memory_space<vmem>>
    %dma_wait3A_157 = tpu.memref_squeeze %dma_wait3A_156 : memref<1x2x80xi32, #tpu.memory_space<vmem>> -> memref<2x80xi32, #tpu.memory_space<vmem>>
    %dma_wait3A_158 = arith.constant 0 : i32
    %dma_wait3A_159 = arith.constant 0 : i32
    %dma_wait3A_160 = tpu.memref_slice %arg3[%arg0, %arg1, %dma_wait3A_144, %dma_wait3A_158, %dma_wait3A_159] : memref<2x16x128x2x80xi32, #tpu.memory_space<hbm>> -> memref<1x1x1x2x80xi32, #tpu.memory_space<hbm>>
    %dma_wait3A_161 = tpu.memref_squeeze %dma_wait3A_160 : memref<1x1x1x2x80xi32, #tpu.memory_space<hbm>> -> memref<2x80xi32, #tpu.memory_space<hbm>>
    tpu.wait_dma2 semaphore(%arg13 : memref<!tpu.dma_semaphore, #tpu.memory_space<semaphore_mem>>) src(%dma_wait3A_161 : memref<2x80xi32, #tpu.memory_space<hbm>>) dst(%dma_wait3A_157 : memref<2x80xi32, #tpu.memory_space<vmem>>)
    %dma_start3A_162 = arith.constant 1 : i32
    %dma_start3A_163 = arith.constant 0 : i32
    %dma_start3A_164 = arith.constant 1 : i32
    %dma_start3A_165 = arith.constant 0 : i32
    %dma_start3A_166 = arith.constant 0 : i32
    %dma_start3A_167 = tpu.memref_slice %arg6[%dma_start3A_164, %dma_start3A_165, %dma_start3A_166] : memref<4x80x128xf32, #tpu.memory_space<vmem>> -> memref<1x80x128xf32, #tpu.memory_space<vmem>>
    %dma_start3A_168 = tpu.memref_squeeze %dma_start3A_167 : memref<1x80x128xf32, #tpu.memory_space<vmem>> -> memref<80x128xf32, #tpu.memory_space<vmem>>
    %dma_start3A_169 = arith.constant 0 : i32
    %dma_start3A_170 = tpu.memref_slice %arg5[%dma_start3A_162, %dma_start3A_163, %dma_start3A_169] : memref<4x2x80xi32, #tpu.memory_space<vmem>> -> memref<1x1x80xi32, #tpu.memory_space<vmem>>
    %dma_start3A_171 = tpu.memref_squeeze %dma_start3A_170 : memref<1x1x80xi32, #tpu.memory_space<vmem>> -> memref<80xi32, #tpu.memory_space<vmem>>
    %dma_start3A_172 = arith.constant 0 : i32
    %dma_start3A_173 = arith.constant 0 : i32
    %dma_start3A_174 = tpu.memref_slice %arg2[%dma_start3A_172, %dma_start3A_173] : memref<10000x128xf32, #tpu.memory_space<hbm>> -> memref<10000x128xf32, #tpu.memory_space<hbm>>
    tpu.enqueue_indirect_dma source(%dma_start3A_174 : memref<10000x128xf32, #tpu.memory_space<hbm>>) target(%dma_start3A_168 : memref<80x128xf32, #tpu.memory_space<vmem>>) offsets(%dma_start3A_171 : memref<80xi32, #tpu.memory_space<vmem>>) semaphore(%arg9 : memref<!tpu.dma_semaphore, #tpu.memory_space<semaphore_mem>>)
    %dma_wait3A_175 = arith.constant 2 : i32
    %dma_wait3A_176 = arith.constant 2 : i32
    %dma_wait3A_177 = arith.constant 0 : i32
    %dma_wait3A_178 = arith.constant 0 : i32
    %dma_wait3A_179 = tpu.memref_slice %arg5[%dma_wait3A_176, %dma_wait3A_177, %dma_wait3A_178] : memref<4x2x80xi32, #tpu.memory_space<vmem>> -> memref<1x2x80xi32, #tpu.memory_space<vmem>>
    %dma_wait3A_180 = tpu.memref_squeeze %dma_wait3A_179 : memref<1x2x80xi32, #tpu.memory_space<vmem>> -> memref<2x80xi32, #tpu.memory_space<vmem>>
    %dma_wait3A_181 = arith.constant 0 : i32
    %dma_wait3A_182 = arith.constant 0 : i32
    %dma_wait3A_183 = tpu.memref_slice %arg3[%arg0, %arg1, %dma_wait3A_175, %dma_wait3A_181, %dma_wait3A_182] : memref<2x16x128x2x80xi32, #tpu.memory_space<hbm>> -> memref<1x1x1x2x80xi32, #tpu.memory_space<hbm>>
    %dma_wait3A_184 = tpu.memref_squeeze %dma_wait3A_183 : memref<1x1x1x2x80xi32, #tpu.memory_space<hbm>> -> memref<2x80xi32, #tpu.memory_space<hbm>>
    %dma_wait3A_185 = arith.constant 0 : i32
    %dma_wait3A_186 = arith.constant 0 : i32
    %dma_wait3A_187 = tpu.memref_slice %arg5[%dma_wait3A_176, %dma_wait3A_185, %dma_wait3A_186] : memref<4x2x80xi32, #tpu.memory_space<vmem>> -> memref<1x2x80xi32, #tpu.memory_space<vmem>>
    %dma_wait3A_188 = tpu.memref_squeeze %dma_wait3A_187 : memref<1x2x80xi32, #tpu.memory_space<vmem>> -> memref<2x80xi32, #tpu.memory_space<vmem>>
    %dma_wait3A_189 = arith.constant 0 : i32
    %dma_wait3A_190 = arith.constant 0 : i32
    %dma_wait3A_191 = tpu.memref_slice %arg3[%arg0, %arg1, %dma_wait3A_175, %dma_wait3A_189, %dma_wait3A_190] : memref<2x16x128x2x80xi32, #tpu.memory_space<hbm>> -> memref<1x1x1x2x80xi32, #tpu.memory_space<hbm>>
    %dma_wait3A_192 = tpu.memref_squeeze %dma_wait3A_191 : memref<1x1x1x2x80xi32, #tpu.memory_space<hbm>> -> memref<2x80xi32, #tpu.memory_space<hbm>>
    tpu.wait_dma2 semaphore(%arg14 : memref<!tpu.dma_semaphore, #tpu.memory_space<semaphore_mem>>) src(%dma_wait3A_192 : memref<2x80xi32, #tpu.memory_space<hbm>>) dst(%dma_wait3A_188 : memref<2x80xi32, #tpu.memory_space<vmem>>)
    %dma_start3A_193 = arith.constant 2 : i32
    %dma_start3A_194 = arith.constant 0 : i32
    %dma_start3A_195 = arith.constant 2 : i32
    %dma_start3A_196 = arith.constant 0 : i32
    %dma_start3A_197 = arith.constant 0 : i32
    %dma_start3A_198 = tpu.memref_slice %arg6[%dma_start3A_195, %dma_start3A_196, %dma_start3A_197] : memref<4x80x128xf32, #tpu.memory_space<vmem>> -> memref<1x80x128xf32, #tpu.memory_space<vmem>>
    %dma_start3A_199 = tpu.memref_squeeze %dma_start3A_198 : memref<1x80x128xf32, #tpu.memory_space<vmem>> -> memref<80x128xf32, #tpu.memory_space<vmem>>
    %dma_start3A_200 = arith.constant 0 : i32
    %dma_start3A_201 = tpu.memref_slice %arg5[%dma_start3A_193, %dma_start3A_194, %dma_start3A_200] : memref<4x2x80xi32, #tpu.memory_space<vmem>> -> memref<1x1x80xi32, #tpu.memory_space<vmem>>
    %dma_start3A_202 = tpu.memref_squeeze %dma_start3A_201 : memref<1x1x80xi32, #tpu.memory_space<vmem>> -> memref<80xi32, #tpu.memory_space<vmem>>
    %dma_start3A_203 = arith.constant 0 : i32
    %dma_start3A_204 = arith.constant 0 : i32
    %dma_start3A_205 = tpu.memref_slice %arg2[%dma_start3A_203, %dma_start3A_204] : memref<10000x128xf32, #tpu.memory_space<hbm>> -> memref<10000x128xf32, #tpu.memory_space<hbm>>
    tpu.enqueue_indirect_dma source(%dma_start3A_205 : memref<10000x128xf32, #tpu.memory_space<hbm>>) target(%dma_start3A_199 : memref<80x128xf32, #tpu.memory_space<vmem>>) offsets(%dma_start3A_202 : memref<80xi32, #tpu.memory_space<vmem>>) semaphore(%arg10 : memref<!tpu.dma_semaphore, #tpu.memory_space<semaphore_mem>>)
    %barrier3A = arith.constant 0 : index
    tpu.barrier barrier_id(%barrier3A)
    %scan3A_206 = arith.constant 0 : i32
    %scan3A_207 = arith.constant 0 : i32
    %scan3A_208 = arith.constant 32 : i32
    %scan3A_209 = arith.addi %scan3A_207, %scan3A_208 : i32
    %scan3A_210 = arith.constant 1 : i32
    scf.for %scan3A_217 = %scan3A_207 to %scan3A_209 step %scan3A_210  : i32 {
      %mul3A_218 = arith.constant 4 : i32
      %mul3A_219 = arith.muli %mul3A_218, %scan3A_217 : i32
      %add3A_220 = arith.constant 0 : i32
      %add3A_221 = arith.addi %mul3A_219, %add3A_220 : i32
      %dma_wait3A_222 = arith.constant 0 : i32
      %dma_wait3A_223 = arith.constant 0 : i32
      %dma_wait3A_224 = arith.constant 0 : i32
      %dma_wait3A_225 = arith.constant 0 : i32
      %dma_wait3A_226 = arith.constant 0 : i32
      %dma_wait3A_227 = tpu.memref_slice %arg6[%dma_wait3A_224, %dma_wait3A_225, %dma_wait3A_226] : memref<4x80x128xf32, #tpu.memory_space<vmem>> -> memref<1x80x128xf32, #tpu.memory_space<vmem>>
      %dma_wait3A_228 = tpu.memref_squeeze %dma_wait3A_227 : memref<1x80x128xf32, #tpu.memory_space<vmem>> -> memref<80x128xf32, #tpu.memory_space<vmem>>
      %dma_wait3A_229 = arith.constant 0 : i32
      %dma_wait3A_230 = tpu.memref_slice %arg5[%dma_wait3A_222, %dma_wait3A_223, %dma_wait3A_229] : memref<4x2x80xi32, #tpu.memory_space<vmem>> -> memref<1x1x80xi32, #tpu.memory_space<vmem>>
      %dma_wait3A_231 = tpu.memref_squeeze %dma_wait3A_230 : memref<1x1x80xi32, #tpu.memory_space<vmem>> -> memref<80xi32, #tpu.memory_space<vmem>>
      %dma_wait3A_232 = arith.constant 0 : i32
      %dma_wait3A_233 = arith.constant 0 : i32
      %dma_wait3A_234 = tpu.memref_slice %arg2[%dma_wait3A_232, %dma_wait3A_233] : memref<10000x128xf32, #tpu.memory_space<hbm>> -> memref<10000x128xf32, #tpu.memory_space<hbm>>
      tpu.wait_indirect_dma semaphore(%arg8 : memref<!tpu.dma_semaphore, #tpu.memory_space<semaphore_mem>>) src(%dma_wait3A_234 : memref<10000x128xf32, #tpu.memory_space<hbm>>) dst(%dma_wait3A_228 : memref<80x128xf32, #tpu.memory_space<vmem>>)
      %run_scoped3A_235 = arith.constant 0 : i32
      %run_scoped3A_236 = arith.constant 0 : i32
      %run_scoped3A_237 = arith.constant 1 : i32
      "tpu.region"() ({
        %run_scoped3A_345 = tpu.sem_alloc : memref<!tpu.dma_semaphore, #tpu.memory_space<semaphore_mem>>
        %dma_start3A_346 = arith.constant 0 : i32
        %dma_start3A_347 = arith.constant 0 : i32
        %dma_start3A_348 = tpu.memref_slice %arg6[%run_scoped3A_235, %dma_start3A_346, %dma_start3A_347] : memref<4x80x128xf32, #tpu.memory_space<vmem>> -> memref<1x80x128xf32, #tpu.memory_space<vmem>>
        %dma_start3A_349 = tpu.memref_squeeze %dma_start3A_348 : memref<1x80x128xf32, #tpu.memory_space<vmem>> -> memref<80x128xf32, #tpu.memory_space<vmem>>
        %dma_start3A_350 = arith.constant 0 : i32
        %dma_start3A_351 = tpu.memref_slice %arg5[%run_scoped3A_236, %run_scoped3A_237, %dma_start3A_350] : memref<4x2x80xi32, #tpu.memory_space<vmem>> -> memref<1x1x80xi32, #tpu.memory_space<vmem>>
        %dma_start3A_352 = tpu.memref_squeeze %dma_start3A_351 : memref<1x1x80xi32, #tpu.memory_space<vmem>> -> memref<80xi32, #tpu.memory_space<vmem>>
        %dma_start3A_353 = arith.constant 0 : i32
        %dma_start3A_354 = arith.constant 0 : i32
        %dma_start3A_355 = tpu.memref_slice %arg7[%dma_start3A_353, %dma_start3A_354] : memref<10240x128xf32, #tpu.memory_space<vmem_shared>> -> memref<10240x128xf32, #tpu.memory_space<vmem_shared>>
        tpu.enqueue_indirect_dma source(%dma_start3A_349 : memref<80x128xf32, #tpu.memory_space<vmem>>) target(%dma_start3A_355 : memref<10240x128xf32, #tpu.memory_space<vmem_shared>>) offsets(%dma_start3A_352 : memref<80xi32, #tpu.memory_space<vmem>>) semaphore(%run_scoped3A_345 : memref<!tpu.dma_semaphore, #tpu.memory_space<semaphore_mem>>) {add = true}
        %dma_wait3A_356 = arith.constant 0 : i32
        %dma_wait3A_357 = arith.constant 0 : i32
        %dma_wait3A_358 = tpu.memref_slice %arg6[%run_scoped3A_235, %dma_wait3A_356, %dma_wait3A_357] : memref<4x80x128xf32, #tpu.memory_space<vmem>> -> memref<1x80x128xf32, #tpu.memory_space<vmem>>
        %dma_wait3A_359 = tpu.memref_squeeze %dma_wait3A_358 : memref<1x80x128xf32, #tpu.memory_space<vmem>> -> memref<80x128xf32, #tpu.memory_space<vmem>>
        %dma_wait3A_360 = arith.constant 0 : i32
        %dma_wait3A_361 = tpu.memref_slice %arg5[%run_scoped3A_236, %run_scoped3A_237, %dma_wait3A_360] : memref<4x2x80xi32, #tpu.memory_space<vmem>> -> memref<1x1x80xi32, #tpu.memory_space<vmem>>
        %dma_wait3A_362 = tpu.memref_squeeze %dma_wait3A_361 : memref<1x1x80xi32, #tpu.memory_space<vmem>> -> memref<80xi32, #tpu.memory_space<vmem>>
        %dma_wait3A_363 = arith.constant 0 : i32
        %dma_wait3A_364 = arith.constant 0 : i32
        %dma_wait3A_365 = tpu.memref_slice %arg7[%dma_wait3A_363, %dma_wait3A_364] : memref<10240x128xf32, #tpu.memory_space<vmem_shared>> -> memref<10240x128xf32, #tpu.memory_space<vmem_shared>>
        tpu.wait_indirect_dma semaphore(%run_scoped3A_345 : memref<!tpu.dma_semaphore, #tpu.memory_space<semaphore_mem>>) src(%dma_wait3A_359 : memref<80x128xf32, #tpu.memory_space<vmem>>) dst(%dma_wait3A_365 : memref<10240x128xf32, #tpu.memory_space<vmem_shared>>)
        tpu.yield
      }) : () -> ()
      %add3A_238 = arith.constant 4 : i32
      %add3A_239 = arith.addi %add3A_221, %add3A_238 : i32
      %lt3A = arith.constant 128 : i32
      %lt3A_240 = arith.cmpi slt, %add3A_239, %lt3A : i32
      %convert_element_type3A = arith.extui %lt3A_240 : i1 to i32
      %cond3A = arith.constant 0 : i32
      %cond3A_241 = arith.cmpi ne, %convert_element_type3A, %cond3A : i32
      scf.if %cond3A_241 {
        %add3A_345 = arith.constant 4 : i32
        %add3A_346 = arith.addi %add3A_221, %add3A_345 : i32
        %dma_start3A_347 = arith.constant 0 : i32
        %dma_start3A_348 = arith.constant 0 : i32
        %dma_start3A_349 = arith.constant 0 : i32
        %dma_start3A_350 = tpu.memref_slice %arg5[%dma_start3A_347, %dma_start3A_348, %dma_start3A_349] : memref<4x2x80xi32, #tpu.memory_space<vmem>> -> memref<1x2x80xi32, #tpu.memory_space<vmem>>
        %dma_start3A_351 = tpu.memref_squeeze %dma_start3A_350 : memref<1x2x80xi32, #tpu.memory_space<vmem>> -> memref<2x80xi32, #tpu.memory_space<vmem>>
        %dma_start3A_352 = arith.constant 0 : i32
        %dma_start3A_353 = arith.constant 0 : i32
        %dma_start3A_354 = tpu.memref_slice %arg3[%arg0, %arg1, %add3A_346, %dma_start3A_352, %dma_start3A_353] : memref<2x16x128x2x80xi32, #tpu.memory_space<hbm>> -> memref<1x1x1x2x80xi32, #tpu.memory_space<hbm>>
        %dma_start3A_355 = tpu.memref_squeeze %dma_start3A_354 : memref<1x1x1x2x80xi32, #tpu.memory_space<hbm>> -> memref<2x80xi32, #tpu.memory_space<hbm>>
        %dma_start3A_356 = arith.constant 0 : i32
        %dma_start3A_357 = arith.constant 0 : i32
        %dma_start3A_358 = tpu.memref_slice %arg5[%dma_start3A_347, %dma_start3A_356, %dma_start3A_357] : memref<4x2x80xi32, #tpu.memory_space<vmem>> -> memref<1x2x80xi32, #tpu.memory_space<vmem>>
        %dma_start3A_359 = tpu.memref_squeeze %dma_start3A_358 : memref<1x2x80xi32, #tpu.memory_space<vmem>> -> memref<2x80xi32, #tpu.memory_space<vmem>>
        %dma_start3A_360 = arith.constant 0 : i32
        %dma_start3A_361 = arith.constant 0 : i32
        %dma_start3A_362 = tpu.memref_slice %arg3[%arg0, %arg1, %add3A_346, %dma_start3A_360, %dma_start3A_361] : memref<2x16x128x2x80xi32, #tpu.memory_space<hbm>> -> memref<1x1x1x2x80xi32, #tpu.memory_space<hbm>>
        %dma_start3A_363 = tpu.memref_squeeze %dma_start3A_362 : memref<1x1x1x2x80xi32, #tpu.memory_space<hbm>> -> memref<2x80xi32, #tpu.memory_space<hbm>>
        tpu.enqueue_dma source(%dma_start3A_363 : memref<2x80xi32, #tpu.memory_space<hbm>>) target(%dma_start3A_359 : memref<2x80xi32, #tpu.memory_space<vmem>>) target_semaphore(%arg12 : memref<!tpu.dma_semaphore, #tpu.memory_space<semaphore_mem>>)
      } else {
      }
      %add3A_242 = arith.constant 3 : i32
      %add3A_243 = arith.addi %add3A_221, %add3A_242 : i32
      %lt3A_244 = arith.constant 128 : i32
      %lt3A_245 = arith.cmpi slt, %add3A_243, %lt3A_244 : i32
      %convert_element_type3A_246 = arith.extui %lt3A_245 : i1 to i32
      %cond3A_247 = arith.constant 0 : i32
      %cond3A_248 = arith.cmpi ne, %convert_element_type3A_246, %cond3A_247 : i32
      scf.if %cond3A_248 {
        %add3A_345 = arith.constant 3 : i32
        %add3A_346 = arith.addi %add3A_221, %add3A_345 : i32
        %dma_wait3A_347 = arith.constant 3 : i32
        %dma_wait3A_348 = arith.constant 0 : i32
        %dma_wait3A_349 = arith.constant 0 : i32
        %dma_wait3A_350 = tpu.memref_slice %arg5[%dma_wait3A_347, %dma_wait3A_348, %dma_wait3A_349] : memref<4x2x80xi32, #tpu.memory_space<vmem>> -> memref<1x2x80xi32, #tpu.memory_space<vmem>>
        %dma_wait3A_351 = tpu.memref_squeeze %dma_wait3A_350 : memref<1x2x80xi32, #tpu.memory_space<vmem>> -> memref<2x80xi32, #tpu.memory_space<vmem>>
        %dma_wait3A_352 = arith.constant 0 : i32
        %dma_wait3A_353 = arith.constant 0 : i32
        %dma_wait3A_354 = tpu.memref_slice %arg3[%arg0, %arg1, %add3A_346, %dma_wait3A_352, %dma_wait3A_353] : memref<2x16x128x2x80xi32, #tpu.memory_space<hbm>> -> memref<1x1x1x2x80xi32, #tpu.memory_space<hbm>>
        %dma_wait3A_355 = tpu.memref_squeeze %dma_wait3A_354 : memref<1x1x1x2x80xi32, #tpu.memory_space<hbm>> -> memref<2x80xi32, #tpu.memory_space<hbm>>
        %dma_wait3A_356 = arith.constant 0 : i32
        %dma_wait3A_357 = arith.constant 0 : i32
        %dma_wait3A_358 = tpu.memref_slice %arg5[%dma_wait3A_347, %dma_wait3A_356, %dma_wait3A_357] : memref<4x2x80xi32, #tpu.memory_space<vmem>> -> memref<1x2x80xi32, #tpu.memory_space<vmem>>
        %dma_wait3A_359 = tpu.memref_squeeze %dma_wait3A_358 : memref<1x2x80xi32, #tpu.memory_space<vmem>> -> memref<2x80xi32, #tpu.memory_space<vmem>>
        %dma_wait3A_360 = arith.constant 0 : i32
        %dma_wait3A_361 = arith.constant 0 : i32
        %dma_wait3A_362 = tpu.memref_slice %arg3[%arg0, %arg1, %add3A_346, %dma_wait3A_360, %dma_wait3A_361] : memref<2x16x128x2x80xi32, #tpu.memory_space<hbm>> -> memref<1x1x1x2x80xi32, #tpu.memory_space<hbm>>
        %dma_wait3A_363 = tpu.memref_squeeze %dma_wait3A_362 : memref<1x1x1x2x80xi32, #tpu.memory_space<hbm>> -> memref<2x80xi32, #tpu.memory_space<hbm>>
        tpu.wait_dma2 semaphore(%arg15 : memref<!tpu.dma_semaphore, #tpu.memory_space<semaphore_mem>>) src(%dma_wait3A_363 : memref<2x80xi32, #tpu.memory_space<hbm>>) dst(%dma_wait3A_359 : memref<2x80xi32, #tpu.memory_space<vmem>>)
        %dma_start3A_364 = arith.constant 3 : i32
        %dma_start3A_365 = arith.constant 0 : i32
        %dma_start3A_366 = arith.constant 3 : i32
        %dma_start3A_367 = arith.constant 0 : i32
        %dma_start3A_368 = arith.constant 0 : i32
        %dma_start3A_369 = tpu.memref_slice %arg6[%dma_start3A_366, %dma_start3A_367, %dma_start3A_368] : memref<4x80x128xf32, #tpu.memory_space<vmem>> -> memref<1x80x128xf32, #tpu.memory_space<vmem>>
        %dma_start3A_370 = tpu.memref_squeeze %dma_start3A_369 : memref<1x80x128xf32, #tpu.memory_space<vmem>> -> memref<80x128xf32, #tpu.memory_space<vmem>>
        %dma_start3A_371 = arith.constant 0 : i32
        %dma_start3A_372 = tpu.memref_slice %arg5[%dma_start3A_364, %dma_start3A_365, %dma_start3A_371] : memref<4x2x80xi32, #tpu.memory_space<vmem>> -> memref<1x1x80xi32, #tpu.memory_space<vmem>>
        %dma_start3A_373 = tpu.memref_squeeze %dma_start3A_372 : memref<1x1x80xi32, #tpu.memory_space<vmem>> -> memref<80xi32, #tpu.memory_space<vmem>>
        %dma_start3A_374 = arith.constant 0 : i32
        %dma_start3A_375 = arith.constant 0 : i32
        %dma_start3A_376 = tpu.memref_slice %arg2[%dma_start3A_374, %dma_start3A_375] : memref<10000x128xf32, #tpu.memory_space<hbm>> -> memref<10000x128xf32, #tpu.memory_space<hbm>>
        tpu.enqueue_indirect_dma source(%dma_start3A_376 : memref<10000x128xf32, #tpu.memory_space<hbm>>) target(%dma_start3A_370 : memref<80x128xf32, #tpu.memory_space<vmem>>) offsets(%dma_start3A_373 : memref<80xi32, #tpu.memory_space<vmem>>) semaphore(%arg11 : memref<!tpu.dma_semaphore, #tpu.memory_space<semaphore_mem>>)
      } else {
      }
      %add3A_249 = arith.constant 1 : i32
      %add3A_250 = arith.addi %mul3A_219, %add3A_249 : i32
      %dma_wait3A_251 = arith.constant 1 : i32
      %dma_wait3A_252 = arith.constant 0 : i32
      %dma_wait3A_253 = arith.constant 1 : i32
      %dma_wait3A_254 = arith.constant 0 : i32
      %dma_wait3A_255 = arith.constant 0 : i32
      %dma_wait3A_256 = tpu.memref_slice %arg6[%dma_wait3A_253, %dma_wait3A_254, %dma_wait3A_255] : memref<4x80x128xf32, #tpu.memory_space<vmem>> -> memref<1x80x128xf32, #tpu.memory_space<vmem>>
      %dma_wait3A_257 = tpu.memref_squeeze %dma_wait3A_256 : memref<1x80x128xf32, #tpu.memory_space<vmem>> -> memref<80x128xf32, #tpu.memory_space<vmem>>
      %dma_wait3A_258 = arith.constant 0 : i32
      %dma_wait3A_259 = tpu.memref_slice %arg5[%dma_wait3A_251, %dma_wait3A_252, %dma_wait3A_258] : memref<4x2x80xi32, #tpu.memory_space<vmem>> -> memref<1x1x80xi32, #tpu.memory_space<vmem>>
      %dma_wait3A_260 = tpu.memref_squeeze %dma_wait3A_259 : memref<1x1x80xi32, #tpu.memory_space<vmem>> -> memref<80xi32, #tpu.memory_space<vmem>>
      %dma_wait3A_261 = arith.constant 0 : i32
      %dma_wait3A_262 = arith.constant 0 : i32
      %dma_wait3A_263 = tpu.memref_slice %arg2[%dma_wait3A_261, %dma_wait3A_262] : memref<10000x128xf32, #tpu.memory_space<hbm>> -> memref<10000x128xf32, #tpu.memory_space<hbm>>
      tpu.wait_indirect_dma semaphore(%arg9 : memref<!tpu.dma_semaphore, #tpu.memory_space<semaphore_mem>>) src(%dma_wait3A_263 : memref<10000x128xf32, #tpu.memory_space<hbm>>) dst(%dma_wait3A_257 : memref<80x128xf32, #tpu.memory_space<vmem>>)
      %run_scoped3A_264 = arith.constant 1 : i32
      %run_scoped3A_265 = arith.constant 1 : i32
      %run_scoped3A_266 = arith.constant 1 : i32
      "tpu.region"() ({
        %run_scoped3A_345 = tpu.sem_alloc : memref<!tpu.dma_semaphore, #tpu.memory_space<semaphore_mem>>
        %dma_start3A_346 = arith.constant 0 : i32
        %dma_start3A_347 = arith.constant 0 : i32
        %dma_start3A_348 = tpu.memref_slice %arg6[%run_scoped3A_264, %dma_start3A_346, %dma_start3A_347] : memref<4x80x128xf32, #tpu.memory_space<vmem>> -> memref<1x80x128xf32, #tpu.memory_space<vmem>>
        %dma_start3A_349 = tpu.memref_squeeze %dma_start3A_348 : memref<1x80x128xf32, #tpu.memory_space<vmem>> -> memref<80x128xf32, #tpu.memory_space<vmem>>
        %dma_start3A_350 = arith.constant 0 : i32
        %dma_start3A_351 = tpu.memref_slice %arg5[%run_scoped3A_265, %run_scoped3A_266, %dma_start3A_350] : memref<4x2x80xi32, #tpu.memory_space<vmem>> -> memref<1x1x80xi32, #tpu.memory_space<vmem>>
        %dma_start3A_352 = tpu.memref_squeeze %dma_start3A_351 : memref<1x1x80xi32, #tpu.memory_space<vmem>> -> memref<80xi32, #tpu.memory_space<vmem>>
        %dma_start3A_353 = arith.constant 0 : i32
        %dma_start3A_354 = arith.constant 0 : i32
        %dma_start3A_355 = tpu.memref_slice %arg7[%dma_start3A_353, %dma_start3A_354] : memref<10240x128xf32, #tpu.memory_space<vmem_shared>> -> memref<10240x128xf32, #tpu.memory_space<vmem_shared>>
        tpu.enqueue_indirect_dma source(%dma_start3A_349 : memref<80x128xf32, #tpu.memory_space<vmem>>) target(%dma_start3A_355 : memref<10240x128xf32, #tpu.memory_space<vmem_shared>>) offsets(%dma_start3A_352 : memref<80xi32, #tpu.memory_space<vmem>>) semaphore(%run_scoped3A_345 : memref<!tpu.dma_semaphore, #tpu.memory_space<semaphore_mem>>) {add = true}
        %dma_wait3A_356 = arith.constant 0 : i32
        %dma_wait3A_357 = arith.constant 0 : i32
        %dma_wait3A_358 = tpu.memref_slice %arg6[%run_scoped3A_264, %dma_wait3A_356, %dma_wait3A_357] : memref<4x80x128xf32, #tpu.memory_space<vmem>> -> memref<1x80x128xf32, #tpu.memory_space<vmem>>
        %dma_wait3A_359 = tpu.memref_squeeze %dma_wait3A_358 : memref<1x80x128xf32, #tpu.memory_space<vmem>> -> memref<80x128xf32, #tpu.memory_space<vmem>>
        %dma_wait3A_360 = arith.constant 0 : i32
        %dma_wait3A_361 = tpu.memref_slice %arg5[%run_scoped3A_265, %run_scoped3A_266, %dma_wait3A_360] : memref<4x2x80xi32, #tpu.memory_space<vmem>> -> memref<1x1x80xi32, #tpu.memory_space<vmem>>
        %dma_wait3A_362 = tpu.memref_squeeze %dma_wait3A_361 : memref<1x1x80xi32, #tpu.memory_space<vmem>> -> memref<80xi32, #tpu.memory_space<vmem>>
        %dma_wait3A_363 = arith.constant 0 : i32
        %dma_wait3A_364 = arith.constant 0 : i32
        %dma_wait3A_365 = tpu.memref_slice %arg7[%dma_wait3A_363, %dma_wait3A_364] : memref<10240x128xf32, #tpu.memory_space<vmem_shared>> -> memref<10240x128xf32, #tpu.memory_space<vmem_shared>>
        tpu.wait_indirect_dma semaphore(%run_scoped3A_345 : memref<!tpu.dma_semaphore, #tpu.memory_space<semaphore_mem>>) src(%dma_wait3A_359 : memref<80x128xf32, #tpu.memory_space<vmem>>) dst(%dma_wait3A_365 : memref<10240x128xf32, #tpu.memory_space<vmem_shared>>)
        tpu.yield
      }) : () -> ()
      %add3A_267 = arith.constant 4 : i32
      %add3A_268 = arith.addi %add3A_250, %add3A_267 : i32
      %lt3A_269 = arith.constant 128 : i32
      %lt3A_270 = arith.cmpi slt, %add3A_268, %lt3A_269 : i32
      %convert_element_type3A_271 = arith.extui %lt3A_270 : i1 to i32
      %cond3A_272 = arith.constant 0 : i32
      %cond3A_273 = arith.cmpi ne, %convert_element_type3A_271, %cond3A_272 : i32
      scf.if %cond3A_273 {
        %add3A_345 = arith.constant 4 : i32
        %add3A_346 = arith.addi %add3A_250, %add3A_345 : i32
        %dma_start3A_347 = arith.constant 1 : i32
        %dma_start3A_348 = arith.constant 0 : i32
        %dma_start3A_349 = arith.constant 0 : i32
        %dma_start3A_350 = tpu.memref_slice %arg5[%dma_start3A_347, %dma_start3A_348, %dma_start3A_349] : memref<4x2x80xi32, #tpu.memory_space<vmem>> -> memref<1x2x80xi32, #tpu.memory_space<vmem>>
        %dma_start3A_351 = tpu.memref_squeeze %dma_start3A_350 : memref<1x2x80xi32, #tpu.memory_space<vmem>> -> memref<2x80xi32, #tpu.memory_space<vmem>>
        %dma_start3A_352 = arith.constant 0 : i32
        %dma_start3A_353 = arith.constant 0 : i32
        %dma_start3A_354 = tpu.memref_slice %arg3[%arg0, %arg1, %add3A_346, %dma_start3A_352, %dma_start3A_353] : memref<2x16x128x2x80xi32, #tpu.memory_space<hbm>> -> memref<1x1x1x2x80xi32, #tpu.memory_space<hbm>>
        %dma_start3A_355 = tpu.memref_squeeze %dma_start3A_354 : memref<1x1x1x2x80xi32, #tpu.memory_space<hbm>> -> memref<2x80xi32, #tpu.memory_space<hbm>>
        %dma_start3A_356 = arith.constant 0 : i32
        %dma_start3A_357 = arith.constant 0 : i32
        %dma_start3A_358 = tpu.memref_slice %arg5[%dma_start3A_347, %dma_start3A_356, %dma_start3A_357] : memref<4x2x80xi32, #tpu.memory_space<vmem>> -> memref<1x2x80xi32, #tpu.memory_space<vmem>>
        %dma_start3A_359 = tpu.memref_squeeze %dma_start3A_358 : memref<1x2x80xi32, #tpu.memory_space<vmem>> -> memref<2x80xi32, #tpu.memory_space<vmem>>
        %dma_start3A_360 = arith.constant 0 : i32
        %dma_start3A_361 = arith.constant 0 : i32
        %dma_start3A_362 = tpu.memref_slice %arg3[%arg0, %arg1, %add3A_346, %dma_start3A_360, %dma_start3A_361] : memref<2x16x128x2x80xi32, #tpu.memory_space<hbm>> -> memref<1x1x1x2x80xi32, #tpu.memory_space<hbm>>
        %dma_start3A_363 = tpu.memref_squeeze %dma_start3A_362 : memref<1x1x1x2x80xi32, #tpu.memory_space<hbm>> -> memref<2x80xi32, #tpu.memory_space<hbm>>
        tpu.enqueue_dma source(%dma_start3A_363 : memref<2x80xi32, #tpu.memory_space<hbm>>) target(%dma_start3A_359 : memref<2x80xi32, #tpu.memory_space<vmem>>) target_semaphore(%arg13 : memref<!tpu.dma_semaphore, #tpu.memory_space<semaphore_mem>>)
      } else {
      }
      %add3A_274 = arith.constant 3 : i32
      %add3A_275 = arith.addi %add3A_250, %add3A_274 : i32
      %lt3A_276 = arith.constant 128 : i32
      %lt3A_277 = arith.cmpi slt, %add3A_275, %lt3A_276 : i32
      %convert_element_type3A_278 = arith.extui %lt3A_277 : i1 to i32
      %cond3A_279 = arith.constant 0 : i32
      %cond3A_280 = arith.cmpi ne, %convert_element_type3A_278, %cond3A_279 : i32
      scf.if %cond3A_280 {
        %add3A_345 = arith.constant 3 : i32
        %add3A_346 = arith.addi %add3A_250, %add3A_345 : i32
        %dma_wait3A_347 = arith.constant 0 : i32
        %dma_wait3A_348 = arith.constant 0 : i32
        %dma_wait3A_349 = arith.constant 0 : i32
        %dma_wait3A_350 = tpu.memref_slice %arg5[%dma_wait3A_347, %dma_wait3A_348, %dma_wait3A_349] : memref<4x2x80xi32, #tpu.memory_space<vmem>> -> memref<1x2x80xi32, #tpu.memory_space<vmem>>
        %dma_wait3A_351 = tpu.memref_squeeze %dma_wait3A_350 : memref<1x2x80xi32, #tpu.memory_space<vmem>> -> memref<2x80xi32, #tpu.memory_space<vmem>>
        %dma_wait3A_352 = arith.constant 0 : i32
        %dma_wait3A_353 = arith.constant 0 : i32
        %dma_wait3A_354 = tpu.memref_slice %arg3[%arg0, %arg1, %add3A_346, %dma_wait3A_352, %dma_wait3A_353] : memref<2x16x128x2x80xi32, #tpu.memory_space<hbm>> -> memref<1x1x1x2x80xi32, #tpu.memory_space<hbm>>
        %dma_wait3A_355 = tpu.memref_squeeze %dma_wait3A_354 : memref<1x1x1x2x80xi32, #tpu.memory_space<hbm>> -> memref<2x80xi32, #tpu.memory_space<hbm>>
        %dma_wait3A_356 = arith.constant 0 : i32
        %dma_wait3A_357 = arith.constant 0 : i32
        %dma_wait3A_358 = tpu.memref_slice %arg5[%dma_wait3A_347, %dma_wait3A_356, %dma_wait3A_357] : memref<4x2x80xi32, #tpu.memory_space<vmem>> -> memref<1x2x80xi32, #tpu.memory_space<vmem>>
        %dma_wait3A_359 = tpu.memref_squeeze %dma_wait3A_358 : memref<1x2x80xi32, #tpu.memory_space<vmem>> -> memref<2x80xi32, #tpu.memory_space<vmem>>
        %dma_wait3A_360 = arith.constant 0 : i32
        %dma_wait3A_361 = arith.constant 0 : i32
        %dma_wait3A_362 = tpu.memref_slice %arg3[%arg0, %arg1, %add3A_346, %dma_wait3A_360, %dma_wait3A_361] : memref<2x16x128x2x80xi32, #tpu.memory_space<hbm>> -> memref<1x1x1x2x80xi32, #tpu.memory_space<hbm>>
        %dma_wait3A_363 = tpu.memref_squeeze %dma_wait3A_362 : memref<1x1x1x2x80xi32, #tpu.memory_space<hbm>> -> memref<2x80xi32, #tpu.memory_space<hbm>>
        tpu.wait_dma2 semaphore(%arg12 : memref<!tpu.dma_semaphore, #tpu.memory_space<semaphore_mem>>) src(%dma_wait3A_363 : memref<2x80xi32, #tpu.memory_space<hbm>>) dst(%dma_wait3A_359 : memref<2x80xi32, #tpu.memory_space<vmem>>)
        %dma_start3A_364 = arith.constant 0 : i32
        %dma_start3A_365 = arith.constant 0 : i32
        %dma_start3A_366 = arith.constant 0 : i32
        %dma_start3A_367 = arith.constant 0 : i32
        %dma_start3A_368 = arith.constant 0 : i32
        %dma_start3A_369 = tpu.memref_slice %arg6[%dma_start3A_366, %dma_start3A_367, %dma_start3A_368] : memref<4x80x128xf32, #tpu.memory_space<vmem>> -> memref<1x80x128xf32, #tpu.memory_space<vmem>>
        %dma_start3A_370 = tpu.memref_squeeze %dma_start3A_369 : memref<1x80x128xf32, #tpu.memory_space<vmem>> -> memref<80x128xf32, #tpu.memory_space<vmem>>
        %dma_start3A_371 = arith.constant 0 : i32
        %dma_start3A_372 = tpu.memref_slice %arg5[%dma_start3A_364, %dma_start3A_365, %dma_start3A_371] : memref<4x2x80xi32, #tpu.memory_space<vmem>> -> memref<1x1x80xi32, #tpu.memory_space<vmem>>
        %dma_start3A_373 = tpu.memref_squeeze %dma_start3A_372 : memref<1x1x80xi32, #tpu.memory_space<vmem>> -> memref<80xi32, #tpu.memory_space<vmem>>
        %dma_start3A_374 = arith.constant 0 : i32
        %dma_start3A_375 = arith.constant 0 : i32
        %dma_start3A_376 = tpu.memref_slice %arg2[%dma_start3A_374, %dma_start3A_375] : memref<10000x128xf32, #tpu.memory_space<hbm>> -> memref<10000x128xf32, #tpu.memory_space<hbm>>
        tpu.enqueue_indirect_dma source(%dma_start3A_376 : memref<10000x128xf32, #tpu.memory_space<hbm>>) target(%dma_start3A_370 : memref<80x128xf32, #tpu.memory_space<vmem>>) offsets(%dma_start3A_373 : memref<80xi32, #tpu.memory_space<vmem>>) semaphore(%arg8 : memref<!tpu.dma_semaphore, #tpu.memory_space<semaphore_mem>>)
      } else {
      }
      %add3A_281 = arith.constant 2 : i32
      %add3A_282 = arith.addi %mul3A_219, %add3A_281 : i32
      %dma_wait3A_283 = arith.constant 2 : i32
      %dma_wait3A_284 = arith.constant 0 : i32
      %dma_wait3A_285 = arith.constant 2 : i32
      %dma_wait3A_286 = arith.constant 0 : i32
      %dma_wait3A_287 = arith.constant 0 : i32
      %dma_wait3A_288 = tpu.memref_slice %arg6[%dma_wait3A_285, %dma_wait3A_286, %dma_wait3A_287] : memref<4x80x128xf32, #tpu.memory_space<vmem>> -> memref<1x80x128xf32, #tpu.memory_space<vmem>>
      %dma_wait3A_289 = tpu.memref_squeeze %dma_wait3A_288 : memref<1x80x128xf32, #tpu.memory_space<vmem>> -> memref<80x128xf32, #tpu.memory_space<vmem>>
      %dma_wait3A_290 = arith.constant 0 : i32
      %dma_wait3A_291 = tpu.memref_slice %arg5[%dma_wait3A_283, %dma_wait3A_284, %dma_wait3A_290] : memref<4x2x80xi32, #tpu.memory_space<vmem>> -> memref<1x1x80xi32, #tpu.memory_space<vmem>>
      %dma_wait3A_292 = tpu.memref_squeeze %dma_wait3A_291 : memref<1x1x80xi32, #tpu.memory_space<vmem>> -> memref<80xi32, #tpu.memory_space<vmem>>
      %dma_wait3A_293 = arith.constant 0 : i32
      %dma_wait3A_294 = arith.constant 0 : i32
      %dma_wait3A_295 = tpu.memref_slice %arg2[%dma_wait3A_293, %dma_wait3A_294] : memref<10000x128xf32, #tpu.memory_space<hbm>> -> memref<10000x128xf32, #tpu.memory_space<hbm>>
      tpu.wait_indirect_dma semaphore(%arg10 : memref<!tpu.dma_semaphore, #tpu.memory_space<semaphore_mem>>) src(%dma_wait3A_295 : memref<10000x128xf32, #tpu.memory_space<hbm>>) dst(%dma_wait3A_289 : memref<80x128xf32, #tpu.memory_space<vmem>>)
      %run_scoped3A_296 = arith.constant 2 : i32
      %run_scoped3A_297 = arith.constant 2 : i32
      %run_scoped3A_298 = arith.constant 1 : i32
      "tpu.region"() ({
        %run_scoped3A_345 = tpu.sem_alloc : memref<!tpu.dma_semaphore, #tpu.memory_space<semaphore_mem>>
        %dma_start3A_346 = arith.constant 0 : i32
        %dma_start3A_347 = arith.constant 0 : i32
        %dma_start3A_348 = tpu.memref_slice %arg6[%run_scoped3A_296, %dma_start3A_346, %dma_start3A_347] : memref<4x80x128xf32, #tpu.memory_space<vmem>> -> memref<1x80x128xf32, #tpu.memory_space<vmem>>
        %dma_start3A_349 = tpu.memref_squeeze %dma_start3A_348 : memref<1x80x128xf32, #tpu.memory_space<vmem>> -> memref<80x128xf32, #tpu.memory_space<vmem>>
        %dma_start3A_350 = arith.constant 0 : i32
        %dma_start3A_351 = tpu.memref_slice %arg5[%run_scoped3A_297, %run_scoped3A_298, %dma_start3A_350] : memref<4x2x80xi32, #tpu.memory_space<vmem>> -> memref<1x1x80xi32, #tpu.memory_space<vmem>>
        %dma_start3A_352 = tpu.memref_squeeze %dma_start3A_351 : memref<1x1x80xi32, #tpu.memory_space<vmem>> -> memref<80xi32, #tpu.memory_space<vmem>>
        %dma_start3A_353 = arith.constant 0 : i32
        %dma_start3A_354 = arith.constant 0 : i32
        %dma_start3A_355 = tpu.memref_slice %arg7[%dma_start3A_353, %dma_start3A_354] : memref<10240x128xf32, #tpu.memory_space<vmem_shared>> -> memref<10240x128xf32, #tpu.memory_space<vmem_shared>>
        tpu.enqueue_indirect_dma source(%dma_start3A_349 : memref<80x128xf32, #tpu.memory_space<vmem>>) target(%dma_start3A_355 : memref<10240x128xf32, #tpu.memory_space<vmem_shared>>) offsets(%dma_start3A_352 : memref<80xi32, #tpu.memory_space<vmem>>) semaphore(%run_scoped3A_345 : memref<!tpu.dma_semaphore, #tpu.memory_space<semaphore_mem>>) {add = true}
        %dma_wait3A_356 = arith.constant 0 : i32
        %dma_wait3A_357 = arith.constant 0 : i32
        %dma_wait3A_358 = tpu.memref_slice %arg6[%run_scoped3A_296, %dma_wait3A_356, %dma_wait3A_357] : memref<4x80x128xf32, #tpu.memory_space<vmem>> -> memref<1x80x128xf32, #tpu.memory_space<vmem>>
        %dma_wait3A_359 = tpu.memref_squeeze %dma_wait3A_358 : memref<1x80x128xf32, #tpu.memory_space<vmem>> -> memref<80x128xf32, #tpu.memory_space<vmem>>
        %dma_wait3A_360 = arith.constant 0 : i32
        %dma_wait3A_361 = tpu.memref_slice %arg5[%run_scoped3A_297, %run_scoped3A_298, %dma_wait3A_360] : memref<4x2x80xi32, #tpu.memory_space<vmem>> -> memref<1x1x80xi32, #tpu.memory_space<vmem>>
        %dma_wait3A_362 = tpu.memref_squeeze %dma_wait3A_361 : memref<1x1x80xi32, #tpu.memory_space<vmem>> -> memref<80xi32, #tpu.memory_space<vmem>>
        %dma_wait3A_363 = arith.constant 0 : i32
        %dma_wait3A_364 = arith.constant 0 : i32
        %dma_wait3A_365 = tpu.memref_slice %arg7[%dma_wait3A_363, %dma_wait3A_364] : memref<10240x128xf32, #tpu.memory_space<vmem_shared>> -> memref<10240x128xf32, #tpu.memory_space<vmem_shared>>
        tpu.wait_indirect_dma semaphore(%run_scoped3A_345 : memref<!tpu.dma_semaphore, #tpu.memory_space<semaphore_mem>>) src(%dma_wait3A_359 : memref<80x128xf32, #tpu.memory_space<vmem>>) dst(%dma_wait3A_365 : memref<10240x128xf32, #tpu.memory_space<vmem_shared>>)
        tpu.yield
      }) : () -> ()
      %add3A_299 = arith.constant 4 : i32
      %add3A_300 = arith.addi %add3A_282, %add3A_299 : i32
      %lt3A_301 = arith.constant 128 : i32
      %lt3A_302 = arith.cmpi slt, %add3A_300, %lt3A_301 : i32
      %convert_element_type3A_303 = arith.extui %lt3A_302 : i1 to i32
      %cond3A_304 = arith.constant 0 : i32
      %cond3A_305 = arith.cmpi ne, %convert_element_type3A_303, %cond3A_304 : i32
      scf.if %cond3A_305 {
        %add3A_345 = arith.constant 4 : i32
        %add3A_346 = arith.addi %add3A_282, %add3A_345 : i32
        %dma_start3A_347 = arith.constant 2 : i32
        %dma_start3A_348 = arith.constant 0 : i32
        %dma_start3A_349 = arith.constant 0 : i32
        %dma_start3A_350 = tpu.memref_slice %arg5[%dma_start3A_347, %dma_start3A_348, %dma_start3A_349] : memref<4x2x80xi32, #tpu.memory_space<vmem>> -> memref<1x2x80xi32, #tpu.memory_space<vmem>>
        %dma_start3A_351 = tpu.memref_squeeze %dma_start3A_350 : memref<1x2x80xi32, #tpu.memory_space<vmem>> -> memref<2x80xi32, #tpu.memory_space<vmem>>
        %dma_start3A_352 = arith.constant 0 : i32
        %dma_start3A_353 = arith.constant 0 : i32
        %dma_start3A_354 = tpu.memref_slice %arg3[%arg0, %arg1, %add3A_346, %dma_start3A_352, %dma_start3A_353] : memref<2x16x128x2x80xi32, #tpu.memory_space<hbm>> -> memref<1x1x1x2x80xi32, #tpu.memory_space<hbm>>
        %dma_start3A_355 = tpu.memref_squeeze %dma_start3A_354 : memref<1x1x1x2x80xi32, #tpu.memory_space<hbm>> -> memref<2x80xi32, #tpu.memory_space<hbm>>
        %dma_start3A_356 = arith.constant 0 : i32
        %dma_start3A_357 = arith.constant 0 : i32
        %dma_start3A_358 = tpu.memref_slice %arg5[%dma_start3A_347, %dma_start3A_356, %dma_start3A_357] : memref<4x2x80xi32, #tpu.memory_space<vmem>> -> memref<1x2x80xi32, #tpu.memory_space<vmem>>
        %dma_start3A_359 = tpu.memref_squeeze %dma_start3A_358 : memref<1x2x80xi32, #tpu.memory_space<vmem>> -> memref<2x80xi32, #tpu.memory_space<vmem>>
        %dma_start3A_360 = arith.constant 0 : i32
        %dma_start3A_361 = arith.constant 0 : i32
        %dma_start3A_362 = tpu.memref_slice %arg3[%arg0, %arg1, %add3A_346, %dma_start3A_360, %dma_start3A_361] : memref<2x16x128x2x80xi32, #tpu.memory_space<hbm>> -> memref<1x1x1x2x80xi32, #tpu.memory_space<hbm>>
        %dma_start3A_363 = tpu.memref_squeeze %dma_start3A_362 : memref<1x1x1x2x80xi32, #tpu.memory_space<hbm>> -> memref<2x80xi32, #tpu.memory_space<hbm>>
        tpu.enqueue_dma source(%dma_start3A_363 : memref<2x80xi32, #tpu.memory_space<hbm>>) target(%dma_start3A_359 : memref<2x80xi32, #tpu.memory_space<vmem>>) target_semaphore(%arg14 : memref<!tpu.dma_semaphore, #tpu.memory_space<semaphore_mem>>)
      } else {
      }
      %add3A_306 = arith.constant 3 : i32
      %add3A_307 = arith.addi %add3A_282, %add3A_306 : i32
      %lt3A_308 = arith.constant 128 : i32
      %lt3A_309 = arith.cmpi slt, %add3A_307, %lt3A_308 : i32
      %convert_element_type3A_310 = arith.extui %lt3A_309 : i1 to i32
      %cond3A_311 = arith.constant 0 : i32
      %cond3A_312 = arith.cmpi ne, %convert_element_type3A_310, %cond3A_311 : i32
      scf.if %cond3A_312 {
        %add3A_345 = arith.constant 3 : i32
        %add3A_346 = arith.addi %add3A_282, %add3A_345 : i32
        %dma_wait3A_347 = arith.constant 1 : i32
        %dma_wait3A_348 = arith.constant 0 : i32
        %dma_wait3A_349 = arith.constant 0 : i32
        %dma_wait3A_350 = tpu.memref_slice %arg5[%dma_wait3A_347, %dma_wait3A_348, %dma_wait3A_349] : memref<4x2x80xi32, #tpu.memory_space<vmem>> -> memref<1x2x80xi32, #tpu.memory_space<vmem>>
        %dma_wait3A_351 = tpu.memref_squeeze %dma_wait3A_350 : memref<1x2x80xi32, #tpu.memory_space<vmem>> -> memref<2x80xi32, #tpu.memory_space<vmem>>
        %dma_wait3A_352 = arith.constant 0 : i32
        %dma_wait3A_353 = arith.constant 0 : i32
        %dma_wait3A_354 = tpu.memref_slice %arg3[%arg0, %arg1, %add3A_346, %dma_wait3A_352, %dma_wait3A_353] : memref<2x16x128x2x80xi32, #tpu.memory_space<hbm>> -> memref<1x1x1x2x80xi32, #tpu.memory_space<hbm>>
        %dma_wait3A_355 = tpu.memref_squeeze %dma_wait3A_354 : memref<1x1x1x2x80xi32, #tpu.memory_space<hbm>> -> memref<2x80xi32, #tpu.memory_space<hbm>>
        %dma_wait3A_356 = arith.constant 0 : i32
        %dma_wait3A_357 = arith.constant 0 : i32
        %dma_wait3A_358 = tpu.memref_slice %arg5[%dma_wait3A_347, %dma_wait3A_356, %dma_wait3A_357] : memref<4x2x80xi32, #tpu.memory_space<vmem>> -> memref<1x2x80xi32, #tpu.memory_space<vmem>>
        %dma_wait3A_359 = tpu.memref_squeeze %dma_wait3A_358 : memref<1x2x80xi32, #tpu.memory_space<vmem>> -> memref<2x80xi32, #tpu.memory_space<vmem>>
        %dma_wait3A_360 = arith.constant 0 : i32
        %dma_wait3A_361 = arith.constant 0 : i32
        %dma_wait3A_362 = tpu.memref_slice %arg3[%arg0, %arg1, %add3A_346, %dma_wait3A_360, %dma_wait3A_361] : memref<2x16x128x2x80xi32, #tpu.memory_space<hbm>> -> memref<1x1x1x2x80xi32, #tpu.memory_space<hbm>>
        %dma_wait3A_363 = tpu.memref_squeeze %dma_wait3A_362 : memref<1x1x1x2x80xi32, #tpu.memory_space<hbm>> -> memref<2x80xi32, #tpu.memory_space<hbm>>
        tpu.wait_dma2 semaphore(%arg13 : memref<!tpu.dma_semaphore, #tpu.memory_space<semaphore_mem>>) src(%dma_wait3A_363 : memref<2x80xi32, #tpu.memory_space<hbm>>) dst(%dma_wait3A_359 : memref<2x80xi32, #tpu.memory_space<vmem>>)
        %dma_start3A_364 = arith.constant 1 : i32
        %dma_start3A_365 = arith.constant 0 : i32
        %dma_start3A_366 = arith.constant 1 : i32
        %dma_start3A_367 = arith.constant 0 : i32
        %dma_start3A_368 = arith.constant 0 : i32
        %dma_start3A_369 = tpu.memref_slice %arg6[%dma_start3A_366, %dma_start3A_367, %dma_start3A_368] : memref<4x80x128xf32, #tpu.memory_space<vmem>> -> memref<1x80x128xf32, #tpu.memory_space<vmem>>
        %dma_start3A_370 = tpu.memref_squeeze %dma_start3A_369 : memref<1x80x128xf32, #tpu.memory_space<vmem>> -> memref<80x128xf32, #tpu.memory_space<vmem>>
        %dma_start3A_371 = arith.constant 0 : i32
        %dma_start3A_372 = tpu.memref_slice %arg5[%dma_start3A_364, %dma_start3A_365, %dma_start3A_371] : memref<4x2x80xi32, #tpu.memory_space<vmem>> -> memref<1x1x80xi32, #tpu.memory_space<vmem>>
        %dma_start3A_373 = tpu.memref_squeeze %dma_start3A_372 : memref<1x1x80xi32, #tpu.memory_space<vmem>> -> memref<80xi32, #tpu.memory_space<vmem>>
        %dma_start3A_374 = arith.constant 0 : i32
        %dma_start3A_375 = arith.constant 0 : i32
        %dma_start3A_376 = tpu.memref_slice %arg2[%dma_start3A_374, %dma_start3A_375] : memref<10000x128xf32, #tpu.memory_space<hbm>> -> memref<10000x128xf32, #tpu.memory_space<hbm>>
        tpu.enqueue_indirect_dma source(%dma_start3A_376 : memref<10000x128xf32, #tpu.memory_space<hbm>>) target(%dma_start3A_370 : memref<80x128xf32, #tpu.memory_space<vmem>>) offsets(%dma_start3A_373 : memref<80xi32, #tpu.memory_space<vmem>>) semaphore(%arg9 : memref<!tpu.dma_semaphore, #tpu.memory_space<semaphore_mem>>)
      } else {
      }
      %add3A_313 = arith.constant 3 : i32
      %add3A_314 = arith.addi %mul3A_219, %add3A_313 : i32
      %dma_wait3A_315 = arith.constant 3 : i32
      %dma_wait3A_316 = arith.constant 0 : i32
      %dma_wait3A_317 = arith.constant 3 : i32
      %dma_wait3A_318 = arith.constant 0 : i32
      %dma_wait3A_319 = arith.constant 0 : i32
      %dma_wait3A_320 = tpu.memref_slice %arg6[%dma_wait3A_317, %dma_wait3A_318, %dma_wait3A_319] : memref<4x80x128xf32, #tpu.memory_space<vmem>> -> memref<1x80x128xf32, #tpu.memory_space<vmem>>
      %dma_wait3A_321 = tpu.memref_squeeze %dma_wait3A_320 : memref<1x80x128xf32, #tpu.memory_space<vmem>> -> memref<80x128xf32, #tpu.memory_space<vmem>>
      %dma_wait3A_322 = arith.constant 0 : i32
      %dma_wait3A_323 = tpu.memref_slice %arg5[%dma_wait3A_315, %dma_wait3A_316, %dma_wait3A_322] : memref<4x2x80xi32, #tpu.memory_space<vmem>> -> memref<1x1x80xi32, #tpu.memory_space<vmem>>
      %dma_wait3A_324 = tpu.memref_squeeze %dma_wait3A_323 : memref<1x1x80xi32, #tpu.memory_space<vmem>> -> memref<80xi32, #tpu.memory_space<vmem>>
      %dma_wait3A_325 = arith.constant 0 : i32
      %dma_wait3A_326 = arith.constant 0 : i32
      %dma_wait3A_327 = tpu.memref_slice %arg2[%dma_wait3A_325, %dma_wait3A_326] : memref<10000x128xf32, #tpu.memory_space<hbm>> -> memref<10000x128xf32, #tpu.memory_space<hbm>>
      tpu.wait_indirect_dma semaphore(%arg11 : memref<!tpu.dma_semaphore, #tpu.memory_space<semaphore_mem>>) src(%dma_wait3A_327 : memref<10000x128xf32, #tpu.memory_space<hbm>>) dst(%dma_wait3A_321 : memref<80x128xf32, #tpu.memory_space<vmem>>)
      %run_scoped3A_328 = arith.constant 3 : i32
      %run_scoped3A_329 = arith.constant 3 : i32
      %run_scoped3A_330 = arith.constant 1 : i32
      "tpu.region"() ({
        %run_scoped3A_345 = tpu.sem_alloc : memref<!tpu.dma_semaphore, #tpu.memory_space<semaphore_mem>>
        %dma_start3A_346 = arith.constant 0 : i32
        %dma_start3A_347 = arith.constant 0 : i32
        %dma_start3A_348 = tpu.memref_slice %arg6[%run_scoped3A_328, %dma_start3A_346, %dma_start3A_347] : memref<4x80x128xf32, #tpu.memory_space<vmem>> -> memref<1x80x128xf32, #tpu.memory_space<vmem>>
        %dma_start3A_349 = tpu.memref_squeeze %dma_start3A_348 : memref<1x80x128xf32, #tpu.memory_space<vmem>> -> memref<80x128xf32, #tpu.memory_space<vmem>>
        %dma_start3A_350 = arith.constant 0 : i32
        %dma_start3A_351 = tpu.memref_slice %arg5[%run_scoped3A_329, %run_scoped3A_330, %dma_start3A_350] : memref<4x2x80xi32, #tpu.memory_space<vmem>> -> memref<1x1x80xi32, #tpu.memory_space<vmem>>
        %dma_start3A_352 = tpu.memref_squeeze %dma_start3A_351 : memref<1x1x80xi32, #tpu.memory_space<vmem>> -> memref<80xi32, #tpu.memory_space<vmem>>
        %dma_start3A_353 = arith.constant 0 : i32
        %dma_start3A_354 = arith.constant 0 : i32
        %dma_start3A_355 = tpu.memref_slice %arg7[%dma_start3A_353, %dma_start3A_354] : memref<10240x128xf32, #tpu.memory_space<vmem_shared>> -> memref<10240x128xf32, #tpu.memory_space<vmem_shared>>
        tpu.enqueue_indirect_dma source(%dma_start3A_349 : memref<80x128xf32, #tpu.memory_space<vmem>>) target(%dma_start3A_355 : memref<10240x128xf32, #tpu.memory_space<vmem_shared>>) offsets(%dma_start3A_352 : memref<80xi32, #tpu.memory_space<vmem>>) semaphore(%run_scoped3A_345 : memref<!tpu.dma_semaphore, #tpu.memory_space<semaphore_mem>>) {add = true}
        %dma_wait3A_356 = arith.constant 0 : i32
        %dma_wait3A_357 = arith.constant 0 : i32
        %dma_wait3A_358 = tpu.memref_slice %arg6[%run_scoped3A_328, %dma_wait3A_356, %dma_wait3A_357] : memref<4x80x128xf32, #tpu.memory_space<vmem>> -> memref<1x80x128xf32, #tpu.memory_space<vmem>>
        %dma_wait3A_359 = tpu.memref_squeeze %dma_wait3A_358 : memref<1x80x128xf32, #tpu.memory_space<vmem>> -> memref<80x128xf32, #tpu.memory_space<vmem>>
        %dma_wait3A_360 = arith.constant 0 : i32
        %dma_wait3A_361 = tpu.memref_slice %arg5[%run_scoped3A_329, %run_scoped3A_330, %dma_wait3A_360] : memref<4x2x80xi32, #tpu.memory_space<vmem>> -> memref<1x1x80xi32, #tpu.memory_space<vmem>>
        %dma_wait3A_362 = tpu.memref_squeeze %dma_wait3A_361 : memref<1x1x80xi32, #tpu.memory_space<vmem>> -> memref<80xi32, #tpu.memory_space<vmem>>
        %dma_wait3A_363 = arith.constant 0 : i32
        %dma_wait3A_364 = arith.constant 0 : i32
        %dma_wait3A_365 = tpu.memref_slice %arg7[%dma_wait3A_363, %dma_wait3A_364] : memref<10240x128xf32, #tpu.memory_space<vmem_shared>> -> memref<10240x128xf32, #tpu.memory_space<vmem_shared>>
        tpu.wait_indirect_dma semaphore(%run_scoped3A_345 : memref<!tpu.dma_semaphore, #tpu.memory_space<semaphore_mem>>) src(%dma_wait3A_359 : memref<80x128xf32, #tpu.memory_space<vmem>>) dst(%dma_wait3A_365 : memref<10240x128xf32, #tpu.memory_space<vmem_shared>>)
        tpu.yield
      }) : () -> ()
      %add3A_331 = arith.constant 4 : i32
      %add3A_332 = arith.addi %add3A_314, %add3A_331 : i32
      %lt3A_333 = arith.constant 128 : i32
      %lt3A_334 = arith.cmpi slt, %add3A_332, %lt3A_333 : i32
      %convert_element_type3A_335 = arith.extui %lt3A_334 : i1 to i32
      %cond3A_336 = arith.constant 0 : i32
      %cond3A_337 = arith.cmpi ne, %convert_element_type3A_335, %cond3A_336 : i32
      scf.if %cond3A_337 {
        %add3A_345 = arith.constant 4 : i32
        %add3A_346 = arith.addi %add3A_314, %add3A_345 : i32
        %dma_start3A_347 = arith.constant 3 : i32
        %dma_start3A_348 = arith.constant 0 : i32
        %dma_start3A_349 = arith.constant 0 : i32
        %dma_start3A_350 = tpu.memref_slice %arg5[%dma_start3A_347, %dma_start3A_348, %dma_start3A_349] : memref<4x2x80xi32, #tpu.memory_space<vmem>> -> memref<1x2x80xi32, #tpu.memory_space<vmem>>
        %dma_start3A_351 = tpu.memref_squeeze %dma_start3A_350 : memref<1x2x80xi32, #tpu.memory_space<vmem>> -> memref<2x80xi32, #tpu.memory_space<vmem>>
        %dma_start3A_352 = arith.constant 0 : i32
        %dma_start3A_353 = arith.constant 0 : i32
        %dma_start3A_354 = tpu.memref_slice %arg3[%arg0, %arg1, %add3A_346, %dma_start3A_352, %dma_start3A_353] : memref<2x16x128x2x80xi32, #tpu.memory_space<hbm>> -> memref<1x1x1x2x80xi32, #tpu.memory_space<hbm>>
        %dma_start3A_355 = tpu.memref_squeeze %dma_start3A_354 : memref<1x1x1x2x80xi32, #tpu.memory_space<hbm>> -> memref<2x80xi32, #tpu.memory_space<hbm>>
        %dma_start3A_356 = arith.constant 0 : i32
        %dma_start3A_357 = arith.constant 0 : i32
        %dma_start3A_358 = tpu.memref_slice %arg5[%dma_start3A_347, %dma_start3A_356, %dma_start3A_357] : memref<4x2x80xi32, #tpu.memory_space<vmem>> -> memref<1x2x80xi32, #tpu.memory_space<vmem>>
        %dma_start3A_359 = tpu.memref_squeeze %dma_start3A_358 : memref<1x2x80xi32, #tpu.memory_space<vmem>> -> memref<2x80xi32, #tpu.memory_space<vmem>>
        %dma_start3A_360 = arith.constant 0 : i32
        %dma_start3A_361 = arith.constant 0 : i32
        %dma_start3A_362 = tpu.memref_slice %arg3[%arg0, %arg1, %add3A_346, %dma_start3A_360, %dma_start3A_361] : memref<2x16x128x2x80xi32, #tpu.memory_space<hbm>> -> memref<1x1x1x2x80xi32, #tpu.memory_space<hbm>>
        %dma_start3A_363 = tpu.memref_squeeze %dma_start3A_362 : memref<1x1x1x2x80xi32, #tpu.memory_space<hbm>> -> memref<2x80xi32, #tpu.memory_space<hbm>>
        tpu.enqueue_dma source(%dma_start3A_363 : memref<2x80xi32, #tpu.memory_space<hbm>>) target(%dma_start3A_359 : memref<2x80xi32, #tpu.memory_space<vmem>>) target_semaphore(%arg15 : memref<!tpu.dma_semaphore, #tpu.memory_space<semaphore_mem>>)
      } else {
      }
      %add3A_338 = arith.constant 3 : i32
      %add3A_339 = arith.addi %add3A_314, %add3A_338 : i32
      %lt3A_340 = arith.constant 128 : i32
      %lt3A_341 = arith.cmpi slt, %add3A_339, %lt3A_340 : i32
      %convert_element_type3A_342 = arith.extui %lt3A_341 : i1 to i32
      %cond3A_343 = arith.constant 0 : i32
      %cond3A_344 = arith.cmpi ne, %convert_element_type3A_342, %cond3A_343 : i32
      scf.if %cond3A_344 {
        %add3A_345 = arith.constant 3 : i32
        %add3A_346 = arith.addi %add3A_314, %add3A_345 : i32
        %dma_wait3A_347 = arith.constant 2 : i32
        %dma_wait3A_348 = arith.constant 0 : i32
        %dma_wait3A_349 = arith.constant 0 : i32
        %dma_wait3A_350 = tpu.memref_slice %arg5[%dma_wait3A_347, %dma_wait3A_348, %dma_wait3A_349] : memref<4x2x80xi32, #tpu.memory_space<vmem>> -> memref<1x2x80xi32, #tpu.memory_space<vmem>>
        %dma_wait3A_351 = tpu.memref_squeeze %dma_wait3A_350 : memref<1x2x80xi32, #tpu.memory_space<vmem>> -> memref<2x80xi32, #tpu.memory_space<vmem>>
        %dma_wait3A_352 = arith.constant 0 : i32
        %dma_wait3A_353 = arith.constant 0 : i32
        %dma_wait3A_354 = tpu.memref_slice %arg3[%arg0, %arg1, %add3A_346, %dma_wait3A_352, %dma_wait3A_353] : memref<2x16x128x2x80xi32, #tpu.memory_space<hbm>> -> memref<1x1x1x2x80xi32, #tpu.memory_space<hbm>>
        %dma_wait3A_355 = tpu.memref_squeeze %dma_wait3A_354 : memref<1x1x1x2x80xi32, #tpu.memory_space<hbm>> -> memref<2x80xi32, #tpu.memory_space<hbm>>
        %dma_wait3A_356 = arith.constant 0 : i32
        %dma_wait3A_357 = arith.constant 0 : i32
        %dma_wait3A_358 = tpu.memref_slice %arg5[%dma_wait3A_347, %dma_wait3A_356, %dma_wait3A_357] : memref<4x2x80xi32, #tpu.memory_space<vmem>> -> memref<1x2x80xi32, #tpu.memory_space<vmem>>
        %dma_wait3A_359 = tpu.memref_squeeze %dma_wait3A_358 : memref<1x2x80xi32, #tpu.memory_space<vmem>> -> memref<2x80xi32, #tpu.memory_space<vmem>>
        %dma_wait3A_360 = arith.constant 0 : i32
        %dma_wait3A_361 = arith.constant 0 : i32
        %dma_wait3A_362 = tpu.memref_slice %arg3[%arg0, %arg1, %add3A_346, %dma_wait3A_360, %dma_wait3A_361] : memref<2x16x128x2x80xi32, #tpu.memory_space<hbm>> -> memref<1x1x1x2x80xi32, #tpu.memory_space<hbm>>
        %dma_wait3A_363 = tpu.memref_squeeze %dma_wait3A_362 : memref<1x1x1x2x80xi32, #tpu.memory_space<hbm>> -> memref<2x80xi32, #tpu.memory_space<hbm>>
        tpu.wait_dma2 semaphore(%arg14 : memref<!tpu.dma_semaphore, #tpu.memory_space<semaphore_mem>>) src(%dma_wait3A_363 : memref<2x80xi32, #tpu.memory_space<hbm>>) dst(%dma_wait3A_359 : memref<2x80xi32, #tpu.memory_space<vmem>>)
        %dma_start3A_364 = arith.constant 2 : i32
        %dma_start3A_365 = arith.constant 0 : i32
        %dma_start3A_366 = arith.constant 2 : i32
        %dma_start3A_367 = arith.constant 0 : i32
        %dma_start3A_368 = arith.constant 0 : i32
        %dma_start3A_369 = tpu.memref_slice %arg6[%dma_start3A_366, %dma_start3A_367, %dma_start3A_368] : memref<4x80x128xf32, #tpu.memory_space<vmem>> -> memref<1x80x128xf32, #tpu.memory_space<vmem>>
        %dma_start3A_370 = tpu.memref_squeeze %dma_start3A_369 : memref<1x80x128xf32, #tpu.memory_space<vmem>> -> memref<80x128xf32, #tpu.memory_space<vmem>>
        %dma_start3A_371 = arith.constant 0 : i32
        %dma_start3A_372 = tpu.memref_slice %arg5[%dma_start3A_364, %dma_start3A_365, %dma_start3A_371] : memref<4x2x80xi32, #tpu.memory_space<vmem>> -> memref<1x1x80xi32, #tpu.memory_space<vmem>>
        %dma_start3A_373 = tpu.memref_squeeze %dma_start3A_372 : memref<1x1x80xi32, #tpu.memory_space<vmem>> -> memref<80xi32, #tpu.memory_space<vmem>>
        %dma_start3A_374 = arith.constant 0 : i32
        %dma_start3A_375 = arith.constant 0 : i32
        %dma_start3A_376 = tpu.memref_slice %arg2[%dma_start3A_374, %dma_start3A_375] : memref<10000x128xf32, #tpu.memory_space<hbm>> -> memref<10000x128xf32, #tpu.memory_space<hbm>>
        tpu.enqueue_indirect_dma source(%dma_start3A_376 : memref<10000x128xf32, #tpu.memory_space<hbm>>) target(%dma_start3A_370 : memref<80x128xf32, #tpu.memory_space<vmem>>) offsets(%dma_start3A_373 : memref<80xi32, #tpu.memory_space<vmem>>) semaphore(%arg10 : memref<!tpu.dma_semaphore, #tpu.memory_space<semaphore_mem>>)
      } else {
      }
    }
    %scan3A_211 = arith.constant 32 : i32
    %barrier3A_212 = arith.constant 0 : index
    tpu.barrier barrier_id(%barrier3A_212)
    %mul3A_213 = arith.constant 640 : i32
    %mul3A_214 = arith.muli %arg1, %mul3A_213 : i32
    %mul3A_215 = arith.constant 640 : i32
    %mul3A_216 = arith.muli %arg1, %mul3A_215 : i32
    "tpu.region"() ({
      %run_scoped3A_217 = tpu.sem_alloc : memref<!tpu.dma_semaphore, #tpu.memory_space<semaphore_mem>>
      %dma_start3A_218 = arith.constant 0 : i32
      %dma_start3A_219 = tpu.memref_slice %arg4[%arg0, %mul3A_216, %dma_start3A_218] : memref<2x10240x128xf32, #tpu.memory_space<hbm>> -> memref<1x640x128xf32, #tpu.memory_space<hbm>>
      %dma_start3A_220 = tpu.memref_squeeze %dma_start3A_219 : memref<1x640x128xf32, #tpu.memory_space<hbm>> -> memref<640x128xf32, #tpu.memory_space<hbm>>
      %dma_start3A_221 = arith.constant 0 : i32
      %dma_start3A_222 = tpu.memref_slice %arg7[%mul3A_214, %dma_start3A_221] : memref<10240x128xf32, #tpu.memory_space<vmem_shared>> -> memref<640x128xf32, #tpu.memory_space<vmem_shared>>
      tpu.enqueue_dma source(%dma_start3A_222 : memref<640x128xf32, #tpu.memory_space<vmem_shared>>) target(%dma_start3A_220 : memref<640x128xf32, #tpu.memory_space<hbm>>) target_semaphore(%run_scoped3A_217 : memref<!tpu.dma_semaphore, #tpu.memory_space<semaphore_mem>>)
      %dma_wait3A_223 = arith.constant 0 : i32
      %dma_wait3A_224 = tpu.memref_slice %arg4[%arg0, %mul3A_216, %dma_wait3A_223] : memref<2x10240x128xf32, #tpu.memory_space<hbm>> -> memref<1x640x128xf32, #tpu.memory_space<hbm>>
      %dma_wait3A_225 = tpu.memref_squeeze %dma_wait3A_224 : memref<1x640x128xf32, #tpu.memory_space<hbm>> -> memref<640x128xf32, #tpu.memory_space<hbm>>
      %dma_wait3A_226 = arith.constant 0 : i32
      %dma_wait3A_227 = tpu.memref_slice %arg7[%mul3A_214, %dma_wait3A_226] : memref<10240x128xf32, #tpu.memory_space<vmem_shared>> -> memref<640x128xf32, #tpu.memory_space<vmem_shared>>
      tpu.wait_dma2 semaphore(%run_scoped3A_217 : memref<!tpu.dma_semaphore, #tpu.memory_space<semaphore_mem>>) src(%dma_wait3A_227 : memref<640x128xf32, #tpu.memory_space<vmem_shared>>) dst(%dma_wait3A_225 : memref<640x128xf32, #tpu.memory_space<hbm>>)
      tpu.yield
    }) : () -> ()
    return
  }
}

#map = affine_map<(d0, d1) -> (0, 0)>
#map1 = affine_map<(d0, d1) -> (0, 0, 0, 0, 0)>
#map2 = affine_map<(d0, d1) -> (0, 0, 0)>
module attributes {stable_mosaic.version = 14 : i64} {
  func.func @_sc_segment_sum(%arg0: i32, %arg1: i32, %arg2: memref<10000x128xf32, #tpu.memory_space<hbm>>, %arg3: memref<2x16x128x2x80xi32, #tpu.memory_space<hbm>>, %arg4: memref<2x10240x128xf32, #tpu.memory_space<hbm>>, %arg5: memref<4x2x80xi32, #tpu.memory_space<vmem>>, %arg6: memref<4x80x128xf32, #tpu.memory_space<vmem>>, %arg7: memref<10240x128xf32, #tpu.memory_space<vmem_shared>>, %arg8: memref<!tpu.dma_semaphore, #tpu.memory_space<semaphore_mem>>, %arg9: memref<!tpu.dma_semaphore, #tpu.memory_space<semaphore_mem>>, %arg10: memref<!tpu.dma_semaphore, #tpu.memory_space<semaphore_mem>>, %arg11: memref<!tpu.dma_semaphore, #tpu.memory_space<semaphore_mem>>, %arg12: memref<!tpu.dma_semaphore, #tpu.memory_space<semaphore_mem>>, %arg13: memref<!tpu.dma_semaphore, #tpu.memory_space<semaphore_mem>>, %arg14: memref<!tpu.dma_semaphore, #tpu.memory_space<semaphore_mem>>, %arg15: memref<!tpu.dma_semaphore, #tpu.memory_space<semaphore_mem>>) attributes {dimension_semantics = [#tpu.dimension_semantics<core_parallel>, #tpu.dimension_semantics<subcore_parallel>], iteration_bounds = array<i64: 2, 16>, scalar_prefetch = 0 : i64, scratch_operands = 11 : i64, tpu.core_type = #tpu.core_type<sc_vector_subcore>, window_params = [{transform_indices = #map}, {transform_indices = #map1}, {transform_indices = #map2}]} {
    %broadcast_in_dim3A = arith.constant 0.000000e+00 : f32
    %broadcast_in_dim3A_0 = vector.broadcast %broadcast_in_dim3A : f32 to vector<16xf32>
    %scan3A = arith.constant 0 : i32
    %scan3A_1 = arith.constant 0 : i32
    %scan3A_2 = arith.constant 640 : i32
    %scan3A_3 = arith.addi %scan3A_1, %scan3A_2 : i32
    %scan3A_4 = arith.constant 1 : i32
    scf.for %scan3A_217 = %scan3A_1 to %scan3A_3 step %scan3A_4  : i32 {
      %jit3A = arith.constant 8 : i32
      %div3A = arith.divsi %scan3A_217, %jit3A : i32
      %sign3A = arith.constant 0 : i32
      %sign3A_218 = arith.cmpi sgt, %scan3A_217, %sign3A : i32
      %sign3A_219 = arith.extui %sign3A_218 : i1 to i32
      %sign3A_220 = arith.constant 0 : i32
      %sign3A_221 = arith.cmpi slt, %scan3A_217, %sign3A_220 : i32
      %sign3A_222 = arith.extui %sign3A_221 : i1 to i32
      %sign3A_223 = arith.subi %sign3A_219, %sign3A_222 : i32
      %sign3A_224 = arith.constant 0 : i32
      %sign3A_225 = arith.cmpi sgt, %jit3A, %sign3A_224 : i32
      %sign3A_226 = arith.extui %sign3A_225 : i1 to i32
      %sign3A_227 = arith.constant 0 : i32
      %sign3A_228 = arith.cmpi slt, %jit3A, %sign3A_227 : i32
      %sign3A_229 = arith.extui %sign3A_228 : i1 to i32
      %sign3A_230 = arith.subi %sign3A_226, %sign3A_229 : i32
      %ne3A = arith.cmpi ne, %sign3A_223, %sign3A_230 : i32
      %rem3A = arith.remsi %scan3A_217, %jit3A : i32
      %ne3A_231 = arith.constant 0 : i32
      %ne3A_232 = arith.cmpi ne, %rem3A, %ne3A_231 : i32
      %and3A = arith.andi %ne3A, %ne3A_232 : i1
      %sub3A = arith.constant 1 : i32
      %sub3A_233 = arith.subi %div3A, %sub3A : i32
      %select_n3A = arith.select %and3A, %sub3A_233, %div3A : i32
      %jit3A_234 = arith.constant 8 : i32
      %eq3A = arith.constant 0 : i32
      %eq3A_235 = arith.cmpi eq, %jit3A_234, %eq3A : i32
      %jit3A_236 = arith.constant 1 : i32
      %select_n3A_237 = arith.select %eq3A_235, %jit3A_236, %jit3A_234 : i32
      %rem3A_238 = arith.remsi %scan3A_217, %select_n3A_237 : i32
      %ne3A_239 = arith.constant 0 : i32
      %ne3A_240 = arith.cmpi ne, %rem3A_238, %ne3A_239 : i32
      %lt3A = arith.constant 0 : i32
      %lt3A_241 = arith.cmpi slt, %rem3A_238, %lt3A : i32
      %lt3A_242 = arith.constant 0 : i32
      %lt3A_243 = arith.cmpi slt, %select_n3A_237, %lt3A_242 : i32
      %ne3A_244 = arith.xori %lt3A_241, %lt3A_243 : i1
      %and3A_245 = arith.andi %ne3A_244, %ne3A_240 : i1
      %add3A_246 = arith.addi %rem3A_238, %select_n3A_237 : i32
      %select_n3A_247 = arith.select %and3A_245, %add3A_246, %rem3A_238 : i32
      %mul3A_248 = arith.constant 16 : i32
      %mul3A_249 = arith.muli %select_n3A_247, %mul3A_248 : i32
      %swap3A = arith.constant 0 : i32
      %swap3A_250 = arith.index_cast %swap3A : i32 to index
      %swap3A_251 = arith.index_cast %select_n3A : i32 to index
      %swap3A_252 = arith.index_cast %mul3A_249 : i32 to index
      %swap3A_253 = tpu.vector_load %arg6[%swap3A_250, %swap3A_251, %swap3A_252] {strides = array<i32>} : memref<4x80x128xf32, #tpu.memory_space<vmem>>, vector<1x1x16xf32>,
      %swap3A_254 = vector.shape_cast %swap3A_253 : vector<1x1x16xf32> to vector<16xf32>
      %swap3A_255 = vector.shape_cast %broadcast_in_dim3A_0 : vector<16xf32> to vector<1x1x16xf32>
      tpu.vector_store %arg6[%swap3A_250, %swap3A_251, %swap3A_252], %swap3A_255 {strides = array<i32>} : memref<4x80x128xf32, #tpu.memory_space<vmem>>, vector<1x1x16xf32>,
    }
    %scan3A_5 = arith.constant 640 : i32
    %mul3A = arith.constant 640 : i32
    %mul3A_6 = arith.muli %arg1, %mul3A : i32
    %add3A = arith.constant 0 : i32
    %add3A_7 = arith.addi %mul3A_6, %add3A : i32
    %run_scoped3A = arith.constant 0 : i32
    "tpu.region"() ({
      %run_scoped3A_217 = tpu.sem_alloc : memref<!tpu.dma_semaphore, #tpu.memory_space<semaphore_mem>>
      %dma_start3A_218 = arith.constant 0 : i32
      %dma_start3A_219 = arith.constant 0 : i32
      %dma_start3A_220 = tpu.memref_slice %arg6[%run_scoped3A, %dma_start3A_218, %dma_start3A_219] : memref<4x80x128xf32, #tpu.memory_space<vmem>> -> memref<1x80x128xf32, #tpu.memory_space<vmem>>
      %dma_start3A_221 = tpu.memref_squeeze %dma_start3A_220 : memref<1x80x128xf32, #tpu.memory_space<vmem>> -> memref<80x128xf32, #tpu.memory_space<vmem>>
      %dma_start3A_222 = arith.constant 0 : i32
      %dma_start3A_223 = tpu.memref_slice %arg7[%add3A_7, %dma_start3A_222] : memref<10240x128xf32, #tpu.memory_space<vmem_shared>> -> memref<80x128xf32, #tpu.memory_space<vmem_shared>>
      %dma_start3A_224 = arith.constant 0 : i32
      %dma_start3A_225 = tpu.memref_slice %arg7[%add3A_7, %dma_start3A_224] : memref<10240x128xf32, #tpu.memory_space<vmem_shared>> -> memref<80x128xf32, #tpu.memory_space<vmem_shared>>
      %dma_start3A_226 = arith.constant 0 : i32
      %dma_start3A_227 = arith.constant 0 : i32
      %dma_start3A_228 = tpu.memref_slice %arg6[%run_scoped3A, %dma_start3A_226, %dma_start3A_227] : memref<4x80x128xf32, #tpu.memory_space<vmem>> -> memref<1x80x128xf32, #tpu.memory_space<vmem>>
      %dma_start3A_229 = tpu.memref_squeeze %dma_start3A_228 : memref<1x80x128xf32, #tpu.memory_space<vmem>> -> memref<80x128xf32, #tpu.memory_space<vmem>>
      tpu.enqueue_dma source(%dma_start3A_229 : memref<80x128xf32, #tpu.memory_space<vmem>>) target(%dma_start3A_225 : memref<80x128xf32, #tpu.memory_space<vmem_shared>>) target_semaphore(%run_scoped3A_217 : memref<!tpu.dma_semaphore, #tpu.memory_space<semaphore_mem>>)
      %dma_wait3A_230 = arith.constant 0 : i32
      %dma_wait3A_231 = arith.constant 0 : i32
      %dma_wait3A_232 = tpu.memref_slice %arg6[%run_scoped3A, %dma_wait3A_230, %dma_wait3A_231] : memref<4x80x128xf32, #tpu.memory_space<vmem>> -> memref<1x80x128xf32, #tpu.memory_space<vmem>>
      %dma_wait3A_233 = tpu.memref_squeeze %dma_wait3A_232 : memref<1x80x128xf32, #tpu.memory_space<vmem>> -> memref<80x128xf32, #tpu.memory_space<vmem>>
      %dma_wait3A_234 = arith.constant 0 : i32
      %dma_wait3A_235 = tpu.memref_slice %arg7[%add3A_7, %dma_wait3A_234] : memref<10240x128xf32, #tpu.memory_space<vmem_shared>> -> memref<80x128xf32, #tpu.memory_space<vmem_shared>>
      %dma_wait3A_236 = arith.constant 0 : i32
      %dma_wait3A_237 = tpu.memref_slice %arg7[%add3A_7, %dma_wait3A_236] : memref<10240x128xf32, #tpu.memory_space<vmem_shared>> -> memref<80x128xf32, #tpu.memory_space<vmem_shared>>
      %dma_wait3A_238 = arith.constant 0 : i32
      %dma_wait3A_239 = arith.constant 0 : i32
      %dma_wait3A_240 = tpu.memref_slice %arg6[%run_scoped3A, %dma_wait3A_238, %dma_wait3A_239] : memref<4x80x128xf32, #tpu.memory_space<vmem>> -> memref<1x80x128xf32, #tpu.memory_space<vmem>>
      %dma_wait3A_241 = tpu.memref_squeeze %dma_wait3A_240 : memref<1x80x128xf32, #tpu.memory_space<vmem>> -> memref<80x128xf32, #tpu.memory_space<vmem>>
      tpu.wait_dma2 semaphore(%run_scoped3A_217 : memref<!tpu.dma_semaphore, #tpu.memory_space<semaphore_mem>>) src(%dma_wait3A_241 : memref<80x128xf32, #tpu.memory_space<vmem>>) dst(%dma_wait3A_237 : memref<80x128xf32, #tpu.memory_space<vmem_shared>>)
      tpu.yield
    }) : () -> ()
    %mul3A_8 = arith.constant 640 : i32
    %mul3A_9 = arith.muli %arg1, %mul3A_8 : i32
    %add3A_10 = arith.constant 80 : i32
    %add3A_11 = arith.addi %mul3A_9, %add3A_10 : i32
    %run_scoped3A_12 = arith.constant 0 : i32
    "tpu.region"() ({
      %run_scoped3A_217 = tpu.sem_alloc : memref<!tpu.dma_semaphore, #tpu.memory_space<semaphore_mem>>
      %dma_start3A_218 = arith.constant 0 : i32
      %dma_start3A_219 = arith.constant 0 : i32
      %dma_start3A_220 = tpu.memref_slice %arg6[%run_scoped3A_12, %dma_start3A_218, %dma_start3A_219] : memref<4x80x128xf32, #tpu.memory_space<vmem>> -> memref<1x80x128xf32, #tpu.memory_space<vmem>>
      %dma_start3A_221 = tpu.memref_squeeze %dma_start3A_220 : memref<1x80x128xf32, #tpu.memory_space<vmem>> -> memref<80x128xf32, #tpu.memory_space<vmem>>
      %dma_start3A_222 = arith.constant 0 : i32
      %dma_start3A_223 = tpu.memref_slice %arg7[%add3A_11, %dma_start3A_222] : memref<10240x128xf32, #tpu.memory_space<vmem_shared>> -> memref<80x128xf32, #tpu.memory_space<vmem_shared>>
      %dma_start3A_224 = arith.constant 0 : i32
      %dma_start3A_225 = tpu.memref_slice %arg7[%add3A_11, %dma_start3A_224] : memref<10240x128xf32, #tpu.memory_space<vmem_shared>> -> memref<80x128xf32, #tpu.memory_space<vmem_shared>>
      %dma_start3A_226 = arith.constant 0 : i32
      %dma_start3A_227 = arith.constant 0 : i32
      %dma_start3A_228 = tpu.memref_slice %arg6[%run_scoped3A_12, %dma_start3A_226, %dma_start3A_227] : memref<4x80x128xf32, #tpu.memory_space<vmem>> -> memref<1x80x128xf32, #tpu.memory_space<vmem>>
      %dma_start3A_229 = tpu.memref_squeeze %dma_start3A_228 : memref<1x80x128xf32, #tpu.memory_space<vmem>> -> memref<80x128xf32, #tpu.memory_space<vmem>>
      tpu.enqueue_dma source(%dma_start3A_229 : memref<80x128xf32, #tpu.memory_space<vmem>>) target(%dma_start3A_225 : memref<80x128xf32, #tpu.memory_space<vmem_shared>>) target_semaphore(%run_scoped3A_217 : memref<!tpu.dma_semaphore, #tpu.memory_space<semaphore_mem>>)
      %dma_wait3A_230 = arith.constant 0 : i32
      %dma_wait3A_231 = arith.constant 0 : i32
      %dma_wait3A_232 = tpu.memref_slice %arg6[%run_scoped3A_12, %dma_wait3A_230, %dma_wait3A_231] : memref<4x80x128xf32, #tpu.memory_space<vmem>> -> memref<1x80x128xf32, #tpu.memory_space<vmem>>
      %dma_wait3A_233 = tpu.memref_squeeze %dma_wait3A_232 : memref<1x80x128xf32, #tpu.memory_space<vmem>> -> memref<80x128xf32, #tpu.memory_space<vmem>>
      %dma_wait3A_234 = arith.constant 0 : i32
      %dma_wait3A_235 = tpu.memref_slice %arg7[%add3A_11, %dma_wait3A_234] : memref<10240x128xf32, #tpu.memory_space<vmem_shared>> -> memref<80x128xf32, #tpu.memory_space<vmem_shared>>
      %dma_wait3A_236 = arith.constant 0 : i32
      %dma_wait3A_237 = tpu.memref_slice %arg7[%add3A_11, %dma_wait3A_236] : memref<10240x128xf32, #tpu.memory_space<vmem_shared>> -> memref<80x128xf32, #tpu.memory_space<vmem_shared>>
      %dma_wait3A_238 = arith.constant 0 : i32
      %dma_wait3A_239 = arith.constant 0 : i32
      %dma_wait3A_240 = tpu.memref_slice %arg6[%run_scoped3A_12, %dma_wait3A_238, %dma_wait3A_239] : memref<4x80x128xf32, #tpu.memory_space<vmem>> -> memref<1x80x128xf32, #tpu.memory_space<vmem>>
      %dma_wait3A_241 = tpu.memref_squeeze %dma_wait3A_240 : memref<1x80x128xf32, #tpu.memory_space<vmem>> -> memref<80x128xf32, #tpu.memory_space<vmem>>
      tpu.wait_dma2 semaphore(%run_scoped3A_217 : memref<!tpu.dma_semaphore, #tpu.memory_space<semaphore_mem>>) src(%dma_wait3A_241 : memref<80x128xf32, #tpu.memory_space<vmem>>) dst(%dma_wait3A_237 : memref<80x128xf32, #tpu.memory_space<vmem_shared>>)
      tpu.yield
    }) : () -> ()
    %mul3A_13 = arith.constant 640 : i32
    %mul3A_14 = arith.muli %arg1, %mul3A_13 : i32
    %add3A_15 = arith.constant 160 : i32
    %add3A_16 = arith.addi %mul3A_14, %add3A_15 : i32
    %run_scoped3A_17 = arith.constant 0 : i32
    "tpu.region"() ({
      %run_scoped3A_217 = tpu.sem_alloc : memref<!tpu.dma_semaphore, #tpu.memory_space<semaphore_mem>>
      %dma_start3A_218 = arith.constant 0 : i32
      %dma_start3A_219 = arith.constant 0 : i32
      %dma_start3A_220 = tpu.memref_slice %arg6[%run_scoped3A_17, %dma_start3A_218, %dma_start3A_219] : memref<4x80x128xf32, #tpu.memory_space<vmem>> -> memref<1x80x128xf32, #tpu.memory_space<vmem>>
      %dma_start3A_221 = tpu.memref_squeeze %dma_start3A_220 : memref<1x80x128xf32, #tpu.memory_space<vmem>> -> memref<80x128xf32, #tpu.memory_space<vmem>>
      %dma_start3A_222 = arith.constant 0 : i32
      %dma_start3A_223 = tpu.memref_slice %arg7[%add3A_16, %dma_start3A_222] : memref<10240x128xf32, #tpu.memory_space<vmem_shared>> -> memref<80x128xf32, #tpu.memory_space<vmem_shared>>
      %dma_start3A_224 = arith.constant 0 : i32
      %dma_start3A_225 = tpu.memref_slice %arg7[%add3A_16, %dma_start3A_224] : memref<10240x128xf32, #tpu.memory_space<vmem_shared>> -> memref<80x128xf32, #tpu.memory_space<vmem_shared>>
      %dma_start3A_226 = arith.constant 0 : i32
      %dma_start3A_227 = arith.constant 0 : i32
      %dma_start3A_228 = tpu.memref_slice %arg6[%run_scoped3A_17, %dma_start3A_226, %dma_start3A_227] : memref<4x80x128xf32, #tpu.memory_space<vmem>> -> memref<1x80x128xf32, #tpu.memory_space<vmem>>
      %dma_start3A_229 = tpu.memref_squeeze %dma_start3A_228 : memref<1x80x128xf32, #tpu.memory_space<vmem>> -> memref<80x128xf32, #tpu.memory_space<vmem>>
      tpu.enqueue_dma source(%dma_start3A_229 : memref<80x128xf32, #tpu.memory_space<vmem>>) target(%dma_start3A_225 : memref<80x128xf32, #tpu.memory_space<vmem_shared>>) target_semaphore(%run_scoped3A_217 : memref<!tpu.dma_semaphore, #tpu.memory_space<semaphore_mem>>)
      %dma_wait3A_230 = arith.constant 0 : i32
      %dma_wait3A_231 = arith.constant 0 : i32
      %dma_wait3A_232 = tpu.memref_slice %arg6[%run_scoped3A_17, %dma_wait3A_230, %dma_wait3A_231] : memref<4x80x128xf32, #tpu.memory_space<vmem>> -> memref<1x80x128xf32, #tpu.memory_space<vmem>>
      %dma_wait3A_233 = tpu.memref_squeeze %dma_wait3A_232 : memref<1x80x128xf32, #tpu.memory_space<vmem>> -> memref<80x128xf32, #tpu.memory_space<vmem>>
      %dma_wait3A_234 = arith.constant 0 : i32
      %dma_wait3A_235 = tpu.memref_slice %arg7[%add3A_16, %dma_wait3A_234] : memref<10240x128xf32, #tpu.memory_space<vmem_shared>> -> memref<80x128xf32, #tpu.memory_space<vmem_shared>>
      %dma_wait3A_236 = arith.constant 0 : i32
      %dma_wait3A_237 = tpu.memref_slice %arg7[%add3A_16, %dma_wait3A_236] : memref<10240x128xf32, #tpu.memory_space<vmem_shared>> -> memref<80x128xf32, #tpu.memory_space<vmem_shared>>
      %dma_wait3A_238 = arith.constant 0 : i32
      %dma_wait3A_239 = arith.constant 0 : i32
      %dma_wait3A_240 = tpu.memref_slice %arg6[%run_scoped3A_17, %dma_wait3A_238, %dma_wait3A_239] : memref<4x80x128xf32, #tpu.memory_space<vmem>> -> memref<1x80x128xf32, #tpu.memory_space<vmem>>
      %dma_wait3A_241 = tpu.memref_squeeze %dma_wait3A_240 : memref<1x80x128xf32, #tpu.memory_space<vmem>> -> memref<80x128xf32, #tpu.memory_space<vmem>>
      tpu.wait_dma2 semaphore(%run_scoped3A_217 : memref<!tpu.dma_semaphore, #tpu.memory_space<semaphore_mem>>) src(%dma_wait3A_241 : memref<80x128xf32, #tpu.memory_space<vmem>>) dst(%dma_wait3A_237 : memref<80x128xf32, #tpu.memory_space<vmem_shared>>)
      tpu.yield
    }) : () -> ()
    %mul3A_18 = arith.constant 640 : i32
    %mul3A_19 = arith.muli %arg1, %mul3A_18 : i32
    %add3A_20 = arith.constant 240 : i32
    %add3A_21 = arith.addi %mul3A_19, %add3A_20 : i32
    %run_scoped3A_22 = arith.constant 0 : i32
    "tpu.region"() ({
      %run_scoped3A_217 = tpu.sem_alloc : memref<!tpu.dma_semaphore, #tpu.memory_space<semaphore_mem>>
      %dma_start3A_218 = arith.constant 0 : i32
      %dma_start3A_219 = arith.constant 0 : i32
      %dma_start3A_220 = tpu.memref_slice %arg6[%run_scoped3A_22, %dma_start3A_218, %dma_start3A_219] : memref<4x80x128xf32, #tpu.memory_space<vmem>> -> memref<1x80x128xf32, #tpu.memory_space<vmem>>
      %dma_start3A_221 = tpu.memref_squeeze %dma_start3A_220 : memref<1x80x128xf32, #tpu.memory_space<vmem>> -> memref<80x128xf32, #tpu.memory_space<vmem>>
      %dma_start3A_222 = arith.constant 0 : i32
      %dma_start3A_223 = tpu.memref_slice %arg7[%add3A_21, %dma_start3A_222] : memref<10240x128xf32, #tpu.memory_space<vmem_shared>> -> memref<80x128xf32, #tpu.memory_space<vmem_shared>>
      %dma_start3A_224 = arith.constant 0 : i32
      %dma_start3A_225 = tpu.memref_slice %arg7[%add3A_21, %dma_start3A_224] : memref<10240x128xf32, #tpu.memory_space<vmem_shared>> -> memref<80x128xf32, #tpu.memory_space<vmem_shared>>
      %dma_start3A_226 = arith.constant 0 : i32
      %dma_start3A_227 = arith.constant 0 : i32
      %dma_start3A_228 = tpu.memref_slice %arg6[%run_scoped3A_22, %dma_start3A_226, %dma_start3A_227] : memref<4x80x128xf32, #tpu.memory_space<vmem>> -> memref<1x80x128xf32, #tpu.memory_space<vmem>>
      %dma_start3A_229 = tpu.memref_squeeze %dma_start3A_228 : memref<1x80x128xf32, #tpu.memory_space<vmem>> -> memref<80x128xf32, #tpu.memory_space<vmem>>
      tpu.enqueue_dma source(%dma_start3A_229 : memref<80x128xf32, #tpu.memory_space<vmem>>) target(%dma_start3A_225 : memref<80x128xf32, #tpu.memory_space<vmem_shared>>) target_semaphore(%run_scoped3A_217 : memref<!tpu.dma_semaphore, #tpu.memory_space<semaphore_mem>>)
      %dma_wait3A_230 = arith.constant 0 : i32
      %dma_wait3A_231 = arith.constant 0 : i32
      %dma_wait3A_232 = tpu.memref_slice %arg6[%run_scoped3A_22, %dma_wait3A_230, %dma_wait3A_231] : memref<4x80x128xf32, #tpu.memory_space<vmem>> -> memref<1x80x128xf32, #tpu.memory_space<vmem>>
      %dma_wait3A_233 = tpu.memref_squeeze %dma_wait3A_232 : memref<1x80x128xf32, #tpu.memory_space<vmem>> -> memref<80x128xf32, #tpu.memory_space<vmem>>
      %dma_wait3A_234 = arith.constant 0 : i32
      %dma_wait3A_235 = tpu.memref_slice %arg7[%add3A_21, %dma_wait3A_234] : memref<10240x128xf32, #tpu.memory_space<vmem_shared>> -> memref<80x128xf32, #tpu.memory_space<vmem_shared>>
      %dma_wait3A_236 = arith.constant 0 : i32
      %dma_wait3A_237 = tpu.memref_slice %arg7[%add3A_21, %dma_wait3A_236] : memref<10240x128xf32, #tpu.memory_space<vmem_shared>> -> memref<80x128xf32, #tpu.memory_space<vmem_shared>>
      %dma_wait3A_238 = arith.constant 0 : i32
      %dma_wait3A_239 = arith.constant 0 : i32
      %dma_wait3A_240 = tpu.memref_slice %arg6[%run_scoped3A_22, %dma_wait3A_238, %dma_wait3A_239] : memref<4x80x128xf32, #tpu.memory_space<vmem>> -> memref<1x80x128xf32, #tpu.memory_space<vmem>>
      %dma_wait3A_241 = tpu.memref_squeeze %dma_wait3A_240 : memref<1x80x128xf32, #tpu.memory_space<vmem>> -> memref<80x128xf32, #tpu.memory_space<vmem>>
      tpu.wait_dma2 semaphore(%run_scoped3A_217 : memref<!tpu.dma_semaphore, #tpu.memory_space<semaphore_mem>>) src(%dma_wait3A_241 : memref<80x128xf32, #tpu.memory_space<vmem>>) dst(%dma_wait3A_237 : memref<80x128xf32, #tpu.memory_space<vmem_shared>>)
      tpu.yield
    }) : () -> ()
    %mul3A_23 = arith.constant 640 : i32
    %mul3A_24 = arith.muli %arg1, %mul3A_23 : i32
    %add3A_25 = arith.constant 320 : i32
    %add3A_26 = arith.addi %mul3A_24, %add3A_25 : i32
    %run_scoped3A_27 = arith.constant 0 : i32
    "tpu.region"() ({
      %run_scoped3A_217 = tpu.sem_alloc : memref<!tpu.dma_semaphore, #tpu.memory_space<semaphore_mem>>
      %dma_start3A_218 = arith.constant 0 : i32
      %dma_start3A_219 = arith.constant 0 : i32
      %dma_start3A_220 = tpu.memref_slice %arg6[%run_scoped3A_27, %dma_start3A_218, %dma_start3A_219] : memref<4x80x128xf32, #tpu.memory_space<vmem>> -> memref<1x80x128xf32, #tpu.memory_space<vmem>>
      %dma_start3A_221 = tpu.memref_squeeze %dma_start3A_220 : memref<1x80x128xf32, #tpu.memory_space<vmem>> -> memref<80x128xf32, #tpu.memory_space<vmem>>
      %dma_start3A_222 = arith.constant 0 : i32
      %dma_start3A_223 = tpu.memref_slice %arg7[%add3A_26, %dma_start3A_222] : memref<10240x128xf32, #tpu.memory_space<vmem_shared>> -> memref<80x128xf32, #tpu.memory_space<vmem_shared>>
      %dma_start3A_224 = arith.constant 0 : i32
      %dma_start3A_225 = tpu.memref_slice %arg7[%add3A_26, %dma_start3A_224] : memref<10240x128xf32, #tpu.memory_space<vmem_shared>> -> memref<80x128xf32, #tpu.memory_space<vmem_shared>>
      %dma_start3A_226 = arith.constant 0 : i32
      %dma_start3A_227 = arith.constant 0 : i32
      %dma_start3A_228 = tpu.memref_slice %arg6[%run_scoped3A_27, %dma_start3A_226, %dma_start3A_227] : memref<4x80x128xf32, #tpu.memory_space<vmem>> -> memref<1x80x128xf32, #tpu.memory_space<vmem>>
      %dma_start3A_229 = tpu.memref_squeeze %dma_start3A_228 : memref<1x80x128xf32, #tpu.memory_space<vmem>> -> memref<80x128xf32, #tpu.memory_space<vmem>>
      tpu.enqueue_dma source(%dma_start3A_229 : memref<80x128xf32, #tpu.memory_space<vmem>>) target(%dma_start3A_225 : memref<80x128xf32, #tpu.memory_space<vmem_shared>>) target_semaphore(%run_scoped3A_217 : memref<!tpu.dma_semaphore, #tpu.memory_space<semaphore_mem>>)
      %dma_wait3A_230 = arith.constant 0 : i32
      %dma_wait3A_231 = arith.constant 0 : i32
      %dma_wait3A_232 = tpu.memref_slice %arg6[%run_scoped3A_27, %dma_wait3A_230, %dma_wait3A_231] : memref<4x80x128xf32, #tpu.memory_space<vmem>> -> memref<1x80x128xf32, #tpu.memory_space<vmem>>
      %dma_wait3A_233 = tpu.memref_squeeze %dma_wait3A_232 : memref<1x80x128xf32, #tpu.memory_space<vmem>> -> memref<80x128xf32, #tpu.memory_space<vmem>>
      %dma_wait3A_234 = arith.constant 0 : i32
      %dma_wait3A_235 = tpu.memref_slice %arg7[%add3A_26, %dma_wait3A_234] : memref<10240x128xf32, #tpu.memory_space<vmem_shared>> -> memref<80x128xf32, #tpu.memory_space<vmem_shared>>
      %dma_wait3A_236 = arith.constant 0 : i32
      %dma_wait3A_237 = tpu.memref_slice %arg7[%add3A_26, %dma_wait3A_236] : memref<10240x128xf32, #tpu.memory_space<vmem_shared>> -> memref<80x128xf32, #tpu.memory_space<vmem_shared>>
      %dma_wait3A_238 = arith.constant 0 : i32
      %dma_wait3A_239 = arith.constant 0 : i32
      %dma_wait3A_240 = tpu.memref_slice %arg6[%run_scoped3A_27, %dma_wait3A_238, %dma_wait3A_239] : memref<4x80x128xf32, #tpu.memory_space<vmem>> -> memref<1x80x128xf32, #tpu.memory_space<vmem>>
      %dma_wait3A_241 = tpu.memref_squeeze %dma_wait3A_240 : memref<1x80x128xf32, #tpu.memory_space<vmem>> -> memref<80x128xf32, #tpu.memory_space<vmem>>
      tpu.wait_dma2 semaphore(%run_scoped3A_217 : memref<!tpu.dma_semaphore, #tpu.memory_space<semaphore_mem>>) src(%dma_wait3A_241 : memref<80x128xf32, #tpu.memory_space<vmem>>) dst(%dma_wait3A_237 : memref<80x128xf32, #tpu.memory_space<vmem_shared>>)
      tpu.yield
    }) : () -> ()
    %mul3A_28 = arith.constant 640 : i32
    %mul3A_29 = arith.muli %arg1, %mul3A_28 : i32
    %add3A_30 = arith.constant 400 : i32
    %add3A_31 = arith.addi %mul3A_29, %add3A_30 : i32
    %run_scoped3A_32 = arith.constant 0 : i32
    "tpu.region"() ({
      %run_scoped3A_217 = tpu.sem_alloc : memref<!tpu.dma_semaphore, #tpu.memory_space<semaphore_mem>>
      %dma_start3A_218 = arith.constant 0 : i32
      %dma_start3A_219 = arith.constant 0 : i32
      %dma_start3A_220 = tpu.memref_slice %arg6[%run_scoped3A_32, %dma_start3A_218, %dma_start3A_219] : memref<4x80x128xf32, #tpu.memory_space<vmem>> -> memref<1x80x128xf32, #tpu.memory_space<vmem>>
      %dma_start3A_221 = tpu.memref_squeeze %dma_start3A_220 : memref<1x80x128xf32, #tpu.memory_space<vmem>> -> memref<80x128xf32, #tpu.memory_space<vmem>>
      %dma_start3A_222 = arith.constant 0 : i32
      %dma_start3A_223 = tpu.memref_slice %arg7[%add3A_31, %dma_start3A_222] : memref<10240x128xf32, #tpu.memory_space<vmem_shared>> -> memref<80x128xf32, #tpu.memory_space<vmem_shared>>
      %dma_start3A_224 = arith.constant 0 : i32
      %dma_start3A_225 = tpu.memref_slice %arg7[%add3A_31, %dma_start3A_224] : memref<10240x128xf32, #tpu.memory_space<vmem_shared>> -> memref<80x128xf32, #tpu.memory_space<vmem_shared>>
      %dma_start3A_226 = arith.constant 0 : i32
      %dma_start3A_227 = arith.constant 0 : i32
      %dma_start3A_228 = tpu.memref_slice %arg6[%run_scoped3A_32, %dma_start3A_226, %dma_start3A_227] : memref<4x80x128xf32, #tpu.memory_space<vmem>> -> memref<1x80x128xf32, #tpu.memory_space<vmem>>
      %dma_start3A_229 = tpu.memref_squeeze %dma_start3A_228 : memref<1x80x128xf32, #tpu.memory_space<vmem>> -> memref<80x128xf32, #tpu.memory_space<vmem>>
      tpu.enqueue_dma source(%dma_start3A_229 : memref<80x128xf32, #tpu.memory_space<vmem>>) target(%dma_start3A_225 : memref<80x128xf32, #tpu.memory_space<vmem_shared>>) target_semaphore(%run_scoped3A_217 : memref<!tpu.dma_semaphore, #tpu.memory_space<semaphore_mem>>)
      %dma_wait3A_230 = arith.constant 0 : i32
      %dma_wait3A_231 = arith.constant 0 : i32
      %dma_wait3A_232 = tpu.memref_slice %arg6[%run_scoped3A_32, %dma_wait3A_230, %dma_wait3A_231] : memref<4x80x128xf32, #tpu.memory_space<vmem>> -> memref<1x80x128xf32, #tpu.memory_space<vmem>>
      %dma_wait3A_233 = tpu.memref_squeeze %dma_wait3A_232 : memref<1x80x128xf32, #tpu.memory_space<vmem>> -> memref<80x128xf32, #tpu.memory_space<vmem>>
      %dma_wait3A_234 = arith.constant 0 : i32
      %dma_wait3A_235 = tpu.memref_slice %arg7[%add3A_31, %dma_wait3A_234] : memref<10240x128xf32, #tpu.memory_space<vmem_shared>> -> memref<80x128xf32, #tpu.memory_space<vmem_shared>>
      %dma_wait3A_236 = arith.constant 0 : i32
      %dma_wait3A_237 = tpu.memref_slice %arg7[%add3A_31, %dma_wait3A_236] : memref<10240x128xf32, #tpu.memory_space<vmem_shared>> -> memref<80x128xf32, #tpu.memory_space<vmem_shared>>
      %dma_wait3A_238 = arith.constant 0 : i32
      %dma_wait3A_239 = arith.constant 0 : i32
      %dma_wait3A_240 = tpu.memref_slice %arg6[%run_scoped3A_32, %dma_wait3A_238, %dma_wait3A_239] : memref<4x80x128xf32, #tpu.memory_space<vmem>> -> memref<1x80x128xf32, #tpu.memory_space<vmem>>
      %dma_wait3A_241 = tpu.memref_squeeze %dma_wait3A_240 : memref<1x80x128xf32, #tpu.memory_space<vmem>> -> memref<80x128xf32, #tpu.memory_space<vmem>>
      tpu.wait_dma2 semaphore(%run_scoped3A_217 : memref<!tpu.dma_semaphore, #tpu.memory_space<semaphore_mem>>) src(%dma_wait3A_241 : memref<80x128xf32, #tpu.memory_space<vmem>>) dst(%dma_wait3A_237 : memref<80x128xf32, #tpu.memory_space<vmem_shared>>)
      tpu.yield
    }) : () -> ()
    %mul3A_33 = arith.constant 640 : i32
    %mul3A_34 = arith.muli %arg1, %mul3A_33 : i32
    %add3A_35 = arith.constant 480 : i32
    %add3A_36 = arith.addi %mul3A_34, %add3A_35 : i32
    %run_scoped3A_37 = arith.constant 0 : i32
    "tpu.region"() ({
      %run_scoped3A_217 = tpu.sem_alloc : memref<!tpu.dma_semaphore, #tpu.memory_space<semaphore_mem>>
      %dma_start3A_218 = arith.constant 0 : i32
      %dma_start3A_219 = arith.constant 0 : i32
      %dma_start3A_220 = tpu.memref_slice %arg6[%run_scoped3A_37, %dma_start3A_218, %dma_start3A_219] : memref<4x80x128xf32, #tpu.memory_space<vmem>> -> memref<1x80x128xf32, #tpu.memory_space<vmem>>
      %dma_start3A_221 = tpu.memref_squeeze %dma_start3A_220 : memref<1x80x128xf32, #tpu.memory_space<vmem>> -> memref<80x128xf32, #tpu.memory_space<vmem>>
      %dma_start3A_222 = arith.constant 0 : i32
      %dma_start3A_223 = tpu.memref_slice %arg7[%add3A_36, %dma_start3A_222] : memref<10240x128xf32, #tpu.memory_space<vmem_shared>> -> memref<80x128xf32, #tpu.memory_space<vmem_shared>>
      %dma_start3A_224 = arith.constant 0 : i32
      %dma_start3A_225 = tpu.memref_slice %arg7[%add3A_36, %dma_start3A_224] : memref<10240x128xf32, #tpu.memory_space<vmem_shared>> -> memref<80x128xf32, #tpu.memory_space<vmem_shared>>
      %dma_start3A_226 = arith.constant 0 : i32
      %dma_start3A_227 = arith.constant 0 : i32
      %dma_start3A_228 = tpu.memref_slice %arg6[%run_scoped3A_37, %dma_start3A_226, %dma_start3A_227] : memref<4x80x128xf32, #tpu.memory_space<vmem>> -> memref<1x80x128xf32, #tpu.memory_space<vmem>>
      %dma_start3A_229 = tpu.memref_squeeze %dma_start3A_228 : memref<1x80x128xf32, #tpu.memory_space<vmem>> -> memref<80x128xf32, #tpu.memory_space<vmem>>
      tpu.enqueue_dma source(%dma_start3A_229 : memref<80x128xf32, #tpu.memory_space<vmem>>) target(%dma_start3A_225 : memref<80x128xf32, #tpu.memory_space<vmem_shared>>) target_semaphore(%run_scoped3A_217 : memref<!tpu.dma_semaphore, #tpu.memory_space<semaphore_mem>>)
      %dma_wait3A_230 = arith.constant 0 : i32
      %dma_wait3A_231 = arith.constant 0 : i32
      %dma_wait3A_232 = tpu.memref_slice %arg6[%run_scoped3A_37, %dma_wait3A_230, %dma_wait3A_231] : memref<4x80x128xf32, #tpu.memory_space<vmem>> -> memref<1x80x128xf32, #tpu.memory_space<vmem>>
      %dma_wait3A_233 = tpu.memref_squeeze %dma_wait3A_232 : memref<1x80x128xf32, #tpu.memory_space<vmem>> -> memref<80x128xf32, #tpu.memory_space<vmem>>
      %dma_wait3A_234 = arith.constant 0 : i32
      %dma_wait3A_235 = tpu.memref_slice %arg7[%add3A_36, %dma_wait3A_234] : memref<10240x128xf32, #tpu.memory_space<vmem_shared>> -> memref<80x128xf32, #tpu.memory_space<vmem_shared>>
      %dma_wait3A_236 = arith.constant 0 : i32
      %dma_wait3A_237 = tpu.memref_slice %arg7[%add3A_36, %dma_wait3A_236] : memref<10240x128xf32, #tpu.memory_space<vmem_shared>> -> memref<80x128xf32, #tpu.memory_space<vmem_shared>>
      %dma_wait3A_238 = arith.constant 0 : i32
      %dma_wait3A_239 = arith.constant 0 : i32
      %dma_wait3A_240 = tpu.memref_slice %arg6[%run_scoped3A_37, %dma_wait3A_238, %dma_wait3A_239] : memref<4x80x128xf32, #tpu.memory_space<vmem>> -> memref<1x80x128xf32, #tpu.memory_space<vmem>>
      %dma_wait3A_241 = tpu.memref_squeeze %dma_wait3A_240 : memref<1x80x128xf32, #tpu.memory_space<vmem>> -> memref<80x128xf32, #tpu.memory_space<vmem>>
      tpu.wait_dma2 semaphore(%run_scoped3A_217 : memref<!tpu.dma_semaphore, #tpu.memory_space<semaphore_mem>>) src(%dma_wait3A_241 : memref<80x128xf32, #tpu.memory_space<vmem>>) dst(%dma_wait3A_237 : memref<80x128xf32, #tpu.memory_space<vmem_shared>>)
      tpu.yield
    }) : () -> ()
    %mul3A_38 = arith.constant 640 : i32
    %mul3A_39 = arith.muli %arg1, %mul3A_38 : i32
    %add3A_40 = arith.constant 560 : i32
    %add3A_41 = arith.addi %mul3A_39, %add3A_40 : i32
    %run_scoped3A_42 = arith.constant 0 : i32
    "tpu.region"() ({
      %run_scoped3A_217 = tpu.sem_alloc : memref<!tpu.dma_semaphore, #tpu.memory_space<semaphore_mem>>
      %dma_start3A_218 = arith.constant 0 : i32
      %dma_start3A_219 = arith.constant 0 : i32
      %dma_start3A_220 = tpu.memref_slice %arg6[%run_scoped3A_42, %dma_start3A_218, %dma_start3A_219] : memref<4x80x128xf32, #tpu.memory_space<vmem>> -> memref<1x80x128xf32, #tpu.memory_space<vmem>>
      %dma_start3A_221 = tpu.memref_squeeze %dma_start3A_220 : memref<1x80x128xf32, #tpu.memory_space<vmem>> -> memref<80x128xf32, #tpu.memory_space<vmem>>
      %dma_start3A_222 = arith.constant 0 : i32
      %dma_start3A_223 = tpu.memref_slice %arg7[%add3A_41, %dma_start3A_222] : memref<10240x128xf32, #tpu.memory_space<vmem_shared>> -> memref<80x128xf32, #tpu.memory_space<vmem_shared>>
      %dma_start3A_224 = arith.constant 0 : i32
      %dma_start3A_225 = tpu.memref_slice %arg7[%add3A_41, %dma_start3A_224] : memref<10240x128xf32, #tpu.memory_space<vmem_shared>> -> memref<80x128xf32, #tpu.memory_space<vmem_shared>>
      %dma_start3A_226 = arith.constant 0 : i32
      %dma_start3A_227 = arith.constant 0 : i32
      %dma_start3A_228 = tpu.memref_slice %arg6[%run_scoped3A_42, %dma_start3A_226, %dma_start3A_227] : memref<4x80x128xf32, #tpu.memory_space<vmem>> -> memref<1x80x128xf32, #tpu.memory_space<vmem>>
      %dma_start3A_229 = tpu.memref_squeeze %dma_start3A_228 : memref<1x80x128xf32, #tpu.memory_space<vmem>> -> memref<80x128xf32, #tpu.memory_space<vmem>>
      tpu.enqueue_dma source(%dma_start3A_229 : memref<80x128xf32, #tpu.memory_space<vmem>>) target(%dma_start3A_225 : memref<80x128xf32, #tpu.memory_space<vmem_shared>>) target_semaphore(%run_scoped3A_217 : memref<!tpu.dma_semaphore, #tpu.memory_space<semaphore_mem>>)
      %dma_wait3A_230 = arith.constant 0 : i32
      %dma_wait3A_231 = arith.constant 0 : i32
      %dma_wait3A_232 = tpu.memref_slice %arg6[%run_scoped3A_42, %dma_wait3A_230, %dma_wait3A_231] : memref<4x80x128xf32, #tpu.memory_space<vmem>> -> memref<1x80x128xf32, #tpu.memory_space<vmem>>
      %dma_wait3A_233 = tpu.memref_squeeze %dma_wait3A_232 : memref<1x80x128xf32, #tpu.memory_space<vmem>> -> memref<80x128xf32, #tpu.memory_space<vmem>>
      %dma_wait3A_234 = arith.constant 0 : i32
      %dma_wait3A_235 = tpu.memref_slice %arg7[%add3A_41, %dma_wait3A_234] : memref<10240x128xf32, #tpu.memory_space<vmem_shared>> -> memref<80x128xf32, #tpu.memory_space<vmem_shared>>
      %dma_wait3A_236 = arith.constant 0 : i32
      %dma_wait3A_237 = tpu.memref_slice %arg7[%add3A_41, %dma_wait3A_236] : memref<10240x128xf32, #tpu.memory_space<vmem_shared>> -> memref<80x128xf32, #tpu.memory_space<vmem_shared>>
      %dma_wait3A_238 = arith.constant 0 : i32
      %dma_wait3A_239 = arith.constant 0 : i32
      %dma_wait3A_240 = tpu.memref_slice %arg6[%run_scoped3A_42, %dma_wait3A_238, %dma_wait3A_239] : memref<4x80x128xf32, #tpu.memory_space<vmem>> -> memref<1x80x128xf32, #tpu.memory_space<vmem>>
      %dma_wait3A_241 = tpu.memref_squeeze %dma_wait3A_240 : memref<1x80x128xf32, #tpu.memory_space<vmem>> -> memref<80x128xf32, #tpu.memory_space<vmem>>
      tpu.wait_dma2 semaphore(%run_scoped3A_217 : memref<!tpu.dma_semaphore, #tpu.memory_space<semaphore_mem>>) src(%dma_wait3A_241 : memref<80x128xf32, #tpu.memory_space<vmem>>) dst(%dma_wait3A_237 : memref<80x128xf32, #tpu.memory_space<vmem_shared>>)
      tpu.yield
    }) : () -> ()
    %dma_start3A = arith.constant 0 : i32
    %dma_start3A_43 = arith.constant 0 : i32
    %dma_start3A_44 = arith.constant 0 : i32
    %dma_start3A_45 = arith.constant 0 : i32
    %dma_start3A_46 = tpu.memref_slice %arg5[%dma_start3A_43, %dma_start3A_44, %dma_start3A_45] : memref<4x2x80xi32, #tpu.memory_space<vmem>> -> memref<1x2x80xi32, #tpu.memory_space<vmem>>
    %dma_start3A_47 = tpu.memref_squeeze %dma_start3A_46 : memref<1x2x80xi32, #tpu.memory_space<vmem>> -> memref<2x80xi32, #tpu.memory_space<vmem>>
    %dma_start3A_48 = arith.constant 0 : i32
    %dma_start3A_49 = arith.constant 0 : i32
    %dma_start3A_50 = tpu.memref_slice %arg3[%arg0, %arg1, %dma_start3A, %dma_start3A_48, %dma_start3A_49] : memref<2x16x128x2x80xi32, #tpu.memory_space<hbm>> -> memref<1x1x1x2x80xi32, #tpu.memory_space<hbm>>
    %dma_start3A_51 = tpu.memref_squeeze %dma_start3A_50 : memref<1x1x1x2x80xi32, #tpu.memory_space<hbm>> -> memref<2x80xi32, #tpu.memory_space<hbm>>
    %dma_start3A_52 = arith.constant 0 : i32
    %dma_start3A_53 = arith.constant 0 : i32
    %dma_start3A_54 = tpu.memref_slice %arg5[%dma_start3A_43, %dma_start3A_52, %dma_start3A_53] : memref<4x2x80xi32, #tpu.memory_space<vmem>> -> memref<1x2x80xi32, #tpu.memory_space<vmem>>
    %dma_start3A_55 = tpu.memref_squeeze %dma_start3A_54 : memref<1x2x80xi32, #tpu.memory_space<vmem>> -> memref<2x80xi32, #tpu.memory_space<vmem>>
    %dma_start3A_56 = arith.constant 0 : i32
    %dma_start3A_57 = arith.constant 0 : i32
    %dma_start3A_58 = tpu.memref_slice %arg3[%arg0, %arg1, %dma_start3A, %dma_start3A_56, %dma_start3A_57] : memref<2x16x128x2x80xi32, #tpu.memory_space<hbm>> -> memref<1x1x1x2x80xi32, #tpu.memory_space<hbm>>
    %dma_start3A_59 = tpu.memref_squeeze %dma_start3A_58 : memref<1x1x1x2x80xi32, #tpu.memory_space<hbm>> -> memref<2x80xi32, #tpu.memory_space<hbm>>
    tpu.enqueue_dma source(%dma_start3A_59 : memref<2x80xi32, #tpu.memory_space<hbm>>) target(%dma_start3A_55 : memref<2x80xi32, #tpu.memory_space<vmem>>) target_semaphore(%arg12 : memref<!tpu.dma_semaphore, #tpu.memory_space<semaphore_mem>>)
    %dma_start3A_60 = arith.constant 1 : i32
    %dma_start3A_61 = arith.constant 1 : i32
    %dma_start3A_62 = arith.constant 0 : i32
    %dma_start3A_63 = arith.constant 0 : i32
    %dma_start3A_64 = tpu.memref_slice %arg5[%dma_start3A_61, %dma_start3A_62, %dma_start3A_63] : memref<4x2x80xi32, #tpu.memory_space<vmem>> -> memref<1x2x80xi32, #tpu.memory_space<vmem>>
    %dma_start3A_65 = tpu.memref_squeeze %dma_start3A_64 : memref<1x2x80xi32, #tpu.memory_space<vmem>> -> memref<2x80xi32, #tpu.memory_space<vmem>>
    %dma_start3A_66 = arith.constant 0 : i32
    %dma_start3A_67 = arith.constant 0 : i32
    %dma_start3A_68 = tpu.memref_slice %arg3[%arg0, %arg1, %dma_start3A_60, %dma_start3A_66, %dma_start3A_67] : memref<2x16x128x2x80xi32, #tpu.memory_space<hbm>> -> memref<1x1x1x2x80xi32, #tpu.memory_space<hbm>>
    %dma_start3A_69 = tpu.memref_squeeze %dma_start3A_68 : memref<1x1x1x2x80xi32, #tpu.memory_space<hbm>> -> memref<2x80xi32, #tpu.memory_space<hbm>>
    %dma_start3A_70 = arith.constant 0 : i32
    %dma_start3A_71 = arith.constant 0 : i32
    %dma_start3A_72 = tpu.memref_slice %arg5[%dma_start3A_61, %dma_start3A_70, %dma_start3A_71] : memref<4x2x80xi32, #tpu.memory_space<vmem>> -> memref<1x2x80xi32, #tpu.memory_space<vmem>>
    %dma_start3A_73 = tpu.memref_squeeze %dma_start3A_72 : memref<1x2x80xi32, #tpu.memory_space<vmem>> -> memref<2x80xi32, #tpu.memory_space<vmem>>
    %dma_start3A_74 = arith.constant 0 : i32
    %dma_start3A_75 = arith.constant 0 : i32
    %dma_start3A_76 = tpu.memref_slice %arg3[%arg0, %arg1, %dma_start3A_60, %dma_start3A_74, %dma_start3A_75] : memref<2x16x128x2x80xi32, #tpu.memory_space<hbm>> -> memref<1x1x1x2x80xi32, #tpu.memory_space<hbm>>
    %dma_start3A_77 = tpu.memref_squeeze %dma_start3A_76 : memref<1x1x1x2x80xi32, #tpu.memory_space<hbm>> -> memref<2x80xi32, #tpu.memory_space<hbm>>
    tpu.enqueue_dma source(%dma_start3A_77 : memref<2x80xi32, #tpu.memory_space<hbm>>) target(%dma_start3A_73 : memref<2x80xi32, #tpu.memory_space<vmem>>) target_semaphore(%arg13 : memref<!tpu.dma_semaphore, #tpu.memory_space<semaphore_mem>>)
    %dma_start3A_78 = arith.constant 2 : i32
    %dma_start3A_79 = arith.constant 2 : i32
    %dma_start3A_80 = arith.constant 0 : i32
    %dma_start3A_81 = arith.constant 0 : i32
    %dma_start3A_82 = tpu.memref_slice %arg5[%dma_start3A_79, %dma_start3A_80, %dma_start3A_81] : memref<4x2x80xi32, #tpu.memory_space<vmem>> -> memref<1x2x80xi32, #tpu.memory_space<vmem>>
    %dma_start3A_83 = tpu.memref_squeeze %dma_start3A_82 : memref<1x2x80xi32, #tpu.memory_space<vmem>> -> memref<2x80xi32, #tpu.memory_space<vmem>>
    %dma_start3A_84 = arith.constant 0 : i32
    %dma_start3A_85 = arith.constant 0 : i32
    %dma_start3A_86 = tpu.memref_slice %arg3[%arg0, %arg1, %dma_start3A_78, %dma_start3A_84, %dma_start3A_85] : memref<2x16x128x2x80xi32, #tpu.memory_space<hbm>> -> memref<1x1x1x2x80xi32, #tpu.memory_space<hbm>>
    %dma_start3A_87 = tpu.memref_squeeze %dma_start3A_86 : memref<1x1x1x2x80xi32, #tpu.memory_space<hbm>> -> memref<2x80xi32, #tpu.memory_space<hbm>>
    %dma_start3A_88 = arith.constant 0 : i32
    %dma_start3A_89 = arith.constant 0 : i32
    %dma_start3A_90 = tpu.memref_slice %arg5[%dma_start3A_79, %dma_start3A_88, %dma_start3A_89] : memref<4x2x80xi32, #tpu.memory_space<vmem>> -> memref<1x2x80xi32, #tpu.memory_space<vmem>>
    %dma_start3A_91 = tpu.memref_squeeze %dma_start3A_90 : memref<1x2x80xi32, #tpu.memory_space<vmem>> -> memref<2x80xi32, #tpu.memory_space<vmem>>
    %dma_start3A_92 = arith.constant 0 : i32
    %dma_start3A_93 = arith.constant 0 : i32
    %dma_start3A_94 = tpu.memref_slice %arg3[%arg0, %arg1, %dma_start3A_78, %dma_start3A_92, %dma_start3A_93] : memref<2x16x128x2x80xi32, #tpu.memory_space<hbm>> -> memref<1x1x1x2x80xi32, #tpu.memory_space<hbm>>
    %dma_start3A_95 = tpu.memref_squeeze %dma_start3A_94 : memref<1x1x1x2x80xi32, #tpu.memory_space<hbm>> -> memref<2x80xi32, #tpu.memory_space<hbm>>
    tpu.enqueue_dma source(%dma_start3A_95 : memref<2x80xi32, #tpu.memory_space<hbm>>) target(%dma_start3A_91 : memref<2x80xi32, #tpu.memory_space<vmem>>) target_semaphore(%arg14 : memref<!tpu.dma_semaphore, #tpu.memory_space<semaphore_mem>>)
    %dma_start3A_96 = arith.constant 3 : i32
    %dma_start3A_97 = arith.constant 3 : i32
    %dma_start3A_98 = arith.constant 0 : i32
    %dma_start3A_99 = arith.constant 0 : i32
    %dma_start3A_100 = tpu.memref_slice %arg5[%dma_start3A_97, %dma_start3A_98, %dma_start3A_99] : memref<4x2x80xi32, #tpu.memory_space<vmem>> -> memref<1x2x80xi32, #tpu.memory_space<vmem>>
    %dma_start3A_101 = tpu.memref_squeeze %dma_start3A_100 : memref<1x2x80xi32, #tpu.memory_space<vmem>> -> memref<2x80xi32, #tpu.memory_space<vmem>>
    %dma_start3A_102 = arith.constant 0 : i32
    %dma_start3A_103 = arith.constant 0 : i32
    %dma_start3A_104 = tpu.memref_slice %arg3[%arg0, %arg1, %dma_start3A_96, %dma_start3A_102, %dma_start3A_103] : memref<2x16x128x2x80xi32, #tpu.memory_space<hbm>> -> memref<1x1x1x2x80xi32, #tpu.memory_space<hbm>>
    %dma_start3A_105 = tpu.memref_squeeze %dma_start3A_104 : memref<1x1x1x2x80xi32, #tpu.memory_space<hbm>> -> memref<2x80xi32, #tpu.memory_space<hbm>>
    %dma_start3A_106 = arith.constant 0 : i32
    %dma_start3A_107 = arith.constant 0 : i32
    %dma_start3A_108 = tpu.memref_slice %arg5[%dma_start3A_97, %dma_start3A_106, %dma_start3A_107] : memref<4x2x80xi32, #tpu.memory_space<vmem>> -> memref<1x2x80xi32, #tpu.memory_space<vmem>>
    %dma_start3A_109 = tpu.memref_squeeze %dma_start3A_108 : memref<1x2x80xi32, #tpu.memory_space<vmem>> -> memref<2x80xi32, #tpu.memory_space<vmem>>
    %dma_start3A_110 = arith.constant 0 : i32
    %dma_start3A_111 = arith.constant 0 : i32
    %dma_start3A_112 = tpu.memref_slice %arg3[%arg0, %arg1, %dma_start3A_96, %dma_start3A_110, %dma_start3A_111] : memref<2x16x128x2x80xi32, #tpu.memory_space<hbm>> -> memref<1x1x1x2x80xi32, #tpu.memory_space<hbm>>
    %dma_start3A_113 = tpu.memref_squeeze %dma_start3A_112 : memref<1x1x1x2x80xi32, #tpu.memory_space<hbm>> -> memref<2x80xi32, #tpu.memory_space<hbm>>
    tpu.enqueue_dma source(%dma_start3A_113 : memref<2x80xi32, #tpu.memory_space<hbm>>) target(%dma_start3A_109 : memref<2x80xi32, #tpu.memory_space<vmem>>) target_semaphore(%arg15 : memref<!tpu.dma_semaphore, #tpu.memory_space<semaphore_mem>>)
    %dma_wait3A = arith.constant 0 : i32
    %dma_wait3A_114 = arith.constant 0 : i32
    %dma_wait3A_115 = arith.constant 0 : i32
    %dma_wait3A_116 = arith.constant 0 : i32
    %dma_wait3A_117 = tpu.memref_slice %arg5[%dma_wait3A_114, %dma_wait3A_115, %dma_wait3A_116] : memref<4x2x80xi32, #tpu.memory_space<vmem>> -> memref<1x2x80xi32, #tpu.memory_space<vmem>>
    %dma_wait3A_118 = tpu.memref_squeeze %dma_wait3A_117 : memref<1x2x80xi32, #tpu.memory_space<vmem>> -> memref<2x80xi32, #tpu.memory_space<vmem>>
    %dma_wait3A_119 = arith.constant 0 : i32
    %dma_wait3A_120 = arith.constant 0 : i32
    %dma_wait3A_121 = tpu.memref_slice %arg3[%arg0, %arg1, %dma_wait3A, %dma_wait3A_119, %dma_wait3A_120] : memref<2x16x128x2x80xi32, #tpu.memory_space<hbm>> -> memref<1x1x1x2x80xi32, #tpu.memory_space<hbm>>
    %dma_wait3A_122 = tpu.memref_squeeze %dma_wait3A_121 : memref<1x1x1x2x80xi32, #tpu.memory_space<hbm>> -> memref<2x80xi32, #tpu.memory_space<hbm>>
    %dma_wait3A_123 = arith.constant 0 : i32
    %dma_wait3A_124 = arith.constant 0 : i32
    %dma_wait3A_125 = tpu.memref_slice %arg5[%dma_wait3A_114, %dma_wait3A_123, %dma_wait3A_124] : memref<4x2x80xi32, #tpu.memory_space<vmem>> -> memref<1x2x80xi32, #tpu.memory_space<vmem>>
    %dma_wait3A_126 = tpu.memref_squeeze %dma_wait3A_125 : memref<1x2x80xi32, #tpu.memory_space<vmem>> -> memref<2x80xi32, #tpu.memory_space<vmem>>
    %dma_wait3A_127 = arith.constant 0 : i32
    %dma_wait3A_128 = arith.constant 0 : i32
    %dma_wait3A_129 = tpu.memref_slice %arg3[%arg0, %arg1, %dma_wait3A, %dma_wait3A_127, %dma_wait3A_128] : memref<2x16x128x2x80xi32, #tpu.memory_space<hbm>> -> memref<1x1x1x2x80xi32, #tpu.memory_space<hbm>>
    %dma_wait3A_130 = tpu.memref_squeeze %dma_wait3A_129 : memref<1x1x1x2x80xi32, #tpu.memory_space<hbm>> -> memref<2x80xi32, #tpu.memory_space<hbm>>
    tpu.wait_dma2 semaphore(%arg12 : memref<!tpu.dma_semaphore, #tpu.memory_space<semaphore_mem>>) src(%dma_wait3A_130 : memref<2x80xi32, #tpu.memory_space<hbm>>) dst(%dma_wait3A_126 : memref<2x80xi32, #tpu.memory_space<vmem>>)
    %dma_start3A_131 = arith.constant 0 : i32
    %dma_start3A_132 = arith.constant 0 : i32
    %dma_start3A_133 = arith.constant 0 : i32
    %dma_start3A_134 = arith.constant 0 : i32
    %dma_start3A_135 = arith.constant 0 : i32
    %dma_start3A_136 = tpu.memref_slice %arg6[%dma_start3A_133, %dma_start3A_134, %dma_start3A_135] : memref<4x80x128xf32, #tpu.memory_space<vmem>> -> memref<1x80x128xf32, #tpu.memory_space<vmem>>
    %dma_start3A_137 = tpu.memref_squeeze %dma_start3A_136 : memref<1x80x128xf32, #tpu.memory_space<vmem>> -> memref<80x128xf32, #tpu.memory_space<vmem>>
    %dma_start3A_138 = arith.constant 0 : i32
    %dma_start3A_139 = tpu.memref_slice %arg5[%dma_start3A_131, %dma_start3A_132, %dma_start3A_138] : memref<4x2x80xi32, #tpu.memory_space<vmem>> -> memref<1x1x80xi32, #tpu.memory_space<vmem>>
    %dma_start3A_140 = tpu.memref_squeeze %dma_start3A_139 : memref<1x1x80xi32, #tpu.memory_space<vmem>> -> memref<80xi32, #tpu.memory_space<vmem>>
    %dma_start3A_141 = arith.constant 0 : i32
    %dma_start3A_142 = arith.constant 0 : i32
    %dma_start3A_143 = tpu.memref_slice %arg2[%dma_start3A_141, %dma_start3A_142] : memref<10000x128xf32, #tpu.memory_space<hbm>> -> memref<10000x128xf32, #tpu.memory_space<hbm>>
    tpu.enqueue_indirect_dma source(%dma_start3A_143 : memref<10000x128xf32, #tpu.memory_space<hbm>>) target(%dma_start3A_137 : memref<80x128xf32, #tpu.memory_space<vmem>>) offsets(%dma_start3A_140 : memref<80xi32, #tpu.memory_space<vmem>>) semaphore(%arg8 : memref<!tpu.dma_semaphore, #tpu.memory_space<semaphore_mem>>)
    %dma_wait3A_144 = arith.constant 1 : i32
    %dma_wait3A_145 = arith.constant 1 : i32
    %dma_wait3A_146 = arith.constant 0 : i32
    %dma_wait3A_147 = arith.constant 0 : i32
    %dma_wait3A_148 = tpu.memref_slice %arg5[%dma_wait3A_145, %dma_wait3A_146, %dma_wait3A_147] : memref<4x2x80xi32, #tpu.memory_space<vmem>> -> memref<1x2x80xi32, #tpu.memory_space<vmem>>
    %dma_wait3A_149 = tpu.memref_squeeze %dma_wait3A_148 : memref<1x2x80xi32, #tpu.memory_space<vmem>> -> memref<2x80xi32, #tpu.memory_space<vmem>>
    %dma_wait3A_150 = arith.constant 0 : i32
    %dma_wait3A_151 = arith.constant 0 : i32
    %dma_wait3A_152 = tpu.memref_slice %arg3[%arg0, %arg1, %dma_wait3A_144, %dma_wait3A_150, %dma_wait3A_151] : memref<2x16x128x2x80xi32, #tpu.memory_space<hbm>> -> memref<1x1x1x2x80xi32, #tpu.memory_space<hbm>>
    %dma_wait3A_153 = tpu.memref_squeeze %dma_wait3A_152 : memref<1x1x1x2x80xi32, #tpu.memory_space<hbm>> -> memref<2x80xi32, #tpu.memory_space<hbm>>
    %dma_wait3A_154 = arith.constant 0 : i32
    %dma_wait3A_155 = arith.constant 0 : i32
    %dma_wait3A_156 = tpu.memref_slice %arg5[%dma_wait3A_145, %dma_wait3A_154, %dma_wait3A_155] : memref<4x2x80xi32, #tpu.memory_space<vmem>> -> memref<1x2x80xi32, #tpu.memory_space<vmem>>
    %dma_wait3A_157 = tpu.memref_squeeze %dma_wait3A_156 : memref<1x2x80xi32, #tpu.memory_space<vmem>> -> memref<2x80xi32, #tpu.memory_space<vmem>>
    %dma_wait3A_158 = arith.constant 0 : i32
    %dma_wait3A_159 = arith.constant 0 : i32
    %dma_wait3A_160 = tpu.memref_slice %arg3[%arg0, %arg1, %dma_wait3A_144, %dma_wait3A_158, %dma_wait3A_159] : memref<2x16x128x2x80xi32, #tpu.memory_space<hbm>> -> memref<1x1x1x2x80xi32, #tpu.memory_space<hbm>>
    %dma_wait3A_161 = tpu.memref_squeeze %dma_wait3A_160 : memref<1x1x1x2x80xi32, #tpu.memory_space<hbm>> -> memref<2x80xi32, #tpu.memory_space<hbm>>
    tpu.wait_dma2 semaphore(%arg13 : memref<!tpu.dma_semaphore, #tpu.memory_space<semaphore_mem>>) src(%dma_wait3A_161 : memref<2x80xi32, #tpu.memory_space<hbm>>) dst(%dma_wait3A_157 : memref<2x80xi32, #tpu.memory_space<vmem>>)
    %dma_start3A_162 = arith.constant 1 : i32
    %dma_start3A_163 = arith.constant 0 : i32
    %dma_start3A_164 = arith.constant 1 : i32
    %dma_start3A_165 = arith.constant 0 : i32
    %dma_start3A_166 = arith.constant 0 : i32
    %dma_start3A_167 = tpu.memref_slice %arg6[%dma_start3A_164, %dma_start3A_165, %dma_start3A_166] : memref<4x80x128xf32, #tpu.memory_space<vmem>> -> memref<1x80x128xf32, #tpu.memory_space<vmem>>
    %dma_start3A_168 = tpu.memref_squeeze %dma_start3A_167 : memref<1x80x128xf32, #tpu.memory_space<vmem>> -> memref<80x128xf32, #tpu.memory_space<vmem>>
    %dma_start3A_169 = arith.constant 0 : i32
    %dma_start3A_170 = tpu.memref_slice %arg5[%dma_start3A_162, %dma_start3A_163, %dma_start3A_169] : memref<4x2x80xi32, #tpu.memory_space<vmem>> -> memref<1x1x80xi32, #tpu.memory_space<vmem>>
    %dma_start3A_171 = tpu.memref_squeeze %dma_start3A_170 : memref<1x1x80xi32, #tpu.memory_space<vmem>> -> memref<80xi32, #tpu.memory_space<vmem>>
    %dma_start3A_172 = arith.constant 0 : i32
    %dma_start3A_173 = arith.constant 0 : i32
    %dma_start3A_174 = tpu.memref_slice %arg2[%dma_start3A_172, %dma_start3A_173] : memref<10000x128xf32, #tpu.memory_space<hbm>> -> memref<10000x128xf32, #tpu.memory_space<hbm>>
    tpu.enqueue_indirect_dma source(%dma_start3A_174 : memref<10000x128xf32, #tpu.memory_space<hbm>>) target(%dma_start3A_168 : memref<80x128xf32, #tpu.memory_space<vmem>>) offsets(%dma_start3A_171 : memref<80xi32, #tpu.memory_space<vmem>>) semaphore(%arg9 : memref<!tpu.dma_semaphore, #tpu.memory_space<semaphore_mem>>)
    %dma_wait3A_175 = arith.constant 2 : i32
    %dma_wait3A_176 = arith.constant 2 : i32
    %dma_wait3A_177 = arith.constant 0 : i32
    %dma_wait3A_178 = arith.constant 0 : i32
    %dma_wait3A_179 = tpu.memref_slice %arg5[%dma_wait3A_176, %dma_wait3A_177, %dma_wait3A_178] : memref<4x2x80xi32, #tpu.memory_space<vmem>> -> memref<1x2x80xi32, #tpu.memory_space<vmem>>
    %dma_wait3A_180 = tpu.memref_squeeze %dma_wait3A_179 : memref<1x2x80xi32, #tpu.memory_space<vmem>> -> memref<2x80xi32, #tpu.memory_space<vmem>>
    %dma_wait3A_181 = arith.constant 0 : i32
    %dma_wait3A_182 = arith.constant 0 : i32
    %dma_wait3A_183 = tpu.memref_slice %arg3[%arg0, %arg1, %dma_wait3A_175, %dma_wait3A_181, %dma_wait3A_182] : memref<2x16x128x2x80xi32, #tpu.memory_space<hbm>> -> memref<1x1x1x2x80xi32, #tpu.memory_space<hbm>>
    %dma_wait3A_184 = tpu.memref_squeeze %dma_wait3A_183 : memref<1x1x1x2x80xi32, #tpu.memory_space<hbm>> -> memref<2x80xi32, #tpu.memory_space<hbm>>
    %dma_wait3A_185 = arith.constant 0 : i32
    %dma_wait3A_186 = arith.constant 0 : i32
    %dma_wait3A_187 = tpu.memref_slice %arg5[%dma_wait3A_176, %dma_wait3A_185, %dma_wait3A_186] : memref<4x2x80xi32, #tpu.memory_space<vmem>> -> memref<1x2x80xi32, #tpu.memory_space<vmem>>
    %dma_wait3A_188 = tpu.memref_squeeze %dma_wait3A_187 : memref<1x2x80xi32, #tpu.memory_space<vmem>> -> memref<2x80xi32, #tpu.memory_space<vmem>>
    %dma_wait3A_189 = arith.constant 0 : i32
    %dma_wait3A_190 = arith.constant 0 : i32
    %dma_wait3A_191 = tpu.memref_slice %arg3[%arg0, %arg1, %dma_wait3A_175, %dma_wait3A_189, %dma_wait3A_190] : memref<2x16x128x2x80xi32, #tpu.memory_space<hbm>> -> memref<1x1x1x2x80xi32, #tpu.memory_space<hbm>>
    %dma_wait3A_192 = tpu.memref_squeeze %dma_wait3A_191 : memref<1x1x1x2x80xi32, #tpu.memory_space<hbm>> -> memref<2x80xi32, #tpu.memory_space<hbm>>
    tpu.wait_dma2 semaphore(%arg14 : memref<!tpu.dma_semaphore, #tpu.memory_space<semaphore_mem>>) src(%dma_wait3A_192 : memref<2x80xi32, #tpu.memory_space<hbm>>) dst(%dma_wait3A_188 : memref<2x80xi32, #tpu.memory_space<vmem>>)
    %dma_start3A_193 = arith.constant 2 : i32
    %dma_start3A_194 = arith.constant 0 : i32
    %dma_start3A_195 = arith.constant 2 : i32
    %dma_start3A_196 = arith.constant 0 : i32
    %dma_start3A_197 = arith.constant 0 : i32
    %dma_start3A_198 = tpu.memref_slice %arg6[%dma_start3A_195, %dma_start3A_196, %dma_start3A_197] : memref<4x80x128xf32, #tpu.memory_space<vmem>> -> memref<1x80x128xf32, #tpu.memory_space<vmem>>
    %dma_start3A_199 = tpu.memref_squeeze %dma_start3A_198 : memref<1x80x128xf32, #tpu.memory_space<vmem>> -> memref<80x128xf32, #tpu.memory_space<vmem>>
    %dma_start3A_200 = arith.constant 0 : i32
    %dma_start3A_201 = tpu.memref_slice %arg5[%dma_start3A_193, %dma_start3A_194, %dma_start3A_200] : memref<4x2x80xi32, #tpu.memory_space<vmem>> -> memref<1x1x80xi32, #tpu.memory_space<vmem>>
    %dma_start3A_202 = tpu.memref_squeeze %dma_start3A_201 : memref<1x1x80xi32, #tpu.memory_space<vmem>> -> memref<80xi32, #tpu.memory_space<vmem>>
    %dma_start3A_203 = arith.constant 0 : i32
    %dma_start3A_204 = arith.constant 0 : i32
    %dma_start3A_205 = tpu.memref_slice %arg2[%dma_start3A_203, %dma_start3A_204] : memref<10000x128xf32, #tpu.memory_space<hbm>> -> memref<10000x128xf32, #tpu.memory_space<hbm>>
    tpu.enqueue_indirect_dma source(%dma_start3A_205 : memref<10000x128xf32, #tpu.memory_space<hbm>>) target(%dma_start3A_199 : memref<80x128xf32, #tpu.memory_space<vmem>>) offsets(%dma_start3A_202 : memref<80xi32, #tpu.memory_space<vmem>>) semaphore(%arg10 : memref<!tpu.dma_semaphore, #tpu.memory_space<semaphore_mem>>)
    %barrier3A = arith.constant 0 : index
    tpu.barrier barrier_id(%barrier3A)
    %scan3A_206 = arith.constant 0 : i32
    %scan3A_207 = arith.constant 0 : i32
    %scan3A_208 = arith.constant 32 : i32
    %scan3A_209 = arith.addi %scan3A_207, %scan3A_208 : i32
    %scan3A_210 = arith.constant 1 : i32
    scf.for %scan3A_217 = %scan3A_207 to %scan3A_209 step %scan3A_210  : i32 {
      %mul3A_218 = arith.constant 4 : i32
      %mul3A_219 = arith.muli %mul3A_218, %scan3A_217 : i32
      %add3A_220 = arith.constant 0 : i32
      %add3A_221 = arith.addi %mul3A_219, %add3A_220 : i32
      %dma_wait3A_222 = arith.constant 0 : i32
      %dma_wait3A_223 = arith.constant 0 : i32
      %dma_wait3A_224 = arith.constant 0 : i32
      %dma_wait3A_225 = arith.constant 0 : i32
      %dma_wait3A_226 = arith.constant 0 : i32
      %dma_wait3A_227 = tpu.memref_slice %arg6[%dma_wait3A_224, %dma_wait3A_225, %dma_wait3A_226] : memref<4x80x128xf32, #tpu.memory_space<vmem>> -> memref<1x80x128xf32, #tpu.memory_space<vmem>>
      %dma_wait3A_228 = tpu.memref_squeeze %dma_wait3A_227 : memref<1x80x128xf32, #tpu.memory_space<vmem>> -> memref<80x128xf32, #tpu.memory_space<vmem>>
      %dma_wait3A_229 = arith.constant 0 : i32
      %dma_wait3A_230 = tpu.memref_slice %arg5[%dma_wait3A_222, %dma_wait3A_223, %dma_wait3A_229] : memref<4x2x80xi32, #tpu.memory_space<vmem>> -> memref<1x1x80xi32, #tpu.memory_space<vmem>>
      %dma_wait3A_231 = tpu.memref_squeeze %dma_wait3A_230 : memref<1x1x80xi32, #tpu.memory_space<vmem>> -> memref<80xi32, #tpu.memory_space<vmem>>
      %dma_wait3A_232 = arith.constant 0 : i32
      %dma_wait3A_233 = arith.constant 0 : i32
      %dma_wait3A_234 = tpu.memref_slice %arg2[%dma_wait3A_232, %dma_wait3A_233] : memref<10000x128xf32, #tpu.memory_space<hbm>> -> memref<10000x128xf32, #tpu.memory_space<hbm>>
      tpu.wait_indirect_dma semaphore(%arg8 : memref<!tpu.dma_semaphore, #tpu.memory_space<semaphore_mem>>) src(%dma_wait3A_234 : memref<10000x128xf32, #tpu.memory_space<hbm>>) dst(%dma_wait3A_228 : memref<80x128xf32, #tpu.memory_space<vmem>>)
      %run_scoped3A_235 = arith.constant 0 : i32
      %run_scoped3A_236 = arith.constant 0 : i32
      %run_scoped3A_237 = arith.constant 1 : i32
      "tpu.region"() ({
        %run_scoped3A_345 = tpu.sem_alloc : memref<!tpu.dma_semaphore, #tpu.memory_space<semaphore_mem>>
        %dma_start3A_346 = arith.constant 0 : i32
        %dma_start3A_347 = arith.constant 0 : i32
        %dma_start3A_348 = tpu.memref_slice %arg6[%run_scoped3A_235, %dma_start3A_346, %dma_start3A_347] : memref<4x80x128xf32, #tpu.memory_space<vmem>> -> memref<1x80x128xf32, #tpu.memory_space<vmem>>
        %dma_start3A_349 = tpu.memref_squeeze %dma_start3A_348 : memref<1x80x128xf32, #tpu.memory_space<vmem>> -> memref<80x128xf32, #tpu.memory_space<vmem>>
        %dma_start3A_350 = arith.constant 0 : i32
        %dma_start3A_351 = tpu.memref_slice %arg5[%run_scoped3A_236, %run_scoped3A_237, %dma_start3A_350] : memref<4x2x80xi32, #tpu.memory_space<vmem>> -> memref<1x1x80xi32, #tpu.memory_space<vmem>>
        %dma_start3A_352 = tpu.memref_squeeze %dma_start3A_351 : memref<1x1x80xi32, #tpu.memory_space<vmem>> -> memref<80xi32, #tpu.memory_space<vmem>>
        %dma_start3A_353 = arith.constant 0 : i32
        %dma_start3A_354 = arith.constant 0 : i32
        %dma_start3A_355 = tpu.memref_slice %arg7[%dma_start3A_353, %dma_start3A_354] : memref<10240x128xf32, #tpu.memory_space<vmem_shared>> -> memref<10240x128xf32, #tpu.memory_space<vmem_shared>>
        tpu.enqueue_indirect_dma source(%dma_start3A_349 : memref<80x128xf32, #tpu.memory_space<vmem>>) target(%dma_start3A_355 : memref<10240x128xf32, #tpu.memory_space<vmem_shared>>) offsets(%dma_start3A_352 : memref<80xi32, #tpu.memory_space<vmem>>) semaphore(%run_scoped3A_345 : memref<!tpu.dma_semaphore, #tpu.memory_space<semaphore_mem>>) {add = true}
        %dma_wait3A_356 = arith.constant 0 : i32
        %dma_wait3A_357 = arith.constant 0 : i32
        %dma_wait3A_358 = tpu.memref_slice %arg6[%run_scoped3A_235, %dma_wait3A_356, %dma_wait3A_357] : memref<4x80x128xf32, #tpu.memory_space<vmem>> -> memref<1x80x128xf32, #tpu.memory_space<vmem>>
        %dma_wait3A_359 = tpu.memref_squeeze %dma_wait3A_358 : memref<1x80x128xf32, #tpu.memory_space<vmem>> -> memref<80x128xf32, #tpu.memory_space<vmem>>
        %dma_wait3A_360 = arith.constant 0 : i32
        %dma_wait3A_361 = tpu.memref_slice %arg5[%run_scoped3A_236, %run_scoped3A_237, %dma_wait3A_360] : memref<4x2x80xi32, #tpu.memory_space<vmem>> -> memref<1x1x80xi32, #tpu.memory_space<vmem>>
        %dma_wait3A_362 = tpu.memref_squeeze %dma_wait3A_361 : memref<1x1x80xi32, #tpu.memory_space<vmem>> -> memref<80xi32, #tpu.memory_space<vmem>>
        %dma_wait3A_363 = arith.constant 0 : i32
        %dma_wait3A_364 = arith.constant 0 : i32
        %dma_wait3A_365 = tpu.memref_slice %arg7[%dma_wait3A_363, %dma_wait3A_364] : memref<10240x128xf32, #tpu.memory_space<vmem_shared>> -> memref<10240x128xf32, #tpu.memory_space<vmem_shared>>
        tpu.wait_indirect_dma semaphore(%run_scoped3A_345 : memref<!tpu.dma_semaphore, #tpu.memory_space<semaphore_mem>>) src(%dma_wait3A_359 : memref<80x128xf32, #tpu.memory_space<vmem>>) dst(%dma_wait3A_365 : memref<10240x128xf32, #tpu.memory_space<vmem_shared>>)
        tpu.yield
      }) : () -> ()
      %add3A_238 = arith.constant 4 : i32
      %add3A_239 = arith.addi %add3A_221, %add3A_238 : i32
      %lt3A = arith.constant 128 : i32
      %lt3A_240 = arith.cmpi slt, %add3A_239, %lt3A : i32
      %convert_element_type3A = arith.extui %lt3A_240 : i1 to i32
      %cond3A = arith.constant 0 : i32
      %cond3A_241 = arith.cmpi ne, %convert_element_type3A, %cond3A : i32
      scf.if %cond3A_241 {
        %add3A_345 = arith.constant 4 : i32
        %add3A_346 = arith.addi %add3A_221, %add3A_345 : i32
        %dma_start3A_347 = arith.constant 0 : i32
        %dma_start3A_348 = arith.constant 0 : i32
        %dma_start3A_349 = arith.constant 0 : i32
        %dma_start3A_350 = tpu.memref_slice %arg5[%dma_start3A_347, %dma_start3A_348, %dma_start3A_349] : memref<4x2x80xi32, #tpu.memory_space<vmem>> -> memref<1x2x80xi32, #tpu.memory_space<vmem>>
        %dma_start3A_351 = tpu.memref_squeeze %dma_start3A_350 : memref<1x2x80xi32, #tpu.memory_space<vmem>> -> memref<2x80xi32, #tpu.memory_space<vmem>>
        %dma_start3A_352 = arith.constant 0 : i32
        %dma_start3A_353 = arith.constant 0 : i32
        %dma_start3A_354 = tpu.memref_slice %arg3[%arg0, %arg1, %add3A_346, %dma_start3A_352, %dma_start3A_353] : memref<2x16x128x2x80xi32, #tpu.memory_space<hbm>> -> memref<1x1x1x2x80xi32, #tpu.memory_space<hbm>>
        %dma_start3A_355 = tpu.memref_squeeze %dma_start3A_354 : memref<1x1x1x2x80xi32, #tpu.memory_space<hbm>> -> memref<2x80xi32, #tpu.memory_space<hbm>>
        %dma_start3A_356 = arith.constant 0 : i32
        %dma_start3A_357 = arith.constant 0 : i32
        %dma_start3A_358 = tpu.memref_slice %arg5[%dma_start3A_347, %dma_start3A_356, %dma_start3A_357] : memref<4x2x80xi32, #tpu.memory_space<vmem>> -> memref<1x2x80xi32, #tpu.memory_space<vmem>>
        %dma_start3A_359 = tpu.memref_squeeze %dma_start3A_358 : memref<1x2x80xi32, #tpu.memory_space<vmem>> -> memref<2x80xi32, #tpu.memory_space<vmem>>
        %dma_start3A_360 = arith.constant 0 : i32
        %dma_start3A_361 = arith.constant 0 : i32
        %dma_start3A_362 = tpu.memref_slice %arg3[%arg0, %arg1, %add3A_346, %dma_start3A_360, %dma_start3A_361] : memref<2x16x128x2x80xi32, #tpu.memory_space<hbm>> -> memref<1x1x1x2x80xi32, #tpu.memory_space<hbm>>
        %dma_start3A_363 = tpu.memref_squeeze %dma_start3A_362 : memref<1x1x1x2x80xi32, #tpu.memory_space<hbm>> -> memref<2x80xi32, #tpu.memory_space<hbm>>
        tpu.enqueue_dma source(%dma_start3A_363 : memref<2x80xi32, #tpu.memory_space<hbm>>) target(%dma_start3A_359 : memref<2x80xi32, #tpu.memory_space<vmem>>) target_semaphore(%arg12 : memref<!tpu.dma_semaphore, #tpu.memory_space<semaphore_mem>>)
      } else {
      }
      %add3A_242 = arith.constant 3 : i32
      %add3A_243 = arith.addi %add3A_221, %add3A_242 : i32
      %lt3A_244 = arith.constant 128 : i32
      %lt3A_245 = arith.cmpi slt, %add3A_243, %lt3A_244 : i32
      %convert_element_type3A_246 = arith.extui %lt3A_245 : i1 to i32
      %cond3A_247 = arith.constant 0 : i32
      %cond3A_248 = arith.cmpi ne, %convert_element_type3A_246, %cond3A_247 : i32
      scf.if %cond3A_248 {
        %add3A_345 = arith.constant 3 : i32
        %add3A_346 = arith.addi %add3A_221, %add3A_345 : i32
        %dma_wait3A_347 = arith.constant 3 : i32
        %dma_wait3A_348 = arith.constant 0 : i32
        %dma_wait3A_349 = arith.constant 0 : i32
        %dma_wait3A_350 = tpu.memref_slice %arg5[%dma_wait3A_347, %dma_wait3A_348, %dma_wait3A_349] : memref<4x2x80xi32, #tpu.memory_space<vmem>> -> memref<1x2x80xi32, #tpu.memory_space<vmem>>
        %dma_wait3A_351 = tpu.memref_squeeze %dma_wait3A_350 : memref<1x2x80xi32, #tpu.memory_space<vmem>> -> memref<2x80xi32, #tpu.memory_space<vmem>>
        %dma_wait3A_352 = arith.constant 0 : i32
        %dma_wait3A_353 = arith.constant 0 : i32
        %dma_wait3A_354 = tpu.memref_slice %arg3[%arg0, %arg1, %add3A_346, %dma_wait3A_352, %dma_wait3A_353] : memref<2x16x128x2x80xi32, #tpu.memory_space<hbm>> -> memref<1x1x1x2x80xi32, #tpu.memory_space<hbm>>
        %dma_wait3A_355 = tpu.memref_squeeze %dma_wait3A_354 : memref<1x1x1x2x80xi32, #tpu.memory_space<hbm>> -> memref<2x80xi32, #tpu.memory_space<hbm>>
        %dma_wait3A_356 = arith.constant 0 : i32
        %dma_wait3A_357 = arith.constant 0 : i32
        %dma_wait3A_358 = tpu.memref_slice %arg5[%dma_wait3A_347, %dma_wait3A_356, %dma_wait3A_357] : memref<4x2x80xi32, #tpu.memory_space<vmem>> -> memref<1x2x80xi32, #tpu.memory_space<vmem>>
        %dma_wait3A_359 = tpu.memref_squeeze %dma_wait3A_358 : memref<1x2x80xi32, #tpu.memory_space<vmem>> -> memref<2x80xi32, #tpu.memory_space<vmem>>
        %dma_wait3A_360 = arith.constant 0 : i32
        %dma_wait3A_361 = arith.constant 0 : i32
        %dma_wait3A_362 = tpu.memref_slice %arg3[%arg0, %arg1, %add3A_346, %dma_wait3A_360, %dma_wait3A_361] : memref<2x16x128x2x80xi32, #tpu.memory_space<hbm>> -> memref<1x1x1x2x80xi32, #tpu.memory_space<hbm>>
        %dma_wait3A_363 = tpu.memref_squeeze %dma_wait3A_362 : memref<1x1x1x2x80xi32, #tpu.memory_space<hbm>> -> memref<2x80xi32, #tpu.memory_space<hbm>>
        tpu.wait_dma2 semaphore(%arg15 : memref<!tpu.dma_semaphore, #tpu.memory_space<semaphore_mem>>) src(%dma_wait3A_363 : memref<2x80xi32, #tpu.memory_space<hbm>>) dst(%dma_wait3A_359 : memref<2x80xi32, #tpu.memory_space<vmem>>)
        %dma_start3A_364 = arith.constant 3 : i32
        %dma_start3A_365 = arith.constant 0 : i32
        %dma_start3A_366 = arith.constant 3 : i32
        %dma_start3A_367 = arith.constant 0 : i32
        %dma_start3A_368 = arith.constant 0 : i32
        %dma_start3A_369 = tpu.memref_slice %arg6[%dma_start3A_366, %dma_start3A_367, %dma_start3A_368] : memref<4x80x128xf32, #tpu.memory_space<vmem>> -> memref<1x80x128xf32, #tpu.memory_space<vmem>>
        %dma_start3A_370 = tpu.memref_squeeze %dma_start3A_369 : memref<1x80x128xf32, #tpu.memory_space<vmem>> -> memref<80x128xf32, #tpu.memory_space<vmem>>
        %dma_start3A_371 = arith.constant 0 : i32
        %dma_start3A_372 = tpu.memref_slice %arg5[%dma_start3A_364, %dma_start3A_365, %dma_start3A_371] : memref<4x2x80xi32, #tpu.memory_space<vmem>> -> memref<1x1x80xi32, #tpu.memory_space<vmem>>
        %dma_start3A_373 = tpu.memref_squeeze %dma_start3A_372 : memref<1x1x80xi32, #tpu.memory_space<vmem>> -> memref<80xi32, #tpu.memory_space<vmem>>
        %dma_start3A_374 = arith.constant 0 : i32
        %dma_start3A_375 = arith.constant 0 : i32
        %dma_start3A_376 = tpu.memref_slice %arg2[%dma_start3A_374, %dma_start3A_375] : memref<10000x128xf32, #tpu.memory_space<hbm>> -> memref<10000x128xf32, #tpu.memory_space<hbm>>
        tpu.enqueue_indirect_dma source(%dma_start3A_376 : memref<10000x128xf32, #tpu.memory_space<hbm>>) target(%dma_start3A_370 : memref<80x128xf32, #tpu.memory_space<vmem>>) offsets(%dma_start3A_373 : memref<80xi32, #tpu.memory_space<vmem>>) semaphore(%arg11 : memref<!tpu.dma_semaphore, #tpu.memory_space<semaphore_mem>>)
      } else {
      }
      %add3A_249 = arith.constant 1 : i32
      %add3A_250 = arith.addi %mul3A_219, %add3A_249 : i32
      %dma_wait3A_251 = arith.constant 1 : i32
      %dma_wait3A_252 = arith.constant 0 : i32
      %dma_wait3A_253 = arith.constant 1 : i32
      %dma_wait3A_254 = arith.constant 0 : i32
      %dma_wait3A_255 = arith.constant 0 : i32
      %dma_wait3A_256 = tpu.memref_slice %arg6[%dma_wait3A_253, %dma_wait3A_254, %dma_wait3A_255] : memref<4x80x128xf32, #tpu.memory_space<vmem>> -> memref<1x80x128xf32, #tpu.memory_space<vmem>>
      %dma_wait3A_257 = tpu.memref_squeeze %dma_wait3A_256 : memref<1x80x128xf32, #tpu.memory_space<vmem>> -> memref<80x128xf32, #tpu.memory_space<vmem>>
      %dma_wait3A_258 = arith.constant 0 : i32
      %dma_wait3A_259 = tpu.memref_slice %arg5[%dma_wait3A_251, %dma_wait3A_252, %dma_wait3A_258] : memref<4x2x80xi32, #tpu.memory_space<vmem>> -> memref<1x1x80xi32, #tpu.memory_space<vmem>>
      %dma_wait3A_260 = tpu.memref_squeeze %dma_wait3A_259 : memref<1x1x80xi32, #tpu.memory_space<vmem>> -> memref<80xi32, #tpu.memory_space<vmem>>
      %dma_wait3A_261 = arith.constant 0 : i32
      %dma_wait3A_262 = arith.constant 0 : i32
      %dma_wait3A_263 = tpu.memref_slice %arg2[%dma_wait3A_261, %dma_wait3A_262] : memref<10000x128xf32, #tpu.memory_space<hbm>> -> memref<10000x128xf32, #tpu.memory_space<hbm>>
      tpu.wait_indirect_dma semaphore(%arg9 : memref<!tpu.dma_semaphore, #tpu.memory_space<semaphore_mem>>) src(%dma_wait3A_263 : memref<10000x128xf32, #tpu.memory_space<hbm>>) dst(%dma_wait3A_257 : memref<80x128xf32, #tpu.memory_space<vmem>>)
      %run_scoped3A_264 = arith.constant 1 : i32
      %run_scoped3A_265 = arith.constant 1 : i32
      %run_scoped3A_266 = arith.constant 1 : i32
      "tpu.region"() ({
        %run_scoped3A_345 = tpu.sem_alloc : memref<!tpu.dma_semaphore, #tpu.memory_space<semaphore_mem>>
        %dma_start3A_346 = arith.constant 0 : i32
        %dma_start3A_347 = arith.constant 0 : i32
        %dma_start3A_348 = tpu.memref_slice %arg6[%run_scoped3A_264, %dma_start3A_346, %dma_start3A_347] : memref<4x80x128xf32, #tpu.memory_space<vmem>> -> memref<1x80x128xf32, #tpu.memory_space<vmem>>
        %dma_start3A_349 = tpu.memref_squeeze %dma_start3A_348 : memref<1x80x128xf32, #tpu.memory_space<vmem>> -> memref<80x128xf32, #tpu.memory_space<vmem>>
        %dma_start3A_350 = arith.constant 0 : i32
        %dma_start3A_351 = tpu.memref_slice %arg5[%run_scoped3A_265, %run_scoped3A_266, %dma_start3A_350] : memref<4x2x80xi32, #tpu.memory_space<vmem>> -> memref<1x1x80xi32, #tpu.memory_space<vmem>>
        %dma_start3A_352 = tpu.memref_squeeze %dma_start3A_351 : memref<1x1x80xi32, #tpu.memory_space<vmem>> -> memref<80xi32, #tpu.memory_space<vmem>>
        %dma_start3A_353 = arith.constant 0 : i32
        %dma_start3A_354 = arith.constant 0 : i32
        %dma_start3A_355 = tpu.memref_slice %arg7[%dma_start3A_353, %dma_start3A_354] : memref<10240x128xf32, #tpu.memory_space<vmem_shared>> -> memref<10240x128xf32, #tpu.memory_space<vmem_shared>>
        tpu.enqueue_indirect_dma source(%dma_start3A_349 : memref<80x128xf32, #tpu.memory_space<vmem>>) target(%dma_start3A_355 : memref<10240x128xf32, #tpu.memory_space<vmem_shared>>) offsets(%dma_start3A_352 : memref<80xi32, #tpu.memory_space<vmem>>) semaphore(%run_scoped3A_345 : memref<!tpu.dma_semaphore, #tpu.memory_space<semaphore_mem>>) {add = true}
        %dma_wait3A_356 = arith.constant 0 : i32
        %dma_wait3A_357 = arith.constant 0 : i32
        %dma_wait3A_358 = tpu.memref_slice %arg6[%run_scoped3A_264, %dma_wait3A_356, %dma_wait3A_357] : memref<4x80x128xf32, #tpu.memory_space<vmem>> -> memref<1x80x128xf32, #tpu.memory_space<vmem>>
        %dma_wait3A_359 = tpu.memref_squeeze %dma_wait3A_358 : memref<1x80x128xf32, #tpu.memory_space<vmem>> -> memref<80x128xf32, #tpu.memory_space<vmem>>
        %dma_wait3A_360 = arith.constant 0 : i32
        %dma_wait3A_361 = tpu.memref_slice %arg5[%run_scoped3A_265, %run_scoped3A_266, %dma_wait3A_360] : memref<4x2x80xi32, #tpu.memory_space<vmem>> -> memref<1x1x80xi32, #tpu.memory_space<vmem>>
        %dma_wait3A_362 = tpu.memref_squeeze %dma_wait3A_361 : memref<1x1x80xi32, #tpu.memory_space<vmem>> -> memref<80xi32, #tpu.memory_space<vmem>>
        %dma_wait3A_363 = arith.constant 0 : i32
        %dma_wait3A_364 = arith.constant 0 : i32
        %dma_wait3A_365 = tpu.memref_slice %arg7[%dma_wait3A_363, %dma_wait3A_364] : memref<10240x128xf32, #tpu.memory_space<vmem_shared>> -> memref<10240x128xf32, #tpu.memory_space<vmem_shared>>
        tpu.wait_indirect_dma semaphore(%run_scoped3A_345 : memref<!tpu.dma_semaphore, #tpu.memory_space<semaphore_mem>>) src(%dma_wait3A_359 : memref<80x128xf32, #tpu.memory_space<vmem>>) dst(%dma_wait3A_365 : memref<10240x128xf32, #tpu.memory_space<vmem_shared>>)
        tpu.yield
      }) : () -> ()
      %add3A_267 = arith.constant 4 : i32
      %add3A_268 = arith.addi %add3A_250, %add3A_267 : i32
      %lt3A_269 = arith.constant 128 : i32
      %lt3A_270 = arith.cmpi slt, %add3A_268, %lt3A_269 : i32
      %convert_element_type3A_271 = arith.extui %lt3A_270 : i1 to i32
      %cond3A_272 = arith.constant 0 : i32
      %cond3A_273 = arith.cmpi ne, %convert_element_type3A_271, %cond3A_272 : i32
      scf.if %cond3A_273 {
        %add3A_345 = arith.constant 4 : i32
        %add3A_346 = arith.addi %add3A_250, %add3A_345 : i32
        %dma_start3A_347 = arith.constant 1 : i32
        %dma_start3A_348 = arith.constant 0 : i32
        %dma_start3A_349 = arith.constant 0 : i32
        %dma_start3A_350 = tpu.memref_slice %arg5[%dma_start3A_347, %dma_start3A_348, %dma_start3A_349] : memref<4x2x80xi32, #tpu.memory_space<vmem>> -> memref<1x2x80xi32, #tpu.memory_space<vmem>>
        %dma_start3A_351 = tpu.memref_squeeze %dma_start3A_350 : memref<1x2x80xi32, #tpu.memory_space<vmem>> -> memref<2x80xi32, #tpu.memory_space<vmem>>
        %dma_start3A_352 = arith.constant 0 : i32
        %dma_start3A_353 = arith.constant 0 : i32
        %dma_start3A_354 = tpu.memref_slice %arg3[%arg0, %arg1, %add3A_346, %dma_start3A_352, %dma_start3A_353] : memref<2x16x128x2x80xi32, #tpu.memory_space<hbm>> -> memref<1x1x1x2x80xi32, #tpu.memory_space<hbm>>
        %dma_start3A_355 = tpu.memref_squeeze %dma_start3A_354 : memref<1x1x1x2x80xi32, #tpu.memory_space<hbm>> -> memref<2x80xi32, #tpu.memory_space<hbm>>
        %dma_start3A_356 = arith.constant 0 : i32
        %dma_start3A_357 = arith.constant 0 : i32
        %dma_start3A_358 = tpu.memref_slice %arg5[%dma_start3A_347, %dma_start3A_356, %dma_start3A_357] : memref<4x2x80xi32, #tpu.memory_space<vmem>> -> memref<1x2x80xi32, #tpu.memory_space<vmem>>
        %dma_start3A_359 = tpu.memref_squeeze %dma_start3A_358 : memref<1x2x80xi32, #tpu.memory_space<vmem>> -> memref<2x80xi32, #tpu.memory_space<vmem>>
        %dma_start3A_360 = arith.constant 0 : i32
        %dma_start3A_361 = arith.constant 0 : i32
        %dma_start3A_362 = tpu.memref_slice %arg3[%arg0, %arg1, %add3A_346, %dma_start3A_360, %dma_start3A_361] : memref<2x16x128x2x80xi32, #tpu.memory_space<hbm>> -> memref<1x1x1x2x80xi32, #tpu.memory_space<hbm>>
        %dma_start3A_363 = tpu.memref_squeeze %dma_start3A_362 : memref<1x1x1x2x80xi32, #tpu.memory_space<hbm>> -> memref<2x80xi32, #tpu.memory_space<hbm>>
        tpu.enqueue_dma source(%dma_start3A_363 : memref<2x80xi32, #tpu.memory_space<hbm>>) target(%dma_start3A_359 : memref<2x80xi32, #tpu.memory_space<vmem>>) target_semaphore(%arg13 : memref<!tpu.dma_semaphore, #tpu.memory_space<semaphore_mem>>)
      } else {
      }
      %add3A_274 = arith.constant 3 : i32
      %add3A_275 = arith.addi %add3A_250, %add3A_274 : i32
      %lt3A_276 = arith.constant 128 : i32
      %lt3A_277 = arith.cmpi slt, %add3A_275, %lt3A_276 : i32
      %convert_element_type3A_278 = arith.extui %lt3A_277 : i1 to i32
      %cond3A_279 = arith.constant 0 : i32
      %cond3A_280 = arith.cmpi ne, %convert_element_type3A_278, %cond3A_279 : i32
      scf.if %cond3A_280 {
        %add3A_345 = arith.constant 3 : i32
        %add3A_346 = arith.addi %add3A_250, %add3A_345 : i32
        %dma_wait3A_347 = arith.constant 0 : i32
        %dma_wait3A_348 = arith.constant 0 : i32
        %dma_wait3A_349 = arith.constant 0 : i32
        %dma_wait3A_350 = tpu.memref_slice %arg5[%dma_wait3A_347, %dma_wait3A_348, %dma_wait3A_349] : memref<4x2x80xi32, #tpu.memory_space<vmem>> -> memref<1x2x80xi32, #tpu.memory_space<vmem>>
        %dma_wait3A_351 = tpu.memref_squeeze %dma_wait3A_350 : memref<1x2x80xi32, #tpu.memory_space<vmem>> -> memref<2x80xi32, #tpu.memory_space<vmem>>
        %dma_wait3A_352 = arith.constant 0 : i32
        %dma_wait3A_353 = arith.constant 0 : i32
        %dma_wait3A_354 = tpu.memref_slice %arg3[%arg0, %arg1, %add3A_346, %dma_wait3A_352, %dma_wait3A_353] : memref<2x16x128x2x80xi32, #tpu.memory_space<hbm>> -> memref<1x1x1x2x80xi32, #tpu.memory_space<hbm>>
        %dma_wait3A_355 = tpu.memref_squeeze %dma_wait3A_354 : memref<1x1x1x2x80xi32, #tpu.memory_space<hbm>> -> memref<2x80xi32, #tpu.memory_space<hbm>>
        %dma_wait3A_356 = arith.constant 0 : i32
        %dma_wait3A_357 = arith.constant 0 : i32
        %dma_wait3A_358 = tpu.memref_slice %arg5[%dma_wait3A_347, %dma_wait3A_356, %dma_wait3A_357] : memref<4x2x80xi32, #tpu.memory_space<vmem>> -> memref<1x2x80xi32, #tpu.memory_space<vmem>>
        %dma_wait3A_359 = tpu.memref_squeeze %dma_wait3A_358 : memref<1x2x80xi32, #tpu.memory_space<vmem>> -> memref<2x80xi32, #tpu.memory_space<vmem>>
        %dma_wait3A_360 = arith.constant 0 : i32
        %dma_wait3A_361 = arith.constant 0 : i32
        %dma_wait3A_362 = tpu.memref_slice %arg3[%arg0, %arg1, %add3A_346, %dma_wait3A_360, %dma_wait3A_361] : memref<2x16x128x2x80xi32, #tpu.memory_space<hbm>> -> memref<1x1x1x2x80xi32, #tpu.memory_space<hbm>>
        %dma_wait3A_363 = tpu.memref_squeeze %dma_wait3A_362 : memref<1x1x1x2x80xi32, #tpu.memory_space<hbm>> -> memref<2x80xi32, #tpu.memory_space<hbm>>
        tpu.wait_dma2 semaphore(%arg12 : memref<!tpu.dma_semaphore, #tpu.memory_space<semaphore_mem>>) src(%dma_wait3A_363 : memref<2x80xi32, #tpu.memory_space<hbm>>) dst(%dma_wait3A_359 : memref<2x80xi32, #tpu.memory_space<vmem>>)
        %dma_start3A_364 = arith.constant 0 : i32
        %dma_start3A_365 = arith.constant 0 : i32
        %dma_start3A_366 = arith.constant 0 : i32
        %dma_start3A_367 = arith.constant 0 : i32
        %dma_start3A_368 = arith.constant 0 : i32
        %dma_start3A_369 = tpu.memref_slice %arg6[%dma_start3A_366, %dma_start3A_367, %dma_start3A_368] : memref<4x80x128xf32, #tpu.memory_space<vmem>> -> memref<1x80x128xf32, #tpu.memory_space<vmem>>
        %dma_start3A_370 = tpu.memref_squeeze %dma_start3A_369 : memref<1x80x128xf32, #tpu.memory_space<vmem>> -> memref<80x128xf32, #tpu.memory_space<vmem>>
        %dma_start3A_371 = arith.constant 0 : i32
        %dma_start3A_372 = tpu.memref_slice %arg5[%dma_start3A_364, %dma_start3A_365, %dma_start3A_371] : memref<4x2x80xi32, #tpu.memory_space<vmem>> -> memref<1x1x80xi32, #tpu.memory_space<vmem>>
        %dma_start3A_373 = tpu.memref_squeeze %dma_start3A_372 : memref<1x1x80xi32, #tpu.memory_space<vmem>> -> memref<80xi32, #tpu.memory_space<vmem>>
        %dma_start3A_374 = arith.constant 0 : i32
        %dma_start3A_375 = arith.constant 0 : i32
        %dma_start3A_376 = tpu.memref_slice %arg2[%dma_start3A_374, %dma_start3A_375] : memref<10000x128xf32, #tpu.memory_space<hbm>> -> memref<10000x128xf32, #tpu.memory_space<hbm>>
        tpu.enqueue_indirect_dma source(%dma_start3A_376 : memref<10000x128xf32, #tpu.memory_space<hbm>>) target(%dma_start3A_370 : memref<80x128xf32, #tpu.memory_space<vmem>>) offsets(%dma_start3A_373 : memref<80xi32, #tpu.memory_space<vmem>>) semaphore(%arg8 : memref<!tpu.dma_semaphore, #tpu.memory_space<semaphore_mem>>)
      } else {
      }
      %add3A_281 = arith.constant 2 : i32
      %add3A_282 = arith.addi %mul3A_219, %add3A_281 : i32
      %dma_wait3A_283 = arith.constant 2 : i32
      %dma_wait3A_284 = arith.constant 0 : i32
      %dma_wait3A_285 = arith.constant 2 : i32
      %dma_wait3A_286 = arith.constant 0 : i32
      %dma_wait3A_287 = arith.constant 0 : i32
      %dma_wait3A_288 = tpu.memref_slice %arg6[%dma_wait3A_285, %dma_wait3A_286, %dma_wait3A_287] : memref<4x80x128xf32, #tpu.memory_space<vmem>> -> memref<1x80x128xf32, #tpu.memory_space<vmem>>
      %dma_wait3A_289 = tpu.memref_squeeze %dma_wait3A_288 : memref<1x80x128xf32, #tpu.memory_space<vmem>> -> memref<80x128xf32, #tpu.memory_space<vmem>>
      %dma_wait3A_290 = arith.constant 0 : i32
      %dma_wait3A_291 = tpu.memref_slice %arg5[%dma_wait3A_283, %dma_wait3A_284, %dma_wait3A_290] : memref<4x2x80xi32, #tpu.memory_space<vmem>> -> memref<1x1x80xi32, #tpu.memory_space<vmem>>
      %dma_wait3A_292 = tpu.memref_squeeze %dma_wait3A_291 : memref<1x1x80xi32, #tpu.memory_space<vmem>> -> memref<80xi32, #tpu.memory_space<vmem>>
      %dma_wait3A_293 = arith.constant 0 : i32
      %dma_wait3A_294 = arith.constant 0 : i32
      %dma_wait3A_295 = tpu.memref_slice %arg2[%dma_wait3A_293, %dma_wait3A_294] : memref<10000x128xf32, #tpu.memory_space<hbm>> -> memref<10000x128xf32, #tpu.memory_space<hbm>>
      tpu.wait_indirect_dma semaphore(%arg10 : memref<!tpu.dma_semaphore, #tpu.memory_space<semaphore_mem>>) src(%dma_wait3A_295 : memref<10000x128xf32, #tpu.memory_space<hbm>>) dst(%dma_wait3A_289 : memref<80x128xf32, #tpu.memory_space<vmem>>)
      %run_scoped3A_296 = arith.constant 2 : i32
      %run_scoped3A_297 = arith.constant 2 : i32
      %run_scoped3A_298 = arith.constant 1 : i32
      "tpu.region"() ({
        %run_scoped3A_345 = tpu.sem_alloc : memref<!tpu.dma_semaphore, #tpu.memory_space<semaphore_mem>>
        %dma_start3A_346 = arith.constant 0 : i32
        %dma_start3A_347 = arith.constant 0 : i32
        %dma_start3A_348 = tpu.memref_slice %arg6[%run_scoped3A_296, %dma_start3A_346, %dma_start3A_347] : memref<4x80x128xf32, #tpu.memory_space<vmem>> -> memref<1x80x128xf32, #tpu.memory_space<vmem>>
        %dma_start3A_349 = tpu.memref_squeeze %dma_start3A_348 : memref<1x80x128xf32, #tpu.memory_space<vmem>> -> memref<80x128xf32, #tpu.memory_space<vmem>>
        %dma_start3A_350 = arith.constant 0 : i32
        %dma_start3A_351 = tpu.memref_slice %arg5[%run_scoped3A_297, %run_scoped3A_298, %dma_start3A_350] : memref<4x2x80xi32, #tpu.memory_space<vmem>> -> memref<1x1x80xi32, #tpu.memory_space<vmem>>
        %dma_start3A_352 = tpu.memref_squeeze %dma_start3A_351 : memref<1x1x80xi32, #tpu.memory_space<vmem>> -> memref<80xi32, #tpu.memory_space<vmem>>
        %dma_start3A_353 = arith.constant 0 : i32
        %dma_start3A_354 = arith.constant 0 : i32
        %dma_start3A_355 = tpu.memref_slice %arg7[%dma_start3A_353, %dma_start3A_354] : memref<10240x128xf32, #tpu.memory_space<vmem_shared>> -> memref<10240x128xf32, #tpu.memory_space<vmem_shared>>
        tpu.enqueue_indirect_dma source(%dma_start3A_349 : memref<80x128xf32, #tpu.memory_space<vmem>>) target(%dma_start3A_355 : memref<10240x128xf32, #tpu.memory_space<vmem_shared>>) offsets(%dma_start3A_352 : memref<80xi32, #tpu.memory_space<vmem>>) semaphore(%run_scoped3A_345 : memref<!tpu.dma_semaphore, #tpu.memory_space<semaphore_mem>>) {add = true}
        %dma_wait3A_356 = arith.constant 0 : i32
        %dma_wait3A_357 = arith.constant 0 : i32
        %dma_wait3A_358 = tpu.memref_slice %arg6[%run_scoped3A_296, %dma_wait3A_356, %dma_wait3A_357] : memref<4x80x128xf32, #tpu.memory_space<vmem>> -> memref<1x80x128xf32, #tpu.memory_space<vmem>>
        %dma_wait3A_359 = tpu.memref_squeeze %dma_wait3A_358 : memref<1x80x128xf32, #tpu.memory_space<vmem>> -> memref<80x128xf32, #tpu.memory_space<vmem>>
        %dma_wait3A_360 = arith.constant 0 : i32
        %dma_wait3A_361 = tpu.memref_slice %arg5[%run_scoped3A_297, %run_scoped3A_298, %dma_wait3A_360] : memref<4x2x80xi32, #tpu.memory_space<vmem>> -> memref<1x1x80xi32, #tpu.memory_space<vmem>>
        %dma_wait3A_362 = tpu.memref_squeeze %dma_wait3A_361 : memref<1x1x80xi32, #tpu.memory_space<vmem>> -> memref<80xi32, #tpu.memory_space<vmem>>
        %dma_wait3A_363 = arith.constant 0 : i32
        %dma_wait3A_364 = arith.constant 0 : i32
        %dma_wait3A_365 = tpu.memref_slice %arg7[%dma_wait3A_363, %dma_wait3A_364] : memref<10240x128xf32, #tpu.memory_space<vmem_shared>> -> memref<10240x128xf32, #tpu.memory_space<vmem_shared>>
        tpu.wait_indirect_dma semaphore(%run_scoped3A_345 : memref<!tpu.dma_semaphore, #tpu.memory_space<semaphore_mem>>) src(%dma_wait3A_359 : memref<80x128xf32, #tpu.memory_space<vmem>>) dst(%dma_wait3A_365 : memref<10240x128xf32, #tpu.memory_space<vmem_shared>>)
        tpu.yield
      }) : () -> ()
      %add3A_299 = arith.constant 4 : i32
      %add3A_300 = arith.addi %add3A_282, %add3A_299 : i32
      %lt3A_301 = arith.constant 128 : i32
      %lt3A_302 = arith.cmpi slt, %add3A_300, %lt3A_301 : i32
      %convert_element_type3A_303 = arith.extui %lt3A_302 : i1 to i32
      %cond3A_304 = arith.constant 0 : i32
      %cond3A_305 = arith.cmpi ne, %convert_element_type3A_303, %cond3A_304 : i32
      scf.if %cond3A_305 {
        %add3A_345 = arith.constant 4 : i32
        %add3A_346 = arith.addi %add3A_282, %add3A_345 : i32
        %dma_start3A_347 = arith.constant 2 : i32
        %dma_start3A_348 = arith.constant 0 : i32
        %dma_start3A_349 = arith.constant 0 : i32
        %dma_start3A_350 = tpu.memref_slice %arg5[%dma_start3A_347, %dma_start3A_348, %dma_start3A_349] : memref<4x2x80xi32, #tpu.memory_space<vmem>> -> memref<1x2x80xi32, #tpu.memory_space<vmem>>
        %dma_start3A_351 = tpu.memref_squeeze %dma_start3A_350 : memref<1x2x80xi32, #tpu.memory_space<vmem>> -> memref<2x80xi32, #tpu.memory_space<vmem>>
        %dma_start3A_352 = arith.constant 0 : i32
        %dma_start3A_353 = arith.constant 0 : i32
        %dma_start3A_354 = tpu.memref_slice %arg3[%arg0, %arg1, %add3A_346, %dma_start3A_352, %dma_start3A_353] : memref<2x16x128x2x80xi32, #tpu.memory_space<hbm>> -> memref<1x1x1x2x80xi32, #tpu.memory_space<hbm>>
        %dma_start3A_355 = tpu.memref_squeeze %dma_start3A_354 : memref<1x1x1x2x80xi32, #tpu.memory_space<hbm>> -> memref<2x80xi32, #tpu.memory_space<hbm>>
        %dma_start3A_356 = arith.constant 0 : i32
        %dma_start3A_357 = arith.constant 0 : i32
        %dma_start3A_358 = tpu.memref_slice %arg5[%dma_start3A_347, %dma_start3A_356, %dma_start3A_357] : memref<4x2x80xi32, #tpu.memory_space<vmem>> -> memref<1x2x80xi32, #tpu.memory_space<vmem>>
        %dma_start3A_359 = tpu.memref_squeeze %dma_start3A_358 : memref<1x2x80xi32, #tpu.memory_space<vmem>> -> memref<2x80xi32, #tpu.memory_space<vmem>>
        %dma_start3A_360 = arith.constant 0 : i32
        %dma_start3A_361 = arith.constant 0 : i32
        %dma_start3A_362 = tpu.memref_slice %arg3[%arg0, %arg1, %add3A_346, %dma_start3A_360, %dma_start3A_361] : memref<2x16x128x2x80xi32, #tpu.memory_space<hbm>> -> memref<1x1x1x2x80xi32, #tpu.memory_space<hbm>>
        %dma_start3A_363 = tpu.memref_squeeze %dma_start3A_362 : memref<1x1x1x2x80xi32, #tpu.memory_space<hbm>> -> memref<2x80xi32, #tpu.memory_space<hbm>>
        tpu.enqueue_dma source(%dma_start3A_363 : memref<2x80xi32, #tpu.memory_space<hbm>>) target(%dma_start3A_359 : memref<2x80xi32, #tpu.memory_space<vmem>>) target_semaphore(%arg14 : memref<!tpu.dma_semaphore, #tpu.memory_space<semaphore_mem>>)
      } else {
      }
      %add3A_306 = arith.constant 3 : i32
      %add3A_307 = arith.addi %add3A_282, %add3A_306 : i32
      %lt3A_308 = arith.constant 128 : i32
      %lt3A_309 = arith.cmpi slt, %add3A_307, %lt3A_308 : i32
      %convert_element_type3A_310 = arith.extui %lt3A_309 : i1 to i32
      %cond3A_311 = arith.constant 0 : i32
      %cond3A_312 = arith.cmpi ne, %convert_element_type3A_310, %cond3A_311 : i32
      scf.if %cond3A_312 {
        %add3A_345 = arith.constant 3 : i32
        %add3A_346 = arith.addi %add3A_282, %add3A_345 : i32
        %dma_wait3A_347 = arith.constant 1 : i32
        %dma_wait3A_348 = arith.constant 0 : i32
        %dma_wait3A_349 = arith.constant 0 : i32
        %dma_wait3A_350 = tpu.memref_slice %arg5[%dma_wait3A_347, %dma_wait3A_348, %dma_wait3A_349] : memref<4x2x80xi32, #tpu.memory_space<vmem>> -> memref<1x2x80xi32, #tpu.memory_space<vmem>>
        %dma_wait3A_351 = tpu.memref_squeeze %dma_wait3A_350 : memref<1x2x80xi32, #tpu.memory_space<vmem>> -> memref<2x80xi32, #tpu.memory_space<vmem>>
        %dma_wait3A_352 = arith.constant 0 : i32
        %dma_wait3A_353 = arith.constant 0 : i32
        %dma_wait3A_354 = tpu.memref_slice %arg3[%arg0, %arg1, %add3A_346, %dma_wait3A_352, %dma_wait3A_353] : memref<2x16x128x2x80xi32, #tpu.memory_space<hbm>> -> memref<1x1x1x2x80xi32, #tpu.memory_space<hbm>>
        %dma_wait3A_355 = tpu.memref_squeeze %dma_wait3A_354 : memref<1x1x1x2x80xi32, #tpu.memory_space<hbm>> -> memref<2x80xi32, #tpu.memory_space<hbm>>
        %dma_wait3A_356 = arith.constant 0 : i32
        %dma_wait3A_357 = arith.constant 0 : i32
        %dma_wait3A_358 = tpu.memref_slice %arg5[%dma_wait3A_347, %dma_wait3A_356, %dma_wait3A_357] : memref<4x2x80xi32, #tpu.memory_space<vmem>> -> memref<1x2x80xi32, #tpu.memory_space<vmem>>
        %dma_wait3A_359 = tpu.memref_squeeze %dma_wait3A_358 : memref<1x2x80xi32, #tpu.memory_space<vmem>> -> memref<2x80xi32, #tpu.memory_space<vmem>>
        %dma_wait3A_360 = arith.constant 0 : i32
        %dma_wait3A_361 = arith.constant 0 : i32
        %dma_wait3A_362 = tpu.memref_slice %arg3[%arg0, %arg1, %add3A_346, %dma_wait3A_360, %dma_wait3A_361] : memref<2x16x128x2x80xi32, #tpu.memory_space<hbm>> -> memref<1x1x1x2x80xi32, #tpu.memory_space<hbm>>
        %dma_wait3A_363 = tpu.memref_squeeze %dma_wait3A_362 : memref<1x1x1x2x80xi32, #tpu.memory_space<hbm>> -> memref<2x80xi32, #tpu.memory_space<hbm>>
        tpu.wait_dma2 semaphore(%arg13 : memref<!tpu.dma_semaphore, #tpu.memory_space<semaphore_mem>>) src(%dma_wait3A_363 : memref<2x80xi32, #tpu.memory_space<hbm>>) dst(%dma_wait3A_359 : memref<2x80xi32, #tpu.memory_space<vmem>>)
        %dma_start3A_364 = arith.constant 1 : i32
        %dma_start3A_365 = arith.constant 0 : i32
        %dma_start3A_366 = arith.constant 1 : i32
        %dma_start3A_367 = arith.constant 0 : i32
        %dma_start3A_368 = arith.constant 0 : i32
        %dma_start3A_369 = tpu.memref_slice %arg6[%dma_start3A_366, %dma_start3A_367, %dma_start3A_368] : memref<4x80x128xf32, #tpu.memory_space<vmem>> -> memref<1x80x128xf32, #tpu.memory_space<vmem>>
        %dma_start3A_370 = tpu.memref_squeeze %dma_start3A_369 : memref<1x80x128xf32, #tpu.memory_space<vmem>> -> memref<80x128xf32, #tpu.memory_space<vmem>>
        %dma_start3A_371 = arith.constant 0 : i32
        %dma_start3A_372 = tpu.memref_slice %arg5[%dma_start3A_364, %dma_start3A_365, %dma_start3A_371] : memref<4x2x80xi32, #tpu.memory_space<vmem>> -> memref<1x1x80xi32, #tpu.memory_space<vmem>>
        %dma_start3A_373 = tpu.memref_squeeze %dma_start3A_372 : memref<1x1x80xi32, #tpu.memory_space<vmem>> -> memref<80xi32, #tpu.memory_space<vmem>>
        %dma_start3A_374 = arith.constant 0 : i32
        %dma_start3A_375 = arith.constant 0 : i32
        %dma_start3A_376 = tpu.memref_slice %arg2[%dma_start3A_374, %dma_start3A_375] : memref<10000x128xf32, #tpu.memory_space<hbm>> -> memref<10000x128xf32, #tpu.memory_space<hbm>>
        tpu.enqueue_indirect_dma source(%dma_start3A_376 : memref<10000x128xf32, #tpu.memory_space<hbm>>) target(%dma_start3A_370 : memref<80x128xf32, #tpu.memory_space<vmem>>) offsets(%dma_start3A_373 : memref<80xi32, #tpu.memory_space<vmem>>) semaphore(%arg9 : memref<!tpu.dma_semaphore, #tpu.memory_space<semaphore_mem>>)
      } else {
      }
      %add3A_313 = arith.constant 3 : i32
      %add3A_314 = arith.addi %mul3A_219, %add3A_313 : i32
      %dma_wait3A_315 = arith.constant 3 : i32
      %dma_wait3A_316 = arith.constant 0 : i32
      %dma_wait3A_317 = arith.constant 3 : i32
      %dma_wait3A_318 = arith.constant 0 : i32
      %dma_wait3A_319 = arith.constant 0 : i32
      %dma_wait3A_320 = tpu.memref_slice %arg6[%dma_wait3A_317, %dma_wait3A_318, %dma_wait3A_319] : memref<4x80x128xf32, #tpu.memory_space<vmem>> -> memref<1x80x128xf32, #tpu.memory_space<vmem>>
      %dma_wait3A_321 = tpu.memref_squeeze %dma_wait3A_320 : memref<1x80x128xf32, #tpu.memory_space<vmem>> -> memref<80x128xf32, #tpu.memory_space<vmem>>
      %dma_wait3A_322 = arith.constant 0 : i32
      %dma_wait3A_323 = tpu.memref_slice %arg5[%dma_wait3A_315, %dma_wait3A_316, %dma_wait3A_322] : memref<4x2x80xi32, #tpu.memory_space<vmem>> -> memref<1x1x80xi32, #tpu.memory_space<vmem>>
      %dma_wait3A_324 = tpu.memref_squeeze %dma_wait3A_323 : memref<1x1x80xi32, #tpu.memory_space<vmem>> -> memref<80xi32, #tpu.memory_space<vmem>>
      %dma_wait3A_325 = arith.constant 0 : i32
      %dma_wait3A_326 = arith.constant 0 : i32
      %dma_wait3A_327 = tpu.memref_slice %arg2[%dma_wait3A_325, %dma_wait3A_326] : memref<10000x128xf32, #tpu.memory_space<hbm>> -> memref<10000x128xf32, #tpu.memory_space<hbm>>
      tpu.wait_indirect_dma semaphore(%arg11 : memref<!tpu.dma_semaphore, #tpu.memory_space<semaphore_mem>>) src(%dma_wait3A_327 : memref<10000x128xf32, #tpu.memory_space<hbm>>) dst(%dma_wait3A_321 : memref<80x128xf32, #tpu.memory_space<vmem>>)
      %run_scoped3A_328 = arith.constant 3 : i32
      %run_scoped3A_329 = arith.constant 3 : i32
      %run_scoped3A_330 = arith.constant 1 : i32
      "tpu.region"() ({
        %run_scoped3A_345 = tpu.sem_alloc : memref<!tpu.dma_semaphore, #tpu.memory_space<semaphore_mem>>
        %dma_start3A_346 = arith.constant 0 : i32
        %dma_start3A_347 = arith.constant 0 : i32
        %dma_start3A_348 = tpu.memref_slice %arg6[%run_scoped3A_328, %dma_start3A_346, %dma_start3A_347] : memref<4x80x128xf32, #tpu.memory_space<vmem>> -> memref<1x80x128xf32, #tpu.memory_space<vmem>>
        %dma_start3A_349 = tpu.memref_squeeze %dma_start3A_348 : memref<1x80x128xf32, #tpu.memory_space<vmem>> -> memref<80x128xf32, #tpu.memory_space<vmem>>
        %dma_start3A_350 = arith.constant 0 : i32
        %dma_start3A_351 = tpu.memref_slice %arg5[%run_scoped3A_329, %run_scoped3A_330, %dma_start3A_350] : memref<4x2x80xi32, #tpu.memory_space<vmem>> -> memref<1x1x80xi32, #tpu.memory_space<vmem>>
        %dma_start3A_352 = tpu.memref_squeeze %dma_start3A_351 : memref<1x1x80xi32, #tpu.memory_space<vmem>> -> memref<80xi32, #tpu.memory_space<vmem>>
        %dma_start3A_353 = arith.constant 0 : i32
        %dma_start3A_354 = arith.constant 0 : i32
        %dma_start3A_355 = tpu.memref_slice %arg7[%dma_start3A_353, %dma_start3A_354] : memref<10240x128xf32, #tpu.memory_space<vmem_shared>> -> memref<10240x128xf32, #tpu.memory_space<vmem_shared>>
        tpu.enqueue_indirect_dma source(%dma_start3A_349 : memref<80x128xf32, #tpu.memory_space<vmem>>) target(%dma_start3A_355 : memref<10240x128xf32, #tpu.memory_space<vmem_shared>>) offsets(%dma_start3A_352 : memref<80xi32, #tpu.memory_space<vmem>>) semaphore(%run_scoped3A_345 : memref<!tpu.dma_semaphore, #tpu.memory_space<semaphore_mem>>) {add = true}
        %dma_wait3A_356 = arith.constant 0 : i32
        %dma_wait3A_357 = arith.constant 0 : i32
        %dma_wait3A_358 = tpu.memref_slice %arg6[%run_scoped3A_328, %dma_wait3A_356, %dma_wait3A_357] : memref<4x80x128xf32, #tpu.memory_space<vmem>> -> memref<1x80x128xf32, #tpu.memory_space<vmem>>
        %dma_wait3A_359 = tpu.memref_squeeze %dma_wait3A_358 : memref<1x80x128xf32, #tpu.memory_space<vmem>> -> memref<80x128xf32, #tpu.memory_space<vmem>>
        %dma_wait3A_360 = arith.constant 0 : i32
        %dma_wait3A_361 = tpu.memref_slice %arg5[%run_scoped3A_329, %run_scoped3A_330, %dma_wait3A_360] : memref<4x2x80xi32, #tpu.memory_space<vmem>> -> memref<1x1x80xi32, #tpu.memory_space<vmem>>
        %dma_wait3A_362 = tpu.memref_squeeze %dma_wait3A_361 : memref<1x1x80xi32, #tpu.memory_space<vmem>> -> memref<80xi32, #tpu.memory_space<vmem>>
        %dma_wait3A_363 = arith.constant 0 : i32
        %dma_wait3A_364 = arith.constant 0 : i32
        %dma_wait3A_365 = tpu.memref_slice %arg7[%dma_wait3A_363, %dma_wait3A_364] : memref<10240x128xf32, #tpu.memory_space<vmem_shared>> -> memref<10240x128xf32, #tpu.memory_space<vmem_shared>>
        tpu.wait_indirect_dma semaphore(%run_scoped3A_345 : memref<!tpu.dma_semaphore, #tpu.memory_space<semaphore_mem>>) src(%dma_wait3A_359 : memref<80x128xf32, #tpu.memory_space<vmem>>) dst(%dma_wait3A_365 : memref<10240x128xf32, #tpu.memory_space<vmem_shared>>)
        tpu.yield
      }) : () -> ()
      %add3A_331 = arith.constant 4 : i32
      %add3A_332 = arith.addi %add3A_314, %add3A_331 : i32
      %lt3A_333 = arith.constant 128 : i32
      %lt3A_334 = arith.cmpi slt, %add3A_332, %lt3A_333 : i32
      %convert_element_type3A_335 = arith.extui %lt3A_334 : i1 to i32
      %cond3A_336 = arith.constant 0 : i32
      %cond3A_337 = arith.cmpi ne, %convert_element_type3A_335, %cond3A_336 : i32
      scf.if %cond3A_337 {
        %add3A_345 = arith.constant 4 : i32
        %add3A_346 = arith.addi %add3A_314, %add3A_345 : i32
        %dma_start3A_347 = arith.constant 3 : i32
        %dma_start3A_348 = arith.constant 0 : i32
        %dma_start3A_349 = arith.constant 0 : i32
        %dma_start3A_350 = tpu.memref_slice %arg5[%dma_start3A_347, %dma_start3A_348, %dma_start3A_349] : memref<4x2x80xi32, #tpu.memory_space<vmem>> -> memref<1x2x80xi32, #tpu.memory_space<vmem>>
        %dma_start3A_351 = tpu.memref_squeeze %dma_start3A_350 : memref<1x2x80xi32, #tpu.memory_space<vmem>> -> memref<2x80xi32, #tpu.memory_space<vmem>>
        %dma_start3A_352 = arith.constant 0 : i32
        %dma_start3A_353 = arith.constant 0 : i32
        %dma_start3A_354 = tpu.memref_slice %arg3[%arg0, %arg1, %add3A_346, %dma_start3A_352, %dma_start3A_353] : memref<2x16x128x2x80xi32, #tpu.memory_space<hbm>> -> memref<1x1x1x2x80xi32, #tpu.memory_space<hbm>>
        %dma_start3A_355 = tpu.memref_squeeze %dma_start3A_354 : memref<1x1x1x2x80xi32, #tpu.memory_space<hbm>> -> memref<2x80xi32, #tpu.memory_space<hbm>>
        %dma_start3A_356 = arith.constant 0 : i32
        %dma_start3A_357 = arith.constant 0 : i32
        %dma_start3A_358 = tpu.memref_slice %arg5[%dma_start3A_347, %dma_start3A_356, %dma_start3A_357] : memref<4x2x80xi32, #tpu.memory_space<vmem>> -> memref<1x2x80xi32, #tpu.memory_space<vmem>>
        %dma_start3A_359 = tpu.memref_squeeze %dma_start3A_358 : memref<1x2x80xi32, #tpu.memory_space<vmem>> -> memref<2x80xi32, #tpu.memory_space<vmem>>
        %dma_start3A_360 = arith.constant 0 : i32
        %dma_start3A_361 = arith.constant 0 : i32
        %dma_start3A_362 = tpu.memref_slice %arg3[%arg0, %arg1, %add3A_346, %dma_start3A_360, %dma_start3A_361] : memref<2x16x128x2x80xi32, #tpu.memory_space<hbm>> -> memref<1x1x1x2x80xi32, #tpu.memory_space<hbm>>
        %dma_start3A_363 = tpu.memref_squeeze %dma_start3A_362 : memref<1x1x1x2x80xi32, #tpu.memory_space<hbm>> -> memref<2x80xi32, #tpu.memory_space<hbm>>
        tpu.enqueue_dma source(%dma_start3A_363 : memref<2x80xi32, #tpu.memory_space<hbm>>) target(%dma_start3A_359 : memref<2x80xi32, #tpu.memory_space<vmem>>) target_semaphore(%arg15 : memref<!tpu.dma_semaphore, #tpu.memory_space<semaphore_mem>>)
      } else {
      }
      %add3A_338 = arith.constant 3 : i32
      %add3A_339 = arith.addi %add3A_314, %add3A_338 : i32
      %lt3A_340 = arith.constant 128 : i32
      %lt3A_341 = arith.cmpi slt, %add3A_339, %lt3A_340 : i32
      %convert_element_type3A_342 = arith.extui %lt3A_341 : i1 to i32
      %cond3A_343 = arith.constant 0 : i32
      %cond3A_344 = arith.cmpi ne, %convert_element_type3A_342, %cond3A_343 : i32
      scf.if %cond3A_344 {
        %add3A_345 = arith.constant 3 : i32
        %add3A_346 = arith.addi %add3A_314, %add3A_345 : i32
        %dma_wait3A_347 = arith.constant 2 : i32
        %dma_wait3A_348 = arith.constant 0 : i32
        %dma_wait3A_349 = arith.constant 0 : i32
        %dma_wait3A_350 = tpu.memref_slice %arg5[%dma_wait3A_347, %dma_wait3A_348, %dma_wait3A_349] : memref<4x2x80xi32, #tpu.memory_space<vmem>> -> memref<1x2x80xi32, #tpu.memory_space<vmem>>
        %dma_wait3A_351 = tpu.memref_squeeze %dma_wait3A_350 : memref<1x2x80xi32, #tpu.memory_space<vmem>> -> memref<2x80xi32, #tpu.memory_space<vmem>>
        %dma_wait3A_352 = arith.constant 0 : i32
        %dma_wait3A_353 = arith.constant 0 : i32
        %dma_wait3A_354 = tpu.memref_slice %arg3[%arg0, %arg1, %add3A_346, %dma_wait3A_352, %dma_wait3A_353] : memref<2x16x128x2x80xi32, #tpu.memory_space<hbm>> -> memref<1x1x1x2x80xi32, #tpu.memory_space<hbm>>
        %dma_wait3A_355 = tpu.memref_squeeze %dma_wait3A_354 : memref<1x1x1x2x80xi32, #tpu.memory_space<hbm>> -> memref<2x80xi32, #tpu.memory_space<hbm>>
        %dma_wait3A_356 = arith.constant 0 : i32
        %dma_wait3A_357 = arith.constant 0 : i32
        %dma_wait3A_358 = tpu.memref_slice %arg5[%dma_wait3A_347, %dma_wait3A_356, %dma_wait3A_357] : memref<4x2x80xi32, #tpu.memory_space<vmem>> -> memref<1x2x80xi32, #tpu.memory_space<vmem>>
        %dma_wait3A_359 = tpu.memref_squeeze %dma_wait3A_358 : memref<1x2x80xi32, #tpu.memory_space<vmem>> -> memref<2x80xi32, #tpu.memory_space<vmem>>
        %dma_wait3A_360 = arith.constant 0 : i32
        %dma_wait3A_361 = arith.constant 0 : i32
        %dma_wait3A_362 = tpu.memref_slice %arg3[%arg0, %arg1, %add3A_346, %dma_wait3A_360, %dma_wait3A_361] : memref<2x16x128x2x80xi32, #tpu.memory_space<hbm>> -> memref<1x1x1x2x80xi32, #tpu.memory_space<hbm>>
        %dma_wait3A_363 = tpu.memref_squeeze %dma_wait3A_362 : memref<1x1x1x2x80xi32, #tpu.memory_space<hbm>> -> memref<2x80xi32, #tpu.memory_space<hbm>>
        tpu.wait_dma2 semaphore(%arg14 : memref<!tpu.dma_semaphore, #tpu.memory_space<semaphore_mem>>) src(%dma_wait3A_363 : memref<2x80xi32, #tpu.memory_space<hbm>>) dst(%dma_wait3A_359 : memref<2x80xi32, #tpu.memory_space<vmem>>)
        %dma_start3A_364 = arith.constant 2 : i32
        %dma_start3A_365 = arith.constant 0 : i32
        %dma_start3A_366 = arith.constant 2 : i32
        %dma_start3A_367 = arith.constant 0 : i32
        %dma_start3A_368 = arith.constant 0 : i32
        %dma_start3A_369 = tpu.memref_slice %arg6[%dma_start3A_366, %dma_start3A_367, %dma_start3A_368] : memref<4x80x128xf32, #tpu.memory_space<vmem>> -> memref<1x80x128xf32, #tpu.memory_space<vmem>>
        %dma_start3A_370 = tpu.memref_squeeze %dma_start3A_369 : memref<1x80x128xf32, #tpu.memory_space<vmem>> -> memref<80x128xf32, #tpu.memory_space<vmem>>
        %dma_start3A_371 = arith.constant 0 : i32
        %dma_start3A_372 = tpu.memref_slice %arg5[%dma_start3A_364, %dma_start3A_365, %dma_start3A_371] : memref<4x2x80xi32, #tpu.memory_space<vmem>> -> memref<1x1x80xi32, #tpu.memory_space<vmem>>
        %dma_start3A_373 = tpu.memref_squeeze %dma_start3A_372 : memref<1x1x80xi32, #tpu.memory_space<vmem>> -> memref<80xi32, #tpu.memory_space<vmem>>
        %dma_start3A_374 = arith.constant 0 : i32
        %dma_start3A_375 = arith.constant 0 : i32
        %dma_start3A_376 = tpu.memref_slice %arg2[%dma_start3A_374, %dma_start3A_375] : memref<10000x128xf32, #tpu.memory_space<hbm>> -> memref<10000x128xf32, #tpu.memory_space<hbm>>
        tpu.enqueue_indirect_dma source(%dma_start3A_376 : memref<10000x128xf32, #tpu.memory_space<hbm>>) target(%dma_start3A_370 : memref<80x128xf32, #tpu.memory_space<vmem>>) offsets(%dma_start3A_373 : memref<80xi32, #tpu.memory_space<vmem>>) semaphore(%arg10 : memref<!tpu.dma_semaphore, #tpu.memory_space<semaphore_mem>>)
      } else {
      }
    }
    %scan3A_211 = arith.constant 32 : i32
    %barrier3A_212 = arith.constant 0 : index
    tpu.barrier barrier_id(%barrier3A_212)
    %mul3A_213 = arith.constant 640 : i32
    %mul3A_214 = arith.muli %arg1, %mul3A_213 : i32
    %mul3A_215 = arith.constant 640 : i32
    %mul3A_216 = arith.muli %arg1, %mul3A_215 : i32
    "tpu.region"() ({
      %run_scoped3A_217 = tpu.sem_alloc : memref<!tpu.dma_semaphore, #tpu.memory_space<semaphore_mem>>
      %dma_start3A_218 = arith.constant 0 : i32
      %dma_start3A_219 = tpu.memref_slice %arg4[%arg0, %mul3A_216, %dma_start3A_218] : memref<2x10240x128xf32, #tpu.memory_space<hbm>> -> memref<1x640x128xf32, #tpu.memory_space<hbm>>
      %dma_start3A_220 = tpu.memref_squeeze %dma_start3A_219 : memref<1x640x128xf32, #tpu.memory_space<hbm>> -> memref<640x128xf32, #tpu.memory_space<hbm>>
      %dma_start3A_221 = arith.constant 0 : i32
      %dma_start3A_222 = tpu.memref_slice %arg7[%mul3A_214, %dma_start3A_221] : memref<10240x128xf32, #tpu.memory_space<vmem_shared>> -> memref<640x128xf32, #tpu.memory_space<vmem_shared>>
      tpu.enqueue_dma source(%dma_start3A_222 : memref<640x128xf32, #tpu.memory_space<vmem_shared>>) target(%dma_start3A_220 : memref<640x128xf32, #tpu.memory_space<hbm>>) target_semaphore(%run_scoped3A_217 : memref<!tpu.dma_semaphore, #tpu.memory_space<semaphore_mem>>)
      %dma_wait3A_223 = arith.constant 0 : i32
      %dma_wait3A_224 = tpu.memref_slice %arg4[%arg0, %mul3A_216, %dma_wait3A_223] : memref<2x10240x128xf32, #tpu.memory_space<hbm>> -> memref<1x640x128xf32, #tpu.memory_space<hbm>>
      %dma_wait3A_225 = tpu.memref_squeeze %dma_wait3A_224 : memref<1x640x128xf32, #tpu.memory_space<hbm>> -> memref<640x128xf32, #tpu.memory_space<hbm>>
      %dma_wait3A_226 = arith.constant 0 : i32
      %dma_wait3A_227 = tpu.memref_slice %arg7[%mul3A_214, %dma_wait3A_226] : memref<10240x128xf32, #tpu.memory_space<vmem_shared>> -> memref<640x128xf32, #tpu.memory_space<vmem_shared>>
      tpu.wait_dma2 semaphore(%run_scoped3A_217 : memref<!tpu.dma_semaphore, #tpu.memory_space<semaphore_mem>>) src(%dma_wait3A_227 : memref<640x128xf32, #tpu.memory_space<vmem_shared>>) dst(%dma_wait3A_225 : memref<640x128xf32, #tpu.memory_space<hbm>>)
      tpu.yield
    }) : () -> ()
    return
  }
}

module attributes {stable_mosaic.version = 14 : i64} {
  func.func @_dense1_body(%arg0: i32, %arg1: memref<2x2000x128xf32, #tpu.memory_space<vmem>>, %arg2: memref<2000x128xf32, #tpu.memory_space<vmem>>, %arg3: memref<128x128xf32, #tpu.memory_space<vmem>>, %arg4: memref<1x128xf32, #tpu.memory_space<vmem>>, %arg5: memref<128x128xf32, #tpu.memory_space<vmem>>, %arg6: memref<2000x128xf32, #tpu.memory_space<vmem>>) attributes {dimension_semantics = [#tpu.dimension_semantics<arbitrary>], iteration_bounds = array<i64: 5>, scalar_prefetch = 0 : i64, scratch_operands = 0 : i64, tpu.core_type = #tpu.core_type<tc>, window_params = [{transform_indices = @transform_0, window_bounds = array<i64: 2, 2000, 128>}, {transform_indices = @transform_1, window_bounds = array<i64: 2000, 128>}, {pipeline_mode = #tpu.pipeline_mode<synchronous>, transform_indices = @transform_2, window_bounds = array<i64: 128, 128>}, {pipeline_mode = #tpu.pipeline_mode<synchronous>, transform_indices = @transform_3, window_bounds = array<i64: 1, 128>}, {pipeline_mode = #tpu.pipeline_mode<synchronous>, transform_indices = @transform_4, window_bounds = array<i64: 128, 128>}, {transform_indices = @transform_5, window_bounds = array<i64: 2000, 128>}]} {
    %get3A = arith.constant 0 : index
    %get3A_0 = arith.constant 0 : index
    %get3A_1 = arith.constant 0 : index
    %get3A_2 = vector.load %arg1[%get3A, %get3A_0, %get3A_1] : memref<2x2000x128xf32, #tpu.memory_space<vmem>>, vector<1x2000x128xf32>
    %get3A_3 = vector.shape_cast %get3A_2 : vector<1x2000x128xf32> to vector<2000x128xf32>
    %get3A_4 = arith.constant 1 : index
    %get3A_5 = arith.constant 0 : index
    %get3A_6 = arith.constant 0 : index
    %get3A_7 = vector.load %arg1[%get3A_4, %get3A_5, %get3A_6] : memref<2x2000x128xf32, #tpu.memory_space<vmem>>, vector<1x2000x128xf32>
    %get3A_8 = vector.shape_cast %get3A_7 : vector<1x2000x128xf32> to vector<2000x128xf32>
    %add3A = arith.addf %get3A_3, %get3A_8 : vector<2000x128xf32>
    %get3A_9 = arith.constant 0 : index
    %get3A_10 = arith.constant 0 : index
    %get3A_11 = vector.load %arg3[%get3A_9, %get3A_10] : memref<128x128xf32, #tpu.memory_space<vmem>>, vector<128x128xf32>
    %dot_general3A = arith.constant dense<0.000000e+00> : vector<2000x128xf32>
    %dot_general3A_12 = tpu.matmul %add3A, %get3A_11, %dot_general3A {dimension_numbers = #tpu.dot_dimension_numbers<[1], [0], [0], [1], [0, 0, 1, 1], [], []>, transpose_lhs_hint = false} : vector<2000x128xf32>, vector<128x128xf32>, vector<2000x128xf32> -> vector<2000x128xf32>
    %get3A_13 = arith.constant 0 : index
    %get3A_14 = arith.constant 0 : index
    %get3A_15 = vector.load %arg2[%get3A_13, %get3A_14] : memref<2000x128xf32, #tpu.memory_space<vmem>>, vector<2000x128xf32>
    %get3A_16 = arith.constant 0 : index
    %get3A_17 = arith.constant 0 : index
    %get3A_18 = vector.load %arg5[%get3A_16, %get3A_17] : memref<128x128xf32, #tpu.memory_space<vmem>>, vector<128x128xf32>
    %dot_general3A_19 = arith.constant dense<0.000000e+00> : vector<2000x128xf32>
    %dot_general3A_20 = tpu.matmul %get3A_15, %get3A_18, %dot_general3A_19 {dimension_numbers = #tpu.dot_dimension_numbers<[1], [0], [0], [1], [0, 0, 1, 1], [], []>, transpose_lhs_hint = false} : vector<2000x128xf32>, vector<128x128xf32>, vector<2000x128xf32> -> vector<2000x128xf32>
    %add3A_21 = arith.addf %dot_general3A_12, %dot_general3A_20 : vector<2000x128xf32>
    %get3A_22 = arith.constant 0 : index
    %get3A_23 = arith.constant 0 : index
    %get3A_24 = vector.load %arg4[%get3A_22, %get3A_23] : memref<1x128xf32, #tpu.memory_space<vmem>>, vector<1x128xf32>
    %add3A_25 = vector.broadcast %get3A_24 : vector<1x128xf32> to vector<2000x128xf32>
    %add3A_26 = arith.addf %add3A_21, %add3A_25 : vector<2000x128xf32>
    %max3A = arith.constant 0.000000e+00 : f32
    %max3A_27 = vector.broadcast %max3A : f32 to vector<2000x128xf32>
    %max3A_28 = arith.maximumf %add3A_26, %max3A_27 : vector<2000x128xf32>
    %swap3A = arith.constant 0 : index
    %swap3A_29 = arith.constant 0 : index
    %swap3A_30 = vector.load %arg6[%swap3A, %swap3A_29] : memref<2000x128xf32, #tpu.memory_space<vmem>>, vector<2000x128xf32>
    tpu.vector_store %arg6[%swap3A, %swap3A_29], %max3A_28 {strides = array<i32>} : memref<2000x128xf32, #tpu.memory_space<vmem>>, vector<2000x128xf32>,
    return
  }
  func.func @transform_0(%arg0: i32) -> (i32, i32, i32) {
    %c0_i32 = arith.constant 0 : i32
    %c0_i32_0 = arith.constant 0 : i32
    %c0_i32_1 = arith.constant 0 : i32
    return %c0_i32, %arg0, %c0_i32_0 : i32, i32, i32
  }
  func.func @transform_1(%arg0: i32) -> (i32, i32) {
    %c0_i32 = arith.constant 0 : i32
    %c0_i32_0 = arith.constant 0 : i32
    return %arg0, %c0_i32 : i32, i32
  }
  func.func @transform_2(%arg0: i32) -> (i32, i32) {
    %c0_i32 = arith.constant 0 : i32
    %c0_i32_0 = arith.constant 0 : i32
    %c0_i32_1 = arith.constant 0 : i32
    return %c0_i32, %c0_i32_0 : i32, i32
  }
  func.func @transform_3(%arg0: i32) -> (i32, i32) {
    %c0_i32 = arith.constant 0 : i32
    %c0_i32_0 = arith.constant 0 : i32
    %c0_i32_1 = arith.constant 0 : i32
    return %c0_i32, %c0_i32_0 : i32, i32
  }
  func.func @transform_4(%arg0: i32) -> (i32, i32) {
    %c0_i32 = arith.constant 0 : i32
    %c0_i32_0 = arith.constant 0 : i32
    %c0_i32_1 = arith.constant 0 : i32
    return %c0_i32, %c0_i32_0 : i32, i32
  }
  func.func @transform_5(%arg0: i32) -> (i32, i32) {
    %c0_i32 = arith.constant 0 : i32
    %c0_i32_0 = arith.constant 0 : i32
    return %arg0, %c0_i32 : i32, i32
  }
}

module attributes {stable_mosaic.version = 14 : i64} {
  func.func @_dense2_body(%arg0: i32, %arg1: memref<2x2000x128xf32, #tpu.memory_space<vmem>>, %arg2: memref<2000x128xf32, #tpu.memory_space<vmem>>, %arg3: memref<128x128xf32, #tpu.memory_space<vmem>>, %arg4: memref<1x128xf32, #tpu.memory_space<vmem>>, %arg5: memref<128x128xf32, #tpu.memory_space<vmem>>, %arg6: memref<1x128xf32, #tpu.memory_space<vmem>>, %arg7: memref<1x1xf32, #tpu.memory_space<vmem>>, %arg8: memref<2000x1xf32, #tpu.memory_space<vmem>>) attributes {dimension_semantics = [#tpu.dimension_semantics<arbitrary>], iteration_bounds = array<i64: 5>, scalar_prefetch = 0 : i64, scratch_operands = 0 : i64, tpu.core_type = #tpu.core_type<tc>, window_params = [{transform_indices = @transform_0, window_bounds = array<i64: 2, 2000, 128>}, {transform_indices = @transform_1, window_bounds = array<i64: 2000, 128>}, {pipeline_mode = #tpu.pipeline_mode<synchronous>, transform_indices = @transform_2, window_bounds = array<i64: 128, 128>}, {pipeline_mode = #tpu.pipeline_mode<synchronous>, transform_indices = @transform_3, window_bounds = array<i64: 1, 128>}, {pipeline_mode = #tpu.pipeline_mode<synchronous>, transform_indices = @transform_4, window_bounds = array<i64: 128, 128>}, {pipeline_mode = #tpu.pipeline_mode<synchronous>, transform_indices = @transform_5, window_bounds = array<i64: 1, 128>}, {pipeline_mode = #tpu.pipeline_mode<synchronous>, transform_indices = @transform_6, window_bounds = array<i64: 1, 1>}, {transform_indices = @transform_7, window_bounds = array<i64: 2000, 1>}]} {
    %get3A = arith.constant 0 : index
    %get3A_0 = arith.constant 0 : index
    %get3A_1 = arith.constant 0 : index
    %get3A_2 = vector.load %arg1[%get3A, %get3A_0, %get3A_1] : memref<2x2000x128xf32, #tpu.memory_space<vmem>>, vector<1x2000x128xf32>
    %get3A_3 = vector.shape_cast %get3A_2 : vector<1x2000x128xf32> to vector<2000x128xf32>
    %get3A_4 = arith.constant 1 : index
    %get3A_5 = arith.constant 0 : index
    %get3A_6 = arith.constant 0 : index
    %get3A_7 = vector.load %arg1[%get3A_4, %get3A_5, %get3A_6] : memref<2x2000x128xf32, #tpu.memory_space<vmem>>, vector<1x2000x128xf32>
    %get3A_8 = vector.shape_cast %get3A_7 : vector<1x2000x128xf32> to vector<2000x128xf32>
    %add3A = arith.addf %get3A_3, %get3A_8 : vector<2000x128xf32>
    %get3A_9 = arith.constant 0 : index
    %get3A_10 = arith.constant 0 : index
    %get3A_11 = vector.load %arg3[%get3A_9, %get3A_10] : memref<128x128xf32, #tpu.memory_space<vmem>>, vector<128x128xf32>
    %dot_general3A = arith.constant dense<0.000000e+00> : vector<2000x128xf32>
    %dot_general3A_12 = tpu.matmul %add3A, %get3A_11, %dot_general3A {dimension_numbers = #tpu.dot_dimension_numbers<[1], [0], [0], [1], [0, 0, 1, 1], [], []>, transpose_lhs_hint = false} : vector<2000x128xf32>, vector<128x128xf32>, vector<2000x128xf32> -> vector<2000x128xf32>
    %get3A_13 = arith.constant 0 : index
    %get3A_14 = arith.constant 0 : index
    %get3A_15 = vector.load %arg2[%get3A_13, %get3A_14] : memref<2000x128xf32, #tpu.memory_space<vmem>>, vector<2000x128xf32>
    %get3A_16 = arith.constant 0 : index
    %get3A_17 = arith.constant 0 : index
    %get3A_18 = vector.load %arg5[%get3A_16, %get3A_17] : memref<128x128xf32, #tpu.memory_space<vmem>>, vector<128x128xf32>
    %dot_general3A_19 = arith.constant dense<0.000000e+00> : vector<2000x128xf32>
    %dot_general3A_20 = tpu.matmul %get3A_15, %get3A_18, %dot_general3A_19 {dimension_numbers = #tpu.dot_dimension_numbers<[1], [0], [0], [1], [0, 0, 1, 1], [], []>, transpose_lhs_hint = false} : vector<2000x128xf32>, vector<128x128xf32>, vector<2000x128xf32> -> vector<2000x128xf32>
    %add3A_21 = arith.addf %dot_general3A_12, %dot_general3A_20 : vector<2000x128xf32>
    %get3A_22 = arith.constant 0 : index
    %get3A_23 = arith.constant 0 : index
    %get3A_24 = vector.load %arg4[%get3A_22, %get3A_23] : memref<1x128xf32, #tpu.memory_space<vmem>>, vector<1x128xf32>
    %add3A_25 = vector.broadcast %get3A_24 : vector<1x128xf32> to vector<2000x128xf32>
    %add3A_26 = arith.addf %add3A_21, %add3A_25 : vector<2000x128xf32>
    %max3A = arith.constant 0.000000e+00 : f32
    %max3A_27 = vector.broadcast %max3A : f32 to vector<2000x128xf32>
    %max3A_28 = arith.maximumf %add3A_26, %max3A_27 : vector<2000x128xf32>
    %get3A_29 = arith.constant 0 : index
    %get3A_30 = arith.constant 0 : index
    %get3A_31 = vector.load %arg6[%get3A_29, %get3A_30] : memref<1x128xf32, #tpu.memory_space<vmem>>, vector<1x128xf32>
    %mul3A = vector.broadcast %get3A_31 : vector<1x128xf32> to vector<2000x128xf32>
    %mul3A_32 = arith.mulf %max3A_28, %mul3A : vector<2000x128xf32>
    %reduce_sum3A = arith.constant dense<0.000000e+00> : vector<2000xf32>
    %reduce_sum3A_33 = vector.multi_reduction <add>, %mul3A_32, %reduce_sum3A [1] : vector<2000x128xf32> to vector<2000xf32>
    %broadcast_in_dim3A = vector.shape_cast %reduce_sum3A_33 : vector<2000xf32> to vector<2000x1xf32>
    %get3A_34 = arith.constant 0 : index
    %get3A_35 = arith.constant 0 : index
    %get3A_36 = vector.load %arg7[%get3A_34, %get3A_35] : memref<1x1xf32, #tpu.memory_space<vmem>>, vector<1x1xf32>
    %get3A_37 = vector.extract %get3A_36[0, 0] : f32 from vector<1x1xf32>
    %add3A_38 = vector.broadcast %get3A_37 : f32 to vector<2000x1xf32>
    %add3A_39 = arith.addf %broadcast_in_dim3A, %add3A_38 : vector<2000x1xf32>
    %swap3A = arith.constant 0 : index
    %swap3A_40 = arith.constant 0 : index
    %swap3A_41 = vector.load %arg8[%swap3A, %swap3A_40] : memref<2000x1xf32, #tpu.memory_space<vmem>>, vector<2000x1xf32>
    tpu.vector_store %arg8[%swap3A, %swap3A_40], %add3A_39 {strides = array<i32>} : memref<2000x1xf32, #tpu.memory_space<vmem>>, vector<2000x1xf32>,
    return
  }
  func.func @transform_0(%arg0: i32) -> (i32, i32, i32) {
    %c0_i32 = arith.constant 0 : i32
    %c0_i32_0 = arith.constant 0 : i32
    %c0_i32_1 = arith.constant 0 : i32
    return %c0_i32, %arg0, %c0_i32_0 : i32, i32, i32
  }
  func.func @transform_1(%arg0: i32) -> (i32, i32) {
    %c0_i32 = arith.constant 0 : i32
    %c0_i32_0 = arith.constant 0 : i32
    return %arg0, %c0_i32 : i32, i32
  }
  func.func @transform_2(%arg0: i32) -> (i32, i32) {
    %c0_i32 = arith.constant 0 : i32
    %c0_i32_0 = arith.constant 0 : i32
    %c0_i32_1 = arith.constant 0 : i32
    return %c0_i32, %c0_i32_0 : i32, i32
  }
  func.func @transform_3(%arg0: i32) -> (i32, i32) {
    %c0_i32 = arith.constant 0 : i32
    %c0_i32_0 = arith.constant 0 : i32
    %c0_i32_1 = arith.constant 0 : i32
    return %c0_i32, %c0_i32_0 : i32, i32
  }
  func.func @transform_4(%arg0: i32) -> (i32, i32) {
    %c0_i32 = arith.constant 0 : i32
    %c0_i32_0 = arith.constant 0 : i32
    %c0_i32_1 = arith.constant 0 : i32
    return %c0_i32, %c0_i32_0 : i32, i32
  }
  func.func @transform_5(%arg0: i32) -> (i32, i32) {
    %c0_i32 = arith.constant 0 : i32
    %c0_i32_0 = arith.constant 0 : i32
    %c0_i32_1 = arith.constant 0 : i32
    return %c0_i32, %c0_i32_0 : i32, i32
  }
  func.func @transform_6(%arg0: i32) -> (i32, i32) {
    %c0_i32 = arith.constant 0 : i32
    %c0_i32_0 = arith.constant 0 : i32
    %c0_i32_1 = arith.constant 0 : i32
    return %c0_i32, %c0_i32_0 : i32, i32
  }
  func.func @transform_7(%arg0: i32) -> (i32, i32) {
    %c0_i32 = arith.constant 0 : i32
    %c0_i32_0 = arith.constant 0 : i32
    return %arg0, %c0_i32 : i32, i32
  }
}

</mosaic_0001>

<sc_bundles>
// kernel: kernel.6.cloned.1.call-start
scs
__scs_entry_jumppad:
0x0: {  	(pc) =	sbr.rel $0x88, $3  }
0x1: {  	(tag) =	ssettag $0x0;
	lr =	simm.s32 $0x1  }
0x2: {  	[smem:$0x3F97] =	sst lr;
	_ =	strace $0xD0000000  }
0x3: {  	_ = 	snop  }
0x4: {  	_ = 	snop  }
0x5: {  	_ = 	snop  }
0x6: {  	_ = 	snop  }
0x7: {  	_ = 	snop  }
__scs_overlays_trampoline_lowered:
0x8: {  	[smem:$0x3FA6] =	sst s0  }
0x9: {  	[smem:$0x3FA7] =	sst s1  }
0xa: {  	[smem:$0x3FA8] =	sst s2  }
0xb: {  	[smem:$0x3FA9] =	sst s3  }
0xc: {  	[smem:$0x3FAA] =	sst s4  }
0xd: {  	[smem:$0x3FAB] =	sst s5  }
0xe: {  	[smem:$0x3FAC] =	sst s6  }
0xf: {  	[smem:$0x3FAD] =	sst s7  }
0x10: {  	[smem:$0x3FAE] =	sst s8  }
0x11: {  	[smem:$0x3FAF] =	sst s9;
	s0 =	simm.s32 @!p0 $0x0  }
0x12: {  	s1 =	sld [smem:$0x3F95];
	s0 =	simm.s32 @p0 $0x1  }
0x13: {  	[smem:$0x3FB0] =	sst s0;
	s0 =	simm.s32 @!p1 $0x0  }
0x14: {  	s2 =	sld [smem:$0x3F94];
	s0 =	simm.s32 @p1 $0x1  }
0x15: {  	[smem:$0x3FB1] =	sst s0;
	s0 =	simm.s32 @!p2 $0x0  }
0x16: {  	s3 =	sld [smem:$0x3FDB];
	s0 =	simm.s32 @p2 $0x1  }
0x17: {  	s4 =	simm.s32 $0x1BF5;
	[smem:$0x3FB3] =	sst s0  }
0x18: {  	s0 =	sld [smem:$0x3F96];
	_ =	swait.ge [sflag:s4], $0x0  }
0x19: {  	s7 =	sld [smem:$0x3F97]  }
0x1a: {  	s8 =	sadd.s32 $0xFFFFE003, lr  }
0x1b: {  	s9 =	sadd.s32 $0xFFFFFEF7, lr;
	s5 =	simm.s32 $0xFFFFFFFF;
	p2 =	slt.u32 s8, $0xFFFFF086  }
0x1c: {  	p1 =	slt.u32 s9, $0xF7A;
	s5 =	simm.s32 @!p2 $0x0  }
0x1d: {  	s5 =	simm.s32 @p1 $0x1;
	p0 =	seq.s32 s7, s2  }
0x1e: {  	s7 =	smul.u32 @!p0 $0xF7A, s2;
	p2 =	seq.s32 @!p0 s5, $0x0  }
0x1f: {  	s9 =	smul.u32 $0xF7A, s1;
	s8 =	simm.s32 @!p0 $0x1BF5;
	p2 =	por !p2, p0  }
0x20: {  	[sflag:s8] =	ssyncset.s32 @!p0 $0xFFFFF086;
	s6 =	sadd.s32 @!p0 s3, s7;
	s7 =	simm.s32 @!p0 $0x108  }
0x21: {  	s3 =	sadd.s32 s3, s9;
	s6 =	sadd.s32 @!p0 $0x88, s6;
	s7 =	simm.s32 @p2 $0x1082  }
0x22: {  	[simem:s7], [sflag:s8] =	dma.local @!p0 [hbm:s6], $0xF7A  }
0x23: {  	s9 =	sor.u32 $0xD0000000, s2;
	s6 =	simm.s32 $0x108;
	_ =	swait.ge @!p0 [sflag:s8], $0x0  }
0x24: {  	s3 =	sadd.s32 $0x88, s3;
	s6 =	simm.s32 @!p1 $0x1082;
	[sflag:s4] =	ssyncset.s32 $0xFFFFF086  }
0x25: {  	[simem:s6], [sflag:s4] =	dma.local [hbm:s3], $0xF7A  }
0x26: {  	[smem:$0x3F97] =	sst s1;
	(tag) =	ssettag s2;
	_ =	strace s9  }
0x27: {  	s1 =	sld [smem:$0x3FA7]  }
0x28: {  	s2 =	sld [smem:$0x3FA8]  }
0x29: {  	s4 =	sld [smem:$0x3FAA]  }
0x2a: {  	p0 =	seq.s32 s5, $0x0;
	s5 =	sld [smem:$0x3FAB]  }
0x2b: {  	s6 =	sld [smem:$0x3FAC]  }
0x2c: {  	s7 =	sld [smem:$0x3FAD]  }
0x2d: {  	s3 =	simm.s32 $0x108;
	s8 =	sld [smem:$0x3FAE]  }
0x2e: {  	s3 =	simm.s32 @!p0 $0x1082;
	s9 =	sld [smem:$0x3FAF]  }
0x2f: {  	lr =	sadd.s32 s0, s3;
	s0 =	sld [smem:$0x3FA6]  }
0x30: {  	s3 =	sld [smem:$0x3FA9]  }
0x31: {  	[smem:$0x3FB2] =	sst s10  }
0x32: {  	s10 =	sld [smem:$0x3FB0];
	_ =	sdelay $0x3  }
0x33: {  	p0 =	seq.s32 s10, $0x1;
	s10 =	sld [smem:$0x3FB2];
	_ =	sdelay $0x3  }
0x34: {  	[smem:$0x3FB2] =	sst s10  }
0x35: {  	s10 =	sld [smem:$0x3FB1];
	_ =	sdelay $0x3  }
0x36: {  	p1 =	seq.s32 s10, $0x1;
	s10 =	sld [smem:$0x3FB2];
	_ =	sdelay $0x3  }
0x37: {  	[smem:$0x3FB2] =	sst s10  }
0x38: {  	s10 =	sld [smem:$0x3FB3]  }
0x39: {  	_ = 	snop;
	(pc) =	sbr.ind lr, $3  }
0x3a: {  	_ = 	snop  }
0x3b: {  	_ = 	snop  }
0x3c: {  	p2 =	seq.s32 s10, $0x1;
	s10 =	sld [smem:$0x3FB2]  }
0x3d: {  	_ =	shalt  }
0x3e: {  	_ =	shalt  }
0x3f: {  	_ =	shalt  }
0x40: {  	_ =	shalt  }
0x41: {  	_ =	shalt  }
0x42: {  	_ =	shalt  }
0x43: {  	_ =	shalt  }
0x44: {  	_ =	shalt  }
0x45: {  	_ =	shalt  }
0x46: {  	_ =	shalt  }
0x47: {  	_ =	shalt  }
0x48: {  	_ =	shalt  }
0x49: {  	_ =	shalt  }
0x4a: {  	_ =	shalt  }
0x4b: {  	_ =	shalt  }
0x4c: {  	_ =	shalt  }
0x4d: {  	_ =	shalt  }
0x4e: {  	_ =	shalt  }
0x4f: {  	_ =	shalt  }
0x50: {  	_ =	shalt  }
0x51: {  	_ =	shalt  }
0x52: {  	_ =	shalt  }
0x53: {  	_ =	shalt  }
0x54: {  	_ =	shalt  }
0x55: {  	_ =	shalt  }
0x56: {  	_ =	shalt  }
0x57: {  	_ =	shalt  }
0x58: {  	_ =	shalt  }
0x59: {  	_ =	shalt  }
0x5a: {  	_ =	shalt  }
0x5b: {  	_ =	shalt  }
0x5c: {  	_ =	shalt  }
0x5d: {  	_ =	shalt  }
0x5e: {  	_ =	shalt  }
0x5f: {  	_ =	shalt  }
0x60: {  	_ =	shalt  }
0x61: {  	_ =	shalt  }
0x62: {  	_ =	shalt  }
0x63: {  	_ =	shalt  }
0x64: {  	_ =	shalt  }
0x65: {  	_ =	shalt  }
0x66: {  	_ =	shalt  }
0x67: {  	_ =	shalt  }
0x68: {  	_ =	shalt  }
0x69: {  	_ =	shalt  }
0x6a: {  	_ =	shalt  }
0x6b: {  	_ =	shalt  }
0x6c: {  	_ =	shalt  }
0x6d: {  	_ =	shalt  }
0x6e: {  	_ =	shalt  }
0x6f: {  	_ =	shalt  }
0x70: {  	_ =	shalt  }
0x71: {  	_ =	shalt  }
0x72: {  	_ =	shalt  }
0x73: {  	_ =	shalt  }
0x74: {  	_ =	shalt  }
0x75: {  	_ =	shalt  }
0x76: {  	_ =	shalt  }
0x77: {  	_ =	shalt  }
0x78: {  	_ =	shalt  }
0x79: {  	_ =	shalt  }
0x7a: {  	_ =	shalt  }
0x7b: {  	_ =	shalt  }
0x7c: {  	_ =	shalt  }
0x7d: {  	_ =	shalt  }
0x7e: {  	_ =	shalt  }
0x7f: {  	_ =	shalt  }
0x80: {  	_ =	shalt  }
0x81: {  	_ =	shalt  }
0x82: {  	_ =	shalt  }
0x83: {  	_ =	shalt  }
0x84: {  	_ =	shalt  }
0x85: {  	_ =	shalt  }
0x86: {  	_ =	shalt  }
0x87: {  	_ =	shalt  }
.Lfunc_end0:
.L_simem_size_0:
called_computation_lowered:
.L_overlay_start_0:
0x88: {  	s2 =	sld [smem:$0x3FD9]  }
0x89: {  	s3 =	sld [smem:$0x3FFE];
	_ =	sdelay $0x1  }
0x8a: {  	s1 =	srdreg.scid  }
0x8b: {  	s0 =	sand.u32 $0x1, s1  }
0x8c: {  	s17 =	sshll.u32 s0, $0xA;
	s2 =	sadd.s32 s3, s2  }
0x8d: {  	s2 =	sadd.s32 s2, s17  }
0x8e: {  	[smem:$0x3FBE] =	sst s2  }
0x8f: {  	_ = 	snop  }
0x90: {  	s2 =	sld [smem:$0x3FC9];
	(tm) =	ssettm $0x1  }
0x91: {  	s18 =	sld [smem:$0x3FFB];
	_ =	sdelay $0x3  }
0x92: {  	_ =	strace s18  }
0x93: {  	s3 =	sld [smem:$0x3FFC];
	_ =	sdelay $0x3  }
0x94: {  	_ =	strace s3  }
0x95: {  	s3 =	sld [smem:$0x3FFD];
	_ =	sdelay $0x3  }
0x96: {  	_ =	strace s3  }
0x97: {  	_ =	strace $0x8FFFFFFF  }
0x98: {  	s19 =	sld [smem:$0x3FDB];
	_ =	sdelay $0x1  }
0x99: {  	s4 =	simm.s32 $_scs_section_size  }
0x9a: {  	s5 =	simm.s32 $_size__tile_overlayer_lowered;
	s6 =	simm.s32 $_tile_overlayer_lowered  }
0x9b: {  	s22 =	simm.s32 $0x1BFF;
	s21 =	sshll.u32 s6, $0x1;
	s3 =	sadd.s32 s4, s19  }
0x9c: {  	s7 =	simm.s32 $0x0;
	s20 =	sshll.u32 s5, $0x1;
	s5 =	sadd.s32 s21, s3  }
0x9d: {  	[timem:s7], [sflag:s22] =	dma.local [hbm:s5], s20  }
0x9e: {  	_ =	swait.ge [sflag:s22], s20  }
0x9f: {  	s4 =	ssub.s32 $0x0, s20;
	[sflag:s22] =	ssyncset.done $0x0  }
0xa0: {  	[sflag:s22] =	ssyncadd.s32 s4;
	_ =	sdelay $0x1  }
0xa1: {  	s23 =	simm.s32 $0x1B8B  }
0xa2: {  	_ =	swait.ge [sflag:s23], $0x1  }
0xa3: {  	[sflag:s23] =	ssyncset.done $0x0  }
0xa4: {  	s25 =	simm.s32 $0x1B8E;
	s24 =	sld [smem:$0x3FFE];
	[sflag:s23] =	ssyncadd.s32 $0xFFFFFFFF  }
0xa5: {  	s26 =	simm.s32 $execute0_lowered;
	[smem:$0x3FD2] =	sst s25  }
0xa6: {  	s5 =	sshll.u32 s26, $0x1;
	_ =	strace $0x80000046;
	[dreg:$0x1] =	wrdreg $0xFFFFFFFF  }
0xa7: {  	s28 =	simm.s32 $_size_execute0_lowered;
	s3 =	sadd.s32 s3, s5;
	[dreg:$0x0] =	wrdreg $0x0  }
0xa8: {  	s5 =	sshll.u32 s28, $0x1;
	[dreg:$0x2] =	wrdreg s3  }
0xa9: {  	[dreg:$0x3] =	wrdreg s5  }
0xaa: {  	[dreg:$0x4] =	wrdreg $0xC0  }
0xab: {  	_ =	task [dreg:s7], $0x5FFFF  }
0xac: {  	[dreg:$0x1] =	wrdreg $0xFFFFFFFF  }
0xad: {  	[dreg:$0x0] =	wrdreg $0x60  }
0xae: {  	[dreg:$0x2] =	wrdreg s2  }
0xaf: {  	[dreg:$0x3] =	wrdreg s24  }
0xb0: {  	[dreg:$0x4] =	wrdreg $0xA4000  }
0xb1: {  	[dreg:$0x5] =	wrdreg $0x9  }
0xb2: {  	_ =	task.clear_ibuf [dreg:s7], $0x6FFFF;
	_ =	strace $0x90000046  }
0xb3: {  	s29 =	simm.s32 $0x9;
	_ =	strace $0x80000048  }
0xb4: {  	_ =	swait.ge [sflag:s29], $0x1  }
0xb5: {  	[sflag:s29] =	ssyncadd.s32 $0xFFFFFFFF  }
0xb6: {  	_ =	strace $0x90000048  }
0xb7: {  	_ =	sfence  }
0xb8: {  	s30 =	sld [smem:$0x0];
	_ =	sdelay $0x2  }
0xb9: {  	s31 =	sshll.u32 s1, $0xD;
	s1 =	sshrl.u32 s1, $0x2  }
0xba: {  	s3 =	sand.u32 $0x4000, s31;
	s1 =	sadd.s32 s1, s30  }
0xbb: {  	s0 =	sor.u32 s3, s0;
	s1 =	sshll.u32 s1, $0x11  }
0xbc: {  	s0 =	sor.u32 s1, s0  }
0xbd: {  	s0 =	sadd.s32 $0x8F2B, s0  }
0xbe: {  	[sflag:s0] =	ssyncadd.remote.s32 $0x1  }
0xbf: {  	_ =	sfence.sel $0xFFFF  }
0xc0: {  	[dreg:$0x0] =	wrdreg $0xFFFFFFFF;
	(pc) =	sbr.abs _section_cstart, $3  }
0xc1: {  	[dreg:$0x1] =	wrdreg $0xFFFFFFFF  }
0xc2: {  	_ =	task.clear_ibuf [dreg:s7], $0x2FFFF;
	_ =	strace $0x9FFFFFFF  }
0xc3: {  	(tm) =	ssettm $0x7FFFFFFF  }
tec
execute0_lowered:
.L_overlay_start_1:
0x0: {  	(tag) =	ssettag $0x1  }
0x1: {  	s0 =	rddreg [dreg:$0x0]  }
0x2: {  	s1 =	rddreg [dreg:$0x1];
	s2 =	srdreg.scid  }
0x3: {  	s3 =	rddreg [dreg:$0x2];
	s10 =	stileid.u32;
	s4 =	simm.s32 $0x0  }
0x4: {  	s28 =	simm.s32 $0x300;
	s30 =	simm.s32 $0x50;
	s6 =	smul.u32 $0x14000, s10  }
0x5: {  	s2 =	sand.u32 $0x1, s2;
	[smem:$0x7FF] =	sst s4;
	s31 =	smul.u32 $0x50000, s10  }
0x6: {  	s7 =	sadd.s32 $0x1E00, s1;
	s12 =	sshll.u32 s10, $0xF;
	s10 =	simm.s32 $0x7C00  }
0x7: {  	s5 =	smul.u32 $0x140000, s2;
	_ =	strace $0x80000047;
	s8 =	ssub.s32 $0x2, s2  }
0x8: {  	s2 =	sshll.u32 s2, $0x13;
	s9 =	sshrl.u32 s8, $0x1;
	s11 =	sshrl.u32 s31, $0x2  }
0x9: {  	s2 =	sor.u32 s12, s2;
	s12 =	simm.s32 $0x2;
	s5 =	sadd.s32 s6, s5  }
0xa: {  	s8 =	ssub.s32 s8, s9;
	s16 =	sshrl.u32 s2, $0x3;
	s23 =	sor.u32 $0x700, s2  }
0xb: {  	s26 =	sor.u32 $0x600, s2;
	s29 =	sor.u32 $0x500, s2;
	s2 =	sor.u32 $0x400, s2  }
0xc: {  	s9 =	simm.s32 $0x8;
	s5 =	sshrl.u32 s5, $0x3;
	s6 =	sadd.s32 s7, s16  }
0xd: {  	s24 =	smax.u32 s8, $0x1;
	s25 =	sshrl.u32 s23, $0x3;
	[dreg:$0x9] =	wrdreg s6  }
0xe: {  	s31 =	sshrl.u32 s2, $0x3;
	s21 =	sadd.s32 $0x20, s6;
	[dreg:$0x10] =	wrdreg s24  }
0xf: {  	s1 =	sadd.s32 s5, s1;
	s22 =	sadd.s32 $0x40, s6;
	[dreg:$0xc] =	wrdreg s21  }
0x10: {  	s5 =	sadd.s32 s11, s3;
	s6 =	sadd.s32 $0x60, s6;
	[dreg:$0xd] =	wrdreg s22  }
0x11: {  	s23 =	simm.s32 $0x400;
	s13 =	sadd.s32 $0x2800, s5;
	[dreg:$0xe] =	wrdreg s6  }
0x12: {  	s2 =	simm.s32 $0x7;
	s14 =	sadd.s32 $0x5000, s5;
	[dreg:$0x4] =	wrdreg s13  }
0x13: {  	s8 =	simm.s32 $0x80;
	s15 =	sadd.s32 $0x7800, s5;
	[dreg:$0x5] =	wrdreg s14  }
0x14: {  	s16 =	simm.s32 $0x0;
	s17 =	sadd.s32 $0xA000, s5;
	[dreg:$0x6] =	wrdreg s15  }
0x15: {  	s24 =	simm.s32 $0x9;
	s18 =	sadd.s32 $0xC800, s5;
	[dreg:$0x7] =	wrdreg s17  }
0x16: {  	s19 =	sadd.s32 $0xF000, s5;
	s20 =	sadd.s32 $0x11800, s5;
	[dreg:$0x8] =	wrdreg s18  }
0x17: {  	s1 =	sadd.s32 $0x21E00, s1;
	s6 =	sshrl.u32 s29, $0x3;
	[dreg:$0xa] =	wrdreg s19  }
.Ltmp0:
0x18: {  	s22 =	sadd.s32 s31, s7;
	[dreg:$0xb] =	wrdreg s20;
	(pc) =	sbr.rel .LBB2_1-.Ltmp0, $4  }
0x19: {  	[dreg:$0xf] =	wrdreg s1;
	s19 =	sadd.s32 s25, s7;
	s1 =	sshrl.u32 s26, $0x3  }
0x1a: {  	s21 =	sadd.s32 s6, s7;
	s26 =	simm.s32 $0x200;
	s6 =	simm.s32 $0x5400  }
0x1b: {  	s13 =	simm.s32 $0x180;
	s14 =	simm.s32 $0x4;
	s15 =	simm.s32 $0x380  }
0x1c: {  	v0 =	vimm.f32 $0.0e+00;
	s20 =	sadd.s32 s1, s7;
	s1 =	simm.s32 $0x2C00;
	s7 =	simm.s32 $0x1  }
.LBB2_6:
0x1d: {  	s11 =	stileid.u32  }
0x1e: {  	[bflag:$0x0] =	sbarrier.arrive $0xFFFF;
	s11 =	sshll.u32 s11, $0x6  }
0x1f: {  	s17 =	sshrl.u32 s5, $0x3;
	s18 =	rddreg [dreg:$0xf];
	s11 =	sor.u32 $0x1C09, s11  }
0x20: {  	[hbm:s18], [sflag:s11] =	dma.local [spmem:s17], $0x2800  }
0x21: {  	_ =	swait.ge [sflag:s24], $0x2800  }
0x22: {  	s16 =	sadd.s32 $0x1, s16;
	s31 =	rddreg [dreg:$0x10]  }
0x23: {  	p0 =	sne.s32 s16, s31  }
.Ltmp1:
0x24: {  	_ = 	snop;
	(pc) =	sbr.rel @!p0 .LBB2_7-.Ltmp1, $3  }
0x25: {  	_ =	sdelay $0x1  }
0x26: {  	[sflag:s24] =	ssyncset.done $0x0  }
0x27: {  	[sflag:s24] =	ssyncadd.s32 $0xFFFFD800  }
.LBB2_1:
0x28: {  	s17 =	sand.u32 $0xFE00, s4  }
0x29: {  	s18 =	sand.u32 $0x70, s4;
	s25 =	sshrl.u32 s17, $0x2  }
0x2a: {  	s17 =	simm.s32 $0x40;
	s25 =	sor.u32 s18, s25;
	s18 =	simm.s32 $0x0  }
.LBB2_2:
0x2b: {  	p0 =	sne.s32 s17, $0x9FC0  }
0x2c: {  	[tilespmem:s25+$0x400] =	vst v0;
	s18 =	sadd.s32 $0x10, s18;
	s25 =	smov.u32 s17;
	s17 =	sadd.s32 $0x40, s17  }
.Ltmp2:
0x2d: {  	(pc) =	sbr.rel @p0 .LBB2_2-.Ltmp2, $4  }
0x2e: {  	_ = 	snop  }
0x2f: {  	s25 =	sand.u32 $0xFE00, s25  }
0x30: {  	s11 =	sand.u32 $0x70, s18;
	s25 =	sshrl.u32 s25, $0x2  }
0x31: {  	s25 =	sor.u32 s11, s25  }
0x32: {  	[tilespmem:s25+$0x400] =	vst v0  }
0x33: {  	[spmem:s5] =	stream.linear.scatter [tilespmem:s23], [sflag:$0x9], $0x2800, $0x38;
	[tilespmem:$0x1E400] =	vst v63  }
0x34: {  	_ =	swait.ge [sflag:s24], $0x2800  }
0x35: {  	[sflag:s24] =	ssyncset.done $0x0  }
0x36: {  	s11 =	rddreg [dreg:$0x4];
	[sflag:s24] =	ssyncadd.s32 $0xFFFFD800  }
0x37: {  	[spmem:s11] =	stream.linear.scatter [tilespmem:s23], [sflag:$0x9], $0x2800, $0x38;
	[tilespmem:$0x1E400] =	vst v63  }
0x38: {  	_ =	swait.ge [sflag:s24], $0x2800  }
0x39: {  	[sflag:s24] =	ssyncset.done $0x0  }
0x3a: {  	s18 =	rddreg [dreg:$0x5];
	[sflag:s24] =	ssyncadd.s32 $0xFFFFD800  }
0x3b: {  	[spmem:s18] =	stream.linear.scatter [tilespmem:s23], [sflag:$0x9], $0x2800, $0x38;
	[tilespmem:$0x1E400] =	vst v63  }
0x3c: {  	_ =	swait.ge [sflag:s24], $0x2800  }
0x3d: {  	[sflag:s24] =	ssyncset.done $0x0  }
0x3e: {  	s25 =	rddreg [dreg:$0x6];
	[sflag:s24] =	ssyncadd.s32 $0xFFFFD800  }
0x3f: {  	[spmem:s25] =	stream.linear.scatter [tilespmem:s23], [sflag:$0x9], $0x2800, $0x38;
	[tilespmem:$0x1E400] =	vst v63  }
0x40: {  	_ =	swait.ge [sflag:s24], $0x2800  }
0x41: {  	[sflag:s24] =	ssyncset.done $0x0  }
0x42: {  	s29 =	rddreg [dreg:$0x7];
	[sflag:s24] =	ssyncadd.s32 $0xFFFFD800  }
0x43: {  	[spmem:s29] =	stream.linear.scatter [tilespmem:s23], [sflag:$0x9], $0x2800, $0x38;
	[tilespmem:$0x1E400] =	vst v63  }
0x44: {  	_ =	swait.ge [sflag:s24], $0x2800  }
0x45: {  	[sflag:s24] =	ssyncset.done $0x0  }
0x46: {  	s31 =	rddreg [dreg:$0x8];
	[sflag:s24] =	ssyncadd.s32 $0xFFFFD800  }
0x47: {  	[spmem:s31] =	stream.linear.scatter [tilespmem:s23], [sflag:$0x9], $0x2800, $0x38;
	[tilespmem:$0x1E400] =	vst v63  }
0x48: {  	_ =	swait.ge [sflag:s24], $0x2800  }
0x49: {  	[sflag:s24] =	ssyncset.done $0x0  }
0x4a: {  	s17 =	rddreg [dreg:$0xa];
	[sflag:s24] =	ssyncadd.s32 $0xFFFFD800  }
0x4b: {  	[spmem:s17] =	stream.linear.scatter [tilespmem:s23], [sflag:$0x9], $0x2800, $0x38;
	[tilespmem:$0x1E400] =	vst v63  }
0x4c: {  	_ =	swait.ge [sflag:s24], $0x2800  }
0x4d: {  	[sflag:s24] =	ssyncset.done $0x0  }
0x4e: {  	s18 =	rddreg [dreg:$0xb];
	[sflag:s24] =	ssyncadd.s32 $0xFFFFD800  }
0x4f: {  	[spmem:s18] =	stream.linear.scatter [tilespmem:s23], [sflag:$0x9], $0x2800, $0x38;
	[tilespmem:$0x1E400] =	vst v63  }
0x50: {  	_ =	swait.ge [sflag:s24], $0x2800  }
0x51: {  	[sflag:s24] =	ssyncset.done $0x0  }
0x52: {  	s17 =	simm.s32 $0x0;
	s25 =	rddreg [dreg:$0x9];
	[sflag:s24] =	ssyncadd.s32 $0xFFFFD800  }
0x53: {  	[tilespmem:s17], [sflag:$0x5] =	stream.linear.gather [hbm4b:s25+s17], $0x100, $0x38;
	[tilespmem:$0x1E400] =	vst v63  }
0x54: {  	s18 =	simm.s32 $0x100;
	s29 =	rddreg [dreg:$0xc]  }
0x55: {  	[tilespmem:s18], [sflag:$0x6] =	stream.linear.gather [hbm4b:s29+s17], $0x100, $0x38;
	[tilespmem:$0x1E400] =	vst v63  }
0x56: {  	s31 =	rddreg [dreg:$0xd]  }
0x57: {  	[tilespmem:s26], [sflag:$0x7] =	stream.linear.gather [hbm4b:s31+s17], $0x100, $0x38;
	[tilespmem:$0x1E400] =	vst v63  }
0x58: {  	s25 =	rddreg [dreg:$0xe];
	s29 =	simm.s32 $0x5  }
0x59: {  	[tilespmem:s28], [sflag:$0x8] =	stream.linear.gather [hbm4b:s25+s17], $0x100, $0x38;
	[tilespmem:$0x1E400] =	vst v63  }
0x5a: {  	_ =	swait.ge [sflag:s29], $0x100  }
0x5b: {  	[sflag:s29] =	ssyncset.done $0x0  }
0x5c: {  	s31 =	simm.s32 $0x6;
	[sflag:s29] =	ssyncadd.s32 $0xFFFFFF00  }
0x5d: {  	[tilespmem:s23], [sflag:$0x1] =	stream.indirect.gather [hbm4b:s0+s30], $0x80, s17, s30, $0xb8;
	[tilespmem:$0x1E400] =	vst v63  }
0x5e: {  	_ =	swait.ge [sflag:s31], $0x100  }
0x5f: {  	[sflag:s31] =	ssyncset.done $0x0  }
0x60: {  	[sflag:s31] =	ssyncadd.s32 $0xFFFFFF00  }
0x61: {  	[tilespmem:s1], [sflag:$0x2] =	stream.indirect.gather [hbm4b:s0+s30], $0x80, s18, s30, $0xb8;
	[tilespmem:$0x1E400] =	vst v63  }
0x62: {  	_ =	swait.ge [sflag:s2], $0x100  }
0x63: {  	[sflag:s2] =	ssyncset.done $0x0  }
0x64: {  	[sflag:s2] =	ssyncadd.s32 $0xFFFFFF00  }
0x65: {  	[tilespmem:s6], [sflag:$0x3] =	stream.indirect.gather [hbm4b:s0+s30], $0x80, s26, s30, $0xb8;
	[tilespmem:$0x1E400] =	vst v63  }
0x66: {  	[bflag:$0x0] =	sbarrier.arrive $0xFFFF  }
.LBB2_4:
0x67: {  	_ =	swait.ge [sflag:s7], $0x2800  }
0x68: {  	[sflag:s7] =	ssyncset.done $0x0  }
0x69: {  	[sflag:s7] =	ssyncadd.s32 $0xFFFFD800  }
0x6a: {  	[spmem:s3] =	stream.indirect.scatter.add.f32 [tilespmem:s23], [sflag:$0x9], $0x80, s8, s30, $0xb8;
	[tilespmem:$0x1E400] =	vst v63  }
0x6b: {  	_ =	swait.ge [sflag:s24], $0x2800  }
0x6c: {  	p0 =	seq.s32 s17, $0xF80;
	[sflag:s24] =	ssyncset.done $0x0  }
0x6d: {  	s11 =	sadd.s32 @!p0 s17, s22;
	s18 =	simm.s32 @!p0 $0x0;
	[sflag:s24] =	ssyncadd.s32 $0xFFFFD800  }
0x6e: {  	[tilespmem:s18], [sflag:$0x5] =	stream.linear.gather @!p0 [hbm4b:s11+s18], $0x100, $0x38;
	[tilespmem:$0x1E400] =	vst v63  }
0x6f: {  	_ =	swait.ge [sflag:s9], $0x100  }
0x70: {  	[sflag:s9] =	ssyncset.done $0x0  }
0x71: {  	[sflag:s9] =	ssyncadd.s32 $0xFFFFFF00  }
0x72: {  	[tilespmem:s10], [sflag:$0x4] =	stream.indirect.gather [hbm4b:s0+s30], $0x80, s28, s30, $0xb8;
	[tilespmem:$0x1E400] =	vst v63  }
0x73: {  	_ =	swait.ge [sflag:s12], $0x2800  }
0x74: {  	[sflag:s12] =	ssyncset.done $0x0  }
0x75: {  	[sflag:s12] =	ssyncadd.s32 $0xFFFFD800  }
0x76: {  	[spmem:s3] =	stream.indirect.scatter.add.f32 [tilespmem:s1], [sflag:$0x9], $0x80, s13, s30, $0xb8;
	[tilespmem:$0x1E400] =	vst v63  }
0x77: {  	_ =	swait.ge [sflag:s24], $0x2800  }
0x78: {  	[sflag:s24] =	ssyncset.done $0x0  }
0x79: {  	s11 =	simm.s32 @p0 $0x3;
	[sflag:s24] =	ssyncadd.s32 $0xFFFFD800  }
0x7a: {  	_ =	swait.ge @p0 [sflag:s11], $0x2800  }
0x7b: {  	s25 =	simm.s32 @p0 $0x280;
	[sflag:s11] =	ssyncset.done @p0 $0x0  }
0x7c: {  	s29 =	simm.s32 @p0 $0x5400;
	[sflag:s11] =	ssyncadd.s32 @p0 $0xFFFFD800;
	s11 =	simm.s32 @p0 $0x50  }
0x7d: {  	[spmem:s3] =	stream.indirect.scatter.add.f32 @p0 [tilespmem:s29], [sflag:$0x9], $0x80, s25, s11, $0xb8;
	[tilespmem:$0x1E400] =	vst v63  }
0x7e: {  	s11 =	simm.s32 @p0 $0x9  }
0x7f: {  	_ =	swait.ge @p0 [sflag:s11], $0x2800  }
0x80: {  	[sflag:s11] =	ssyncset.done @p0 $0x0  }
0x81: {  	s25 =	simm.s32 @!p0 $0x100;
	[sflag:s11] =	ssyncadd.s32 @p0 $0xFFFFD800;
	s11 =	sadd.s32 @!p0 s17, s21  }
0x82: {  	[tilespmem:s25], [sflag:$0x6] =	stream.linear.gather @!p0 [hbm4b:s11+s18], $0x100, $0x38;
	[tilespmem:$0x1E400] =	vst v63  }
0x83: {  	s11 =	simm.s32 @!p0 $0x5  }
0x84: {  	_ =	swait.ge @!p0 [sflag:s11], $0x100  }
0x85: {  	[sflag:s11] =	ssyncset.done @!p0 $0x0  }
0x86: {  	s29 =	simm.s32 @!p0 $0x400;
	[sflag:s11] =	ssyncadd.s32 @!p0 $0xFFFFFF00;
	s11 =	simm.s32 @!p0 $0x50  }
0x87: {  	[tilespmem:s29], [sflag:$0x1] =	stream.indirect.gather @!p0 [hbm4b:s0+s11], $0x80, s18, s11, $0xb8;
	[tilespmem:$0x1E400] =	vst v63  }
0x88: {  	s29 =	simm.s32 @!p0 $0x3  }
0x89: {  	_ =	swait.ge @!p0 [sflag:s29], $0x2800  }
0x8a: {  	[sflag:s29] =	ssyncset.done @!p0 $0x0  }
0x8b: {  	s31 =	simm.s32 @!p0 $0x5400;
	[sflag:s29] =	ssyncadd.s32 @!p0 $0xFFFFD800;
	s29 =	simm.s32 @!p0 $0x280  }
0x8c: {  	[spmem:s3] =	stream.indirect.scatter.add.f32 @!p0 [tilespmem:s31], [sflag:$0x9], $0x80, s29, s11, $0xb8;
	[tilespmem:$0x1E400] =	vst v63  }
0x8d: {  	s29 =	simm.s32 @!p0 $0x9  }
0x8e: {  	_ =	swait.ge @!p0 [sflag:s29], $0x2800  }
0x8f: {  	[sflag:s29] =	ssyncset.done @!p0 $0x0  }
0x90: {  	s31 =	simm.s32 @!p0 $0x200;
	[sflag:s29] =	ssyncadd.s32 @!p0 $0xFFFFD800;
	s29 =	sadd.s32 @!p0 s17, s20  }
0x91: {  	[tilespmem:s31], [sflag:$0x7] =	stream.linear.gather @!p0 [hbm4b:s29+s18], $0x100, $0x38;
	[tilespmem:$0x1E400] =	vst v63  }
0x92: {  	s18 =	simm.s32 @!p0 $0x6  }
0x93: {  	_ =	swait.ge @!p0 [sflag:s18], $0x100  }
0x94: {  	[sflag:s18] =	ssyncset.done @!p0 $0x0  }
0x95: {  	[sflag:s18] =	ssyncadd.s32 @!p0 $0xFFFFFF00;
	s18 =	simm.s32 @!p0 $0x2C00  }
0x96: {  	[tilespmem:s18], [sflag:$0x2] =	stream.indirect.gather @!p0 [hbm4b:s0+s11], $0x80, s25, s11, $0xb8;
	[tilespmem:$0x1E400] =	vst v63  }
0x97: {  	_ =	swait.ge [sflag:s14], $0x2800  }
0x98: {  	[sflag:s14] =	ssyncset.done $0x0  }
.Ltmp3:
0x99: {  	[sflag:s14] =	ssyncadd.s32 $0xFFFFD800;
	(pc) =	sbr.rel @p0 .LBB2_6-.Ltmp3, $4  }
0x9a: {  	[spmem:s3] =	stream.indirect.scatter.add.f32 [tilespmem:s10], [sflag:$0x9], $0x80, s15, s30, $0xb8;
	[tilespmem:$0x1E400] =	vst v63  }
0x9b: {  	_ =	swait.ge [sflag:s24], $0x2800  }
0x9c: {  	[sflag:s24] =	ssyncset.done $0x0  }
0x9d: {  	[sflag:s24] =	ssyncadd.s32 $0xFFFFD800  }
0x9e: {  	s11 =	sadd.s32 s17, s19  }
0x9f: {  	[tilespmem:s28], [sflag:$0x8] =	stream.linear.gather [hbm4b:s11+s4], $0x100, $0x38;
	[tilespmem:$0x1E400] =	vst v63  }
.Ltmp4:
0xa0: {  	_ = 	snop;
	(pc) =	sbr.rel .LBB2_4-.Ltmp4, $4  }
0xa1: {  	_ =	swait.ge [sflag:s2], $0x100  }
0xa2: {  	[sflag:s2] =	ssyncset.done $0x0  }
0xa3: {  	s17 =	sadd.s32 $0x80, s17;
	[sflag:s2] =	ssyncadd.s32 $0xFFFFFF00  }
0xa4: {  	[tilespmem:s6], [sflag:$0x3] =	stream.indirect.gather [hbm4b:s0+s30], $0x80, s26, s30, $0xb8;
	[tilespmem:$0x1E400] =	vst v63  }
.LBB2_7:
0xa5: {  	_ =	sfence.sel $0x180000  }
0xa6: {  	[bflag:$0x0] =	sbarrier.arrive $0xFFFF  }
0xa7: {  	_ =	strace $0x90000047  }
0xa8: {  	s0 =	stileid.u32;
	[bflag:$0x2] =	sbarrier.arrive $0xFFFF  }
0xa9: {  	p0 =	sne.s32 s0, $0x0;
	s0 =	rddreg [dreg:$0x3]  }
0xaa: {  	s0 =	sadd.s32 @!p0 $0x100000, s0  }
0xab: {  	[sflag:s0] =	ssyncadd.tile.s32 @!p0 $0x1;
	_ =	shalt  }
.Lfunc_end2:
_tile_overlayer_lowered:
.L_overlay_start_2:
0xac: {  	(tag) =	ssettag $0x2  }
0xad: {  	s0 =	rddreg [dreg:$0x0];
	s2 =	stileid.u32  }
0xae: {  	s1 =	rddreg [dreg:$0x1];
	p0 =	sne.s32 s2, $0x0  }
0xaf: {  	s3 =	rddreg [dreg:$0x2];
	[bflag:$0x3] =	sbarrier.arrive $0xFFFF;
	s2 =	simm.s32 @!p0 $0x1C09  }
0xb0: {  	[timem:s3], [sflag:s2] =	dma.local @!p0 [hbm:s0], s1  }
0xb1: {  	s0 =	simm.s32 @!p0 $0x9  }
0xb2: {  	_ =	swait.ge @!p0 [sflag:s0], s1  }
0xb3: {  	s1 =	ssub.s32 @!p0 $0x0, s1;
	[sflag:s0] =	ssyncset.done @!p0 $0x0  }
0xb4: {  	[sflag:s0] =	ssyncadd.s32 @!p0 s1  }
0xb5: {  	[bflag:$0x3] =	sbarrier.arrive $0xFFFF  }
0xb6: {  	_ =	shalt  }

// kernel: kernel.9.cloned.1.call-start
scs
__scs_entry_jumppad:
0x0: {  	(pc) =	sbr.rel $0x88, $3  }
0x1: {  	(tag) =	ssettag $0x0;
	lr =	simm.s32 $0x1  }
0x2: {  	[smem:$0x3F97] =	sst lr;
	_ =	strace $0xD0000000  }
0x3: {  	_ = 	snop  }
0x4: {  	_ = 	snop  }
0x5: {  	_ = 	snop  }
0x6: {  	_ = 	snop  }
0x7: {  	_ = 	snop  }
__scs_overlays_trampoline_lowered:
0x8: {  	[smem:$0x3FA6] =	sst s0  }
0x9: {  	[smem:$0x3FA7] =	sst s1  }
0xa: {  	[smem:$0x3FA8] =	sst s2  }
0xb: {  	[smem:$0x3FA9] =	sst s3  }
0xc: {  	[smem:$0x3FAA] =	sst s4  }
0xd: {  	[smem:$0x3FAB] =	sst s5  }
0xe: {  	[smem:$0x3FAC] =	sst s6  }
0xf: {  	[smem:$0x3FAD] =	sst s7  }
0x10: {  	[smem:$0x3FAE] =	sst s8  }
0x11: {  	[smem:$0x3FAF] =	sst s9;
	s0 =	simm.s32 @!p0 $0x0  }
0x12: {  	s1 =	sld [smem:$0x3F95];
	s0 =	simm.s32 @p0 $0x1  }
0x13: {  	[smem:$0x3FB0] =	sst s0;
	s0 =	simm.s32 @!p1 $0x0  }
0x14: {  	s2 =	sld [smem:$0x3F94];
	s0 =	simm.s32 @p1 $0x1  }
0x15: {  	[smem:$0x3FB1] =	sst s0;
	s0 =	simm.s32 @!p2 $0x0  }
0x16: {  	s3 =	sld [smem:$0x3FDB];
	s0 =	simm.s32 @p2 $0x1  }
0x17: {  	s4 =	simm.s32 $0x1BF5;
	[smem:$0x3FB3] =	sst s0  }
0x18: {  	s0 =	sld [smem:$0x3F96];
	_ =	swait.ge [sflag:s4], $0x0  }
0x19: {  	s7 =	sld [smem:$0x3F97]  }
0x1a: {  	s8 =	sadd.s32 $0xFFFFE003, lr  }
0x1b: {  	s9 =	sadd.s32 $0xFFFFFEF7, lr;
	s5 =	simm.s32 $0xFFFFFFFF;
	p2 =	slt.u32 s8, $0xFFFFF086  }
0x1c: {  	p1 =	slt.u32 s9, $0xF7A;
	s5 =	simm.s32 @!p2 $0x0  }
0x1d: {  	s5 =	simm.s32 @p1 $0x1;
	p0 =	seq.s32 s7, s2  }
0x1e: {  	s7 =	smul.u32 @!p0 $0xF7A, s2;
	p2 =	seq.s32 @!p0 s5, $0x0  }
0x1f: {  	s9 =	smul.u32 $0xF7A, s1;
	s8 =	simm.s32 @!p0 $0x1BF5;
	p2 =	por !p2, p0  }
0x20: {  	[sflag:s8] =	ssyncset.s32 @!p0 $0xFFFFF086;
	s6 =	sadd.s32 @!p0 s3, s7;
	s7 =	simm.s32 @!p0 $0x108  }
0x21: {  	s3 =	sadd.s32 s3, s9;
	s6 =	sadd.s32 @!p0 $0x88, s6;
	s7 =	simm.s32 @p2 $0x1082  }
0x22: {  	[simem:s7], [sflag:s8] =	dma.local @!p0 [hbm:s6], $0xF7A  }
0x23: {  	s9 =	sor.u32 $0xD0000000, s2;
	s6 =	simm.s32 $0x108;
	_ =	swait.ge @!p0 [sflag:s8], $0x0  }
0x24: {  	s3 =	sadd.s32 $0x88, s3;
	s6 =	simm.s32 @!p1 $0x1082;
	[sflag:s4] =	ssyncset.s32 $0xFFFFF086  }
0x25: {  	[simem:s6], [sflag:s4] =	dma.local [hbm:s3], $0xF7A  }
0x26: {  	[smem:$0x3F97] =	sst s1;
	(tag) =	ssettag s2;
	_ =	strace s9  }
0x27: {  	s1 =	sld [smem:$0x3FA7]  }
0x28: {  	s2 =	sld [smem:$0x3FA8]  }
0x29: {  	s4 =	sld [smem:$0x3FAA]  }
0x2a: {  	p0 =	seq.s32 s5, $0x0;
	s5 =	sld [smem:$0x3FAB]  }
0x2b: {  	s6 =	sld [smem:$0x3FAC]  }
0x2c: {  	s7 =	sld [smem:$0x3FAD]  }
0x2d: {  	s3 =	simm.s32 $0x108;
	s8 =	sld [smem:$0x3FAE]  }
0x2e: {  	s3 =	simm.s32 @!p0 $0x1082;
	s9 =	sld [smem:$0x3FAF]  }
0x2f: {  	lr =	sadd.s32 s0, s3;
	s0 =	sld [smem:$0x3FA6]  }
0x30: {  	s3 =	sld [smem:$0x3FA9]  }
0x31: {  	[smem:$0x3FB2] =	sst s10  }
0x32: {  	s10 =	sld [smem:$0x3FB0];
	_ =	sdelay $0x3  }
0x33: {  	p0 =	seq.s32 s10, $0x1;
	s10 =	sld [smem:$0x3FB2];
	_ =	sdelay $0x3  }
0x34: {  	[smem:$0x3FB2] =	sst s10  }
0x35: {  	s10 =	sld [smem:$0x3FB1];
	_ =	sdelay $0x3  }
0x36: {  	p1 =	seq.s32 s10, $0x1;
	s10 =	sld [smem:$0x3FB2];
	_ =	sdelay $0x3  }
0x37: {  	[smem:$0x3FB2] =	sst s10  }
0x38: {  	s10 =	sld [smem:$0x3FB3]  }
0x39: {  	_ = 	snop;
	(pc) =	sbr.ind lr, $3  }
0x3a: {  	_ = 	snop  }
0x3b: {  	_ = 	snop  }
0x3c: {  	p2 =	seq.s32 s10, $0x1;
	s10 =	sld [smem:$0x3FB2]  }
0x3d: {  	_ =	shalt  }
0x3e: {  	_ =	shalt  }
0x3f: {  	_ =	shalt  }
0x40: {  	_ =	shalt  }
0x41: {  	_ =	shalt  }
0x42: {  	_ =	shalt  }
0x43: {  	_ =	shalt  }
0x44: {  	_ =	shalt  }
0x45: {  	_ =	shalt  }
0x46: {  	_ =	shalt  }
0x47: {  	_ =	shalt  }
0x48: {  	_ =	shalt  }
0x49: {  	_ =	shalt  }
0x4a: {  	_ =	shalt  }
0x4b: {  	_ =	shalt  }
0x4c: {  	_ =	shalt  }
0x4d: {  	_ =	shalt  }
0x4e: {  	_ =	shalt  }
0x4f: {  	_ =	shalt  }
0x50: {  	_ =	shalt  }
0x51: {  	_ =	shalt  }
0x52: {  	_ =	shalt  }
0x53: {  	_ =	shalt  }
0x54: {  	_ =	shalt  }
0x55: {  	_ =	shalt  }
0x56: {  	_ =	shalt  }
0x57: {  	_ =	shalt  }
0x58: {  	_ =	shalt  }
0x59: {  	_ =	shalt  }
0x5a: {  	_ =	shalt  }
0x5b: {  	_ =	shalt  }
0x5c: {  	_ =	shalt  }
0x5d: {  	_ =	shalt  }
0x5e: {  	_ =	shalt  }
0x5f: {  	_ =	shalt  }
0x60: {  	_ =	shalt  }
0x61: {  	_ =	shalt  }
0x62: {  	_ =	shalt  }
0x63: {  	_ =	shalt  }
0x64: {  	_ =	shalt  }
0x65: {  	_ =	shalt  }
0x66: {  	_ =	shalt  }
0x67: {  	_ =	shalt  }
0x68: {  	_ =	shalt  }
0x69: {  	_ =	shalt  }
0x6a: {  	_ =	shalt  }
0x6b: {  	_ =	shalt  }
0x6c: {  	_ =	shalt  }
0x6d: {  	_ =	shalt  }
0x6e: {  	_ =	shalt  }
0x6f: {  	_ =	shalt  }
0x70: {  	_ =	shalt  }
0x71: {  	_ =	shalt  }
0x72: {  	_ =	shalt  }
0x73: {  	_ =	shalt  }
0x74: {  	_ =	shalt  }
0x75: {  	_ =	shalt  }
0x76: {  	_ =	shalt  }
0x77: {  	_ =	shalt  }
0x78: {  	_ =	shalt  }
0x79: {  	_ =	shalt  }
0x7a: {  	_ =	shalt  }
0x7b: {  	_ =	shalt  }
0x7c: {  	_ =	shalt  }
0x7d: {  	_ =	shalt  }
0x7e: {  	_ =	shalt  }
0x7f: {  	_ =	shalt  }
0x80: {  	_ =	shalt  }
0x81: {  	_ =	shalt  }
0x82: {  	_ =	shalt  }
0x83: {  	_ =	shalt  }
0x84: {  	_ =	shalt  }
0x85: {  	_ =	shalt  }
0x86: {  	_ =	shalt  }
0x87: {  	_ =	shalt  }
.Lfunc_end0:
.L_simem_size_0:
called_computation.1_lowered:
.L_overlay_start_0:
0x88: {  	s2 =	sld [smem:$0x3FD9]  }
0x89: {  	s3 =	sld [smem:$0x3FFE];
	_ =	sdelay $0x1  }
0x8a: {  	s1 =	srdreg.scid  }
0x8b: {  	s0 =	sand.u32 $0x1, s1  }
0x8c: {  	s16 =	sshll.u32 s0, $0xA;
	s2 =	sadd.s32 s3, s2  }
0x8d: {  	s2 =	sadd.s32 s2, s16  }
0x8e: {  	[smem:$0x3FBE] =	sst s2  }
0x8f: {  	_ = 	snop  }
0x90: {  	(tm) =	ssettm $0x1  }
0x91: {  	s17 =	sld [smem:$0x3FFB];
	_ =	sdelay $0x3  }
0x92: {  	_ =	strace s17  }
0x93: {  	s2 =	sld [smem:$0x3FFC];
	_ =	sdelay $0x3  }
0x94: {  	_ =	strace s2  }
0x95: {  	s2 =	sld [smem:$0x3FFD];
	_ =	sdelay $0x3  }
0x96: {  	_ =	strace s2  }
0x97: {  	_ =	strace $0x8FFFFFFF  }
0x98: {  	s18 =	sld [smem:$0x3FDB];
	_ =	sdelay $0x1  }
0x99: {  	s19 =	simm.s32 $_scs_section_size  }
0x9a: {  	s4 =	simm.s32 $_size__tile_overlayer_lowered;
	s5 =	simm.s32 $_tile_overlayer_lowered  }
0x9b: {  	s22 =	simm.s32 $0x1BFF;
	s21 =	sshll.u32 s5, $0x1;
	s2 =	sadd.s32 s19, s18  }
0x9c: {  	s6 =	simm.s32 $0x0;
	s20 =	sshll.u32 s4, $0x1;
	s4 =	sadd.s32 s21, s2  }
0x9d: {  	[timem:s6], [sflag:s22] =	dma.local [hbm:s4], s20  }
0x9e: {  	_ =	swait.ge [sflag:s22], s20  }
0x9f: {  	s3 =	ssub.s32 $0x0, s20;
	[sflag:s22] =	ssyncset.done $0x0  }
0xa0: {  	[sflag:s22] =	ssyncadd.s32 s3;
	_ =	sdelay $0x1  }
0xa1: {  	s23 =	simm.s32 $0x1B8B  }
0xa2: {  	_ =	swait.ge [sflag:s23], $0x1  }
0xa3: {  	[sflag:s23] =	ssyncset.done $0x0  }
0xa4: {  	s25 =	simm.s32 $0x1B8E;
	s24 =	sld [smem:$0x3FFE];
	[sflag:s23] =	ssyncadd.s32 $0xFFFFFFFF  }
0xa5: {  	s26 =	simm.s32 $execute0_lowered;
	[smem:$0x3FD2] =	sst s25  }
0xa6: {  	s4 =	sshll.u32 s26, $0x1;
	_ =	strace $0x80000049;
	[dreg:$0x1] =	wrdreg $0xFFFFFFFF  }
0xa7: {  	s28 =	simm.s32 $_size_execute0_lowered;
	s2 =	sadd.s32 s2, s4;
	[dreg:$0x0] =	wrdreg $0x0  }
0xa8: {  	s4 =	sshll.u32 s28, $0x1;
	[dreg:$0x2] =	wrdreg s2  }
0xa9: {  	[dreg:$0x3] =	wrdreg s4  }
0xaa: {  	[dreg:$0x4] =	wrdreg $0xC0  }
0xab: {  	_ =	task [dreg:s6], $0x5FFFF  }
0xac: {  	[dreg:$0x1] =	wrdreg $0xFFFFFFFF  }
0xad: {  	[dreg:$0x0] =	wrdreg $0x60  }
0xae: {  	[dreg:$0x2] =	wrdreg s24  }
0xaf: {  	[dreg:$0x3] =	wrdreg $0xA4000  }
0xb0: {  	[dreg:$0x4] =	wrdreg $0x9  }
0xb1: {  	_ =	task.clear_ibuf [dreg:s6], $0x5FFFF;
	_ =	strace $0x90000049  }
0xb2: {  	s29 =	simm.s32 $0x9;
	_ =	strace $0x8000004B  }
0xb3: {  	_ =	swait.ge [sflag:s29], $0x1  }
0xb4: {  	[sflag:s29] =	ssyncadd.s32 $0xFFFFFFFF  }
0xb5: {  	_ =	strace $0x9000004B  }
0xb6: {  	_ =	sfence  }
0xb7: {  	s30 =	sld [smem:$0x0];
	_ =	sdelay $0x2  }
0xb8: {  	s31 =	sshll.u32 s1, $0xD;
	s1 =	sshrl.u32 s1, $0x2  }
0xb9: {  	s3 =	sand.u32 $0x4000, s31;
	s1 =	sadd.s32 s1, s30  }
0xba: {  	s0 =	sor.u32 s3, s0;
	s1 =	sshll.u32 s1, $0x11  }
0xbb: {  	s0 =	sor.u32 s1, s0  }
0xbc: {  	s0 =	sadd.s32 $0x8F2B, s0  }
0xbd: {  	[sflag:s0] =	ssyncadd.remote.s32 $0x1  }
0xbe: {  	_ =	sfence.sel $0xFFFF  }
0xbf: {  	[dreg:$0x0] =	wrdreg $0xFFFFFFFF;
	(pc) =	sbr.abs _section_cstart, $3  }
0xc0: {  	[dreg:$0x1] =	wrdreg $0xFFFFFFFF  }
0xc1: {  	_ =	task.clear_ibuf [dreg:s6], $0x2FFFF;
	_ =	strace $0x9FFFFFFF  }
0xc2: {  	(tm) =	ssettm $0x7FFFFFFF  }
0xc3: {  	_ =	shalt  }
tec
execute0_lowered:
.L_overlay_start_1:
0x0: {  	(tag) =	ssettag $0x1  }
0x1: {  	s0 =	rddreg [dreg:$0x0]  }
0x2: {  	s1 =	rddreg [dreg:$0x1];
	s2 =	srdreg.scid  }
0x3: {  	s3 =	simm.s32 $0x0;
	s10 =	stileid.u32;
	s28 =	simm.s32 $0x300  }
0x4: {  	s30 =	simm.s32 $0x50;
	s2 =	sand.u32 $0x1, s2;
	s6 =	smul.u32 $0x14000, s10  }
0x5: {  	[smem:$0x7FF] =	sst s3;
	s4 =	sadd.s32 $0x21E00, s0;
	s31 =	smul.u32 $0x50000, s10  }
0x6: {  	s7 =	sadd.s32 $0x1E00, s0;
	s12 =	sshll.u32 s10, $0xF;
	s10 =	simm.s32 $0x7C00  }
0x7: {  	s5 =	smul.u32 $0x140000, s2;
	_ =	strace $0x8000004A;
	s8 =	ssub.s32 $0x2, s2  }
0x8: {  	s2 =	sshll.u32 s2, $0x13;
	s9 =	sshrl.u32 s8, $0x1;
	s11 =	sshrl.u32 s31, $0x2  }
0x9: {  	s2 =	sor.u32 s12, s2;
	s12 =	simm.s32 $0x2;
	s5 =	sadd.s32 s6, s5  }
0xa: {  	s8 =	ssub.s32 s8, s9;
	s16 =	sshrl.u32 s2, $0x3;
	s23 =	sor.u32 $0x700, s2  }
0xb: {  	s26 =	sor.u32 $0x600, s2;
	s29 =	sor.u32 $0x500, s2;
	s2 =	sor.u32 $0x400, s2  }
0xc: {  	s9 =	simm.s32 $0x8;
	s5 =	sshrl.u32 s5, $0x3;
	s6 =	sadd.s32 s7, s16  }
0xd: {  	s24 =	smax.u32 s8, $0x1;
	s25 =	sshrl.u32 s23, $0x3;
	[dreg:$0x8] =	wrdreg s6  }
0xe: {  	s31 =	sshrl.u32 s2, $0x3;
	s21 =	sadd.s32 $0x20, s6;
	[dreg:$0xf] =	wrdreg s24  }
0xf: {  	s0 =	sadd.s32 s5, s0;
	s22 =	sadd.s32 $0x40, s6;
	[dreg:$0xb] =	wrdreg s21  }
0x10: {  	s5 =	sadd.s32 s11, s1;
	s6 =	sadd.s32 $0x60, s6;
	[dreg:$0xc] =	wrdreg s22  }
0x11: {  	s23 =	simm.s32 $0x400;
	s13 =	sadd.s32 $0x2800, s5;
	[dreg:$0xd] =	wrdreg s6  }
0x12: {  	s2 =	simm.s32 $0x7;
	s14 =	sadd.s32 $0x5000, s5;
	[dreg:$0x3] =	wrdreg s13  }
0x13: {  	s8 =	simm.s32 $0x80;
	s15 =	sadd.s32 $0x7800, s5;
	[dreg:$0x4] =	wrdreg s14  }
0x14: {  	s16 =	simm.s32 $0x0;
	s17 =	sadd.s32 $0xA000, s5;
	[dreg:$0x5] =	wrdreg s15  }
0x15: {  	s24 =	simm.s32 $0x9;
	s18 =	sadd.s32 $0xC800, s5;
	[dreg:$0x6] =	wrdreg s17  }
0x16: {  	s19 =	sadd.s32 $0xF000, s5;
	s20 =	sadd.s32 $0x11800, s5;
	[dreg:$0x7] =	wrdreg s18  }
0x17: {  	s0 =	sadd.s32 $0x49000, s0;
	s6 =	sshrl.u32 s29, $0x3;
	[dreg:$0x9] =	wrdreg s19  }
.Ltmp0:
0x18: {  	s22 =	sadd.s32 s31, s7;
	[dreg:$0xa] =	wrdreg s20;
	(pc) =	sbr.rel .LBB2_1-.Ltmp0, $4  }
0x19: {  	[dreg:$0xe] =	wrdreg s0;
	s19 =	sadd.s32 s25, s7;
	s0 =	sshrl.u32 s26, $0x3  }
0x1a: {  	s21 =	sadd.s32 s6, s7;
	s26 =	simm.s32 $0x200;
	s6 =	simm.s32 $0x5400  }
0x1b: {  	s13 =	simm.s32 $0x180;
	s14 =	simm.s32 $0x4;
	s15 =	simm.s32 $0x380  }
0x1c: {  	v0 =	vimm.f32 $0.0e+00;
	s20 =	sadd.s32 s0, s7;
	s0 =	simm.s32 $0x2C00;
	s7 =	simm.s32 $0x1  }
.LBB2_6:
0x1d: {  	s11 =	stileid.u32  }
0x1e: {  	[bflag:$0x0] =	sbarrier.arrive $0xFFFF;
	s11 =	sshll.u32 s11, $0x6  }
0x1f: {  	s17 =	sshrl.u32 s5, $0x3;
	s18 =	rddreg [dreg:$0xe];
	s11 =	sor.u32 $0x1C09, s11  }
0x20: {  	[hbm:s18], [sflag:s11] =	dma.local [spmem:s17], $0x2800  }
0x21: {  	_ =	swait.ge [sflag:s24], $0x2800  }
0x22: {  	s16 =	sadd.s32 $0x1, s16;
	s31 =	rddreg [dreg:$0xf]  }
0x23: {  	p0 =	sne.s32 s16, s31  }
.Ltmp1:
0x24: {  	_ = 	snop;
	(pc) =	sbr.rel @!p0 .LBB2_7-.Ltmp1, $3  }
0x25: {  	_ =	sdelay $0x1  }
0x26: {  	[sflag:s24] =	ssyncset.done $0x0  }
0x27: {  	[sflag:s24] =	ssyncadd.s32 $0xFFFFD800  }
.LBB2_1:
0x28: {  	s17 =	sand.u32 $0xFE00, s3  }
0x29: {  	s18 =	sand.u32 $0x70, s3;
	s25 =	sshrl.u32 s17, $0x2  }
0x2a: {  	s17 =	simm.s32 $0x40;
	s25 =	sor.u32 s18, s25;
	s18 =	simm.s32 $0x0  }
.LBB2_2:
0x2b: {  	p0 =	sne.s32 s17, $0x9FC0  }
0x2c: {  	[tilespmem:s25+$0x400] =	vst v0;
	s18 =	sadd.s32 $0x10, s18;
	s25 =	smov.u32 s17;
	s17 =	sadd.s32 $0x40, s17  }
.Ltmp2:
0x2d: {  	(pc) =	sbr.rel @p0 .LBB2_2-.Ltmp2, $4  }
0x2e: {  	_ = 	snop  }
0x2f: {  	s25 =	sand.u32 $0xFE00, s25  }
0x30: {  	s11 =	sand.u32 $0x70, s18;
	s25 =	sshrl.u32 s25, $0x2  }
0x31: {  	s25 =	sor.u32 s11, s25  }
0x32: {  	[tilespmem:s25+$0x400] =	vst v0  }
0x33: {  	[spmem:s5] =	stream.linear.scatter [tilespmem:s23], [sflag:$0x9], $0x2800, $0x38;
	[tilespmem:$0x1E400] =	vst v63  }
0x34: {  	_ =	swait.ge [sflag:s24], $0x2800  }
0x35: {  	[sflag:s24] =	ssyncset.done $0x0  }
0x36: {  	s11 =	rddreg [dreg:$0x3];
	[sflag:s24] =	ssyncadd.s32 $0xFFFFD800  }
0x37: {  	[spmem:s11] =	stream.linear.scatter [tilespmem:s23], [sflag:$0x9], $0x2800, $0x38;
	[tilespmem:$0x1E400] =	vst v63  }
0x38: {  	_ =	swait.ge [sflag:s24], $0x2800  }
0x39: {  	[sflag:s24] =	ssyncset.done $0x0  }
0x3a: {  	s18 =	rddreg [dreg:$0x4];
	[sflag:s24] =	ssyncadd.s32 $0xFFFFD800  }
0x3b: {  	[spmem:s18] =	stream.linear.scatter [tilespmem:s23], [sflag:$0x9], $0x2800, $0x38;
	[tilespmem:$0x1E400] =	vst v63  }
0x3c: {  	_ =	swait.ge [sflag:s24], $0x2800  }
0x3d: {  	[sflag:s24] =	ssyncset.done $0x0  }
0x3e: {  	s25 =	rddreg [dreg:$0x5];
	[sflag:s24] =	ssyncadd.s32 $0xFFFFD800  }
0x3f: {  	[spmem:s25] =	stream.linear.scatter [tilespmem:s23], [sflag:$0x9], $0x2800, $0x38;
	[tilespmem:$0x1E400] =	vst v63  }
0x40: {  	_ =	swait.ge [sflag:s24], $0x2800  }
0x41: {  	[sflag:s24] =	ssyncset.done $0x0  }
0x42: {  	s29 =	rddreg [dreg:$0x6];
	[sflag:s24] =	ssyncadd.s32 $0xFFFFD800  }
0x43: {  	[spmem:s29] =	stream.linear.scatter [tilespmem:s23], [sflag:$0x9], $0x2800, $0x38;
	[tilespmem:$0x1E400] =	vst v63  }
0x44: {  	_ =	swait.ge [sflag:s24], $0x2800  }
0x45: {  	[sflag:s24] =	ssyncset.done $0x0  }
0x46: {  	s31 =	rddreg [dreg:$0x7];
	[sflag:s24] =	ssyncadd.s32 $0xFFFFD800  }
0x47: {  	[spmem:s31] =	stream.linear.scatter [tilespmem:s23], [sflag:$0x9], $0x2800, $0x38;
	[tilespmem:$0x1E400] =	vst v63  }
0x48: {  	_ =	swait.ge [sflag:s24], $0x2800  }
0x49: {  	[sflag:s24] =	ssyncset.done $0x0  }
0x4a: {  	s17 =	rddreg [dreg:$0x9];
	[sflag:s24] =	ssyncadd.s32 $0xFFFFD800  }
0x4b: {  	[spmem:s17] =	stream.linear.scatter [tilespmem:s23], [sflag:$0x9], $0x2800, $0x38;
	[tilespmem:$0x1E400] =	vst v63  }
0x4c: {  	_ =	swait.ge [sflag:s24], $0x2800  }
0x4d: {  	[sflag:s24] =	ssyncset.done $0x0  }
0x4e: {  	s18 =	rddreg [dreg:$0xa];
	[sflag:s24] =	ssyncadd.s32 $0xFFFFD800  }
0x4f: {  	[spmem:s18] =	stream.linear.scatter [tilespmem:s23], [sflag:$0x9], $0x2800, $0x38;
	[tilespmem:$0x1E400] =	vst v63  }
0x50: {  	_ =	swait.ge [sflag:s24], $0x2800  }
0x51: {  	[sflag:s24] =	ssyncset.done $0x0  }
0x52: {  	s17 =	simm.s32 $0x0;
	s25 =	rddreg [dreg:$0x8];
	[sflag:s24] =	ssyncadd.s32 $0xFFFFD800  }
0x53: {  	[tilespmem:s17], [sflag:$0x5] =	stream.linear.gather [hbm4b:s25+s17], $0x100, $0x38;
	[tilespmem:$0x1E400] =	vst v63  }
0x54: {  	s18 =	simm.s32 $0x100;
	s29 =	rddreg [dreg:$0xb]  }
0x55: {  	[tilespmem:s18], [sflag:$0x6] =	stream.linear.gather [hbm4b:s29+s17], $0x100, $0x38;
	[tilespmem:$0x1E400] =	vst v63  }
0x56: {  	s31 =	rddreg [dreg:$0xc]  }
0x57: {  	[tilespmem:s26], [sflag:$0x7] =	stream.linear.gather [hbm4b:s31+s17], $0x100, $0x38;
	[tilespmem:$0x1E400] =	vst v63  }
0x58: {  	s25 =	rddreg [dreg:$0xd];
	s29 =	simm.s32 $0x5  }
0x59: {  	[tilespmem:s28], [sflag:$0x8] =	stream.linear.gather [hbm4b:s25+s17], $0x100, $0x38;
	[tilespmem:$0x1E400] =	vst v63  }
0x5a: {  	_ =	swait.ge [sflag:s29], $0x100  }
0x5b: {  	[sflag:s29] =	ssyncset.done $0x0  }
0x5c: {  	s31 =	simm.s32 $0x6;
	[sflag:s29] =	ssyncadd.s32 $0xFFFFFF00  }
0x5d: {  	[tilespmem:s23], [sflag:$0x1] =	stream.indirect.gather [hbm4b:s4+s30], $0x80, s17, s30, $0xb8;
	[tilespmem:$0x1E400] =	vst v63  }
0x5e: {  	_ =	swait.ge [sflag:s31], $0x100  }
0x5f: {  	[sflag:s31] =	ssyncset.done $0x0  }
0x60: {  	[sflag:s31] =	ssyncadd.s32 $0xFFFFFF00  }
0x61: {  	[tilespmem:s0], [sflag:$0x2] =	stream.indirect.gather [hbm4b:s4+s30], $0x80, s18, s30, $0xb8;
	[tilespmem:$0x1E400] =	vst v63  }
0x62: {  	_ =	swait.ge [sflag:s2], $0x100  }
0x63: {  	[sflag:s2] =	ssyncset.done $0x0  }
0x64: {  	[sflag:s2] =	ssyncadd.s32 $0xFFFFFF00  }
0x65: {  	[tilespmem:s6], [sflag:$0x3] =	stream.indirect.gather [hbm4b:s4+s30], $0x80, s26, s30, $0xb8;
	[tilespmem:$0x1E400] =	vst v63  }
0x66: {  	[bflag:$0x0] =	sbarrier.arrive $0xFFFF  }
.LBB2_4:
0x67: {  	_ =	swait.ge [sflag:s7], $0x2800  }
0x68: {  	[sflag:s7] =	ssyncset.done $0x0  }
0x69: {  	[sflag:s7] =	ssyncadd.s32 $0xFFFFD800  }
0x6a: {  	[spmem:s1] =	stream.indirect.scatter.add.f32 [tilespmem:s23], [sflag:$0x9], $0x80, s8, s30, $0xb8;
	[tilespmem:$0x1E400] =	vst v63  }
0x6b: {  	_ =	swait.ge [sflag:s24], $0x2800  }
0x6c: {  	p0 =	seq.s32 s17, $0xF80;
	[sflag:s24] =	ssyncset.done $0x0  }
0x6d: {  	s11 =	sadd.s32 @!p0 s17, s22;
	s18 =	simm.s32 @!p0 $0x0;
	[sflag:s24] =	ssyncadd.s32 $0xFFFFD800  }
0x6e: {  	[tilespmem:s18], [sflag:$0x5] =	stream.linear.gather @!p0 [hbm4b:s11+s18], $0x100, $0x38;
	[tilespmem:$0x1E400] =	vst v63  }
0x6f: {  	_ =	swait.ge [sflag:s9], $0x100  }
0x70: {  	[sflag:s9] =	ssyncset.done $0x0  }
0x71: {  	[sflag:s9] =	ssyncadd.s32 $0xFFFFFF00  }
0x72: {  	[tilespmem:s10], [sflag:$0x4] =	stream.indirect.gather [hbm4b:s4+s30], $0x80, s28, s30, $0xb8;
	[tilespmem:$0x1E400] =	vst v63  }
0x73: {  	_ =	swait.ge [sflag:s12], $0x2800  }
0x74: {  	[sflag:s12] =	ssyncset.done $0x0  }
0x75: {  	[sflag:s12] =	ssyncadd.s32 $0xFFFFD800  }
0x76: {  	[spmem:s1] =	stream.indirect.scatter.add.f32 [tilespmem:s0], [sflag:$0x9], $0x80, s13, s30, $0xb8;
	[tilespmem:$0x1E400] =	vst v63  }
0x77: {  	_ =	swait.ge [sflag:s24], $0x2800  }
0x78: {  	[sflag:s24] =	ssyncset.done $0x0  }
0x79: {  	s11 =	simm.s32 @p0 $0x3;
	[sflag:s24] =	ssyncadd.s32 $0xFFFFD800  }
0x7a: {  	_ =	swait.ge @p0 [sflag:s11], $0x2800  }
0x7b: {  	s25 =	simm.s32 @p0 $0x280;
	[sflag:s11] =	ssyncset.done @p0 $0x0  }
0x7c: {  	s29 =	simm.s32 @p0 $0x5400;
	[sflag:s11] =	ssyncadd.s32 @p0 $0xFFFFD800;
	s11 =	simm.s32 @p0 $0x50  }
0x7d: {  	[spmem:s1] =	stream.indirect.scatter.add.f32 @p0 [tilespmem:s29], [sflag:$0x9], $0x80, s25, s11, $0xb8;
	[tilespmem:$0x1E400] =	vst v63  }
0x7e: {  	s11 =	simm.s32 @p0 $0x9  }
0x7f: {  	_ =	swait.ge @p0 [sflag:s11], $0x2800  }
0x80: {  	[sflag:s11] =	ssyncset.done @p0 $0x0  }
0x81: {  	s25 =	simm.s32 @!p0 $0x100;
	[sflag:s11] =	ssyncadd.s32 @p0 $0xFFFFD800;
	s11 =	sadd.s32 @!p0 s17, s21  }
0x82: {  	[tilespmem:s25], [sflag:$0x6] =	stream.linear.gather @!p0 [hbm4b:s11+s18], $0x100, $0x38;
	[tilespmem:$0x1E400] =	vst v63  }
0x83: {  	s11 =	simm.s32 @!p0 $0x5  }
0x84: {  	_ =	swait.ge @!p0 [sflag:s11], $0x100  }
0x85: {  	[sflag:s11] =	ssyncset.done @!p0 $0x0  }
0x86: {  	s29 =	simm.s32 @!p0 $0x400;
	[sflag:s11] =	ssyncadd.s32 @!p0 $0xFFFFFF00;
	s11 =	simm.s32 @!p0 $0x50  }
0x87: {  	[tilespmem:s29], [sflag:$0x1] =	stream.indirect.gather @!p0 [hbm4b:s4+s11], $0x80, s18, s11, $0xb8;
	[tilespmem:$0x1E400] =	vst v63  }
0x88: {  	s29 =	simm.s32 @!p0 $0x3  }
0x89: {  	_ =	swait.ge @!p0 [sflag:s29], $0x2800  }
0x8a: {  	[sflag:s29] =	ssyncset.done @!p0 $0x0  }
0x8b: {  	s31 =	simm.s32 @!p0 $0x5400;
	[sflag:s29] =	ssyncadd.s32 @!p0 $0xFFFFD800;
	s29 =	simm.s32 @!p0 $0x280  }
0x8c: {  	[spmem:s1] =	stream.indirect.scatter.add.f32 @!p0 [tilespmem:s31], [sflag:$0x9], $0x80, s29, s11, $0xb8;
	[tilespmem:$0x1E400] =	vst v63  }
0x8d: {  	s29 =	simm.s32 @!p0 $0x9  }
0x8e: {  	_ =	swait.ge @!p0 [sflag:s29], $0x2800  }
0x8f: {  	[sflag:s29] =	ssyncset.done @!p0 $0x0  }
0x90: {  	s31 =	simm.s32 @!p0 $0x200;
	[sflag:s29] =	ssyncadd.s32 @!p0 $0xFFFFD800;
	s29 =	sadd.s32 @!p0 s17, s20  }
0x91: {  	[tilespmem:s31], [sflag:$0x7] =	stream.linear.gather @!p0 [hbm4b:s29+s18], $0x100, $0x38;
	[tilespmem:$0x1E400] =	vst v63  }
0x92: {  	s18 =	simm.s32 @!p0 $0x6  }
0x93: {  	_ =	swait.ge @!p0 [sflag:s18], $0x100  }
0x94: {  	[sflag:s18] =	ssyncset.done @!p0 $0x0  }
0x95: {  	[sflag:s18] =	ssyncadd.s32 @!p0 $0xFFFFFF00;
	s18 =	simm.s32 @!p0 $0x2C00  }
0x96: {  	[tilespmem:s18], [sflag:$0x2] =	stream.indirect.gather @!p0 [hbm4b:s4+s11], $0x80, s25, s11, $0xb8;
	[tilespmem:$0x1E400] =	vst v63  }
0x97: {  	_ =	swait.ge [sflag:s14], $0x2800  }
0x98: {  	[sflag:s14] =	ssyncset.done $0x0  }
.Ltmp3:
0x99: {  	[sflag:s14] =	ssyncadd.s32 $0xFFFFD800;
	(pc) =	sbr.rel @p0 .LBB2_6-.Ltmp3, $4  }
0x9a: {  	[spmem:s1] =	stream.indirect.scatter.add.f32 [tilespmem:s10], [sflag:$0x9], $0x80, s15, s30, $0xb8;
	[tilespmem:$0x1E400] =	vst v63  }
0x9b: {  	_ =	swait.ge [sflag:s24], $0x2800  }
0x9c: {  	[sflag:s24] =	ssyncset.done $0x0  }
0x9d: {  	[sflag:s24] =	ssyncadd.s32 $0xFFFFD800  }
0x9e: {  	s11 =	sadd.s32 s17, s19  }
0x9f: {  	[tilespmem:s28], [sflag:$0x8] =	stream.linear.gather [hbm4b:s11+s3], $0x100, $0x38;
	[tilespmem:$0x1E400] =	vst v63  }
.Ltmp4:
0xa0: {  	_ = 	snop;
	(pc) =	sbr.rel .LBB2_4-.Ltmp4, $4  }
0xa1: {  	_ =	swait.ge [sflag:s2], $0x100  }
0xa2: {  	[sflag:s2] =	ssyncset.done $0x0  }
0xa3: {  	s17 =	sadd.s32 $0x80, s17;
	[sflag:s2] =	ssyncadd.s32 $0xFFFFFF00  }
0xa4: {  	[tilespmem:s6], [sflag:$0x3] =	stream.indirect.gather [hbm4b:s4+s30], $0x80, s26, s30, $0xb8;
	[tilespmem:$0x1E400] =	vst v63  }
.LBB2_7:
0xa5: {  	_ =	sfence.sel $0x180000  }
0xa6: {  	[bflag:$0x0] =	sbarrier.arrive $0xFFFF  }
0xa7: {  	_ =	strace $0x9000004A  }
0xa8: {  	s0 =	stileid.u32;
	[bflag:$0x2] =	sbarrier.arrive $0xFFFF  }
0xa9: {  	p0 =	sne.s32 s0, $0x0;
	s0 =	rddreg [dreg:$0x2]  }
0xaa: {  	s0 =	sadd.s32 @!p0 $0x100000, s0  }
0xab: {  	[sflag:s0] =	ssyncadd.tile.s32 @!p0 $0x1;
	_ =	shalt  }
.Lfunc_end2:
_tile_overlayer_lowered:
.L_overlay_start_2:
0xac: {  	(tag) =	ssettag $0x2  }
0xad: {  	s0 =	rddreg [dreg:$0x0];
	s2 =	stileid.u32  }
0xae: {  	s1 =	rddreg [dreg:$0x1];
	p0 =	sne.s32 s2, $0x0  }
0xaf: {  	s3 =	rddreg [dreg:$0x2];
	[bflag:$0x3] =	sbarrier.arrive $0xFFFF;
	s2 =	simm.s32 @!p0 $0x1C09  }
0xb0: {  	[timem:s3], [sflag:s2] =	dma.local @!p0 [hbm:s0], s1  }
0xb1: {  	s0 =	simm.s32 @!p0 $0x9  }
0xb2: {  	_ =	swait.ge @!p0 [sflag:s0], s1  }
0xb3: {  	s1 =	ssub.s32 @!p0 $0x0, s1;
	[sflag:s0] =	ssyncset.done @!p0 $0x0  }
0xb4: {  	[sflag:s0] =	ssyncadd.s32 @!p0 s1  }
0xb5: {  	[bflag:$0x3] =	sbarrier.arrive $0xFFFF  }
0xb6: {  	_ =	shalt  }

</sc_bundles>
